<compile_context>
chip_gen: v7x
topology: tpu7x:2x2x1
jax: 0.10.2.dev20260603
libtpu: 0.0.44.dev20260713+nightly
codegen_flags: <defaults>
</compile_context>

<pallas_src>
import functools

import jax
import jax.numpy as jnp
from jax import lax
from jax.experimental import pallas as pl
from jax.experimental.pallas import tpu as pltpu
from jax.experimental.pallas import tpu_sc as plsc

ETA = 0.8
GAMMA = 0.8

GRID_L = 1024
N_ROWS = GRID_L * GRID_L
PLANE = 2 * N_ROWS
NUM_CORES = 2
NUM_SUBCORES = 16
NW = NUM_CORES * NUM_SUBCORES
ROWS_PER_W = N_ROWS // NW
CHUNK = 8192
NCHUNK = ROWS_PER_W // CHUNK
GROUPS = CHUNK // 16

_MESH = plsc.VectorSubcoreMesh(
    core_axis_name="c", subcore_axis_name="s",
    num_cores=NUM_CORES, num_subcores=NUM_SUBCORES)

_SET = [
    pltpu.VMEM((CHUNK * 2,), jnp.float32),
    pltpu.VMEM((CHUNK * 2,), jnp.float32),
    pltpu.VMEM((CHUNK,), jnp.int32),
    pltpu.VMEM((CHUNK,), jnp.int32),
    pltpu.VMEM((CHUNK,), jnp.float32),
]


@functools.partial(
    pl.kernel,
    out_type=jax.ShapeDtypeStruct((N_ROWS * 4,), jnp.float32),
    mesh=_MESH,
    compiler_params=pltpu.CompilerParams(needs_layout_passes=False),
    scratch_types=_SET + _SET + [
        pltpu.SemaphoreType.DMA,
        pltpu.SemaphoreType.DMA,
        pltpu.SemaphoreType.DMA,
        pltpu.SemaphoreType.DMA,
        pltpu.SemaphoreType.DMA,
        pltpu.SemaphoreType.DMA,
        pltpu.SemaphoreType.DMA,
        pltpu.SemaphoreType.DMA,
        pltpu.SemaphoreType.DMA,
        pltpu.SemaphoreType.DMA,
    ],
)
def _spgg_update(a_hbm, b_hbm, p_hbm, q_hbm, out_hbm,
                 q0a, q1a, aa, ba, pa, q0b, q1b, ab, bb, pb,
                 sing0, sing1, sq00, sq01, sq10, sq11,
                 so00, so01, so10, so11):
    wid = lax.axis_index("s") * NUM_CORES + lax.axis_index("c")
    bufs = [(q0a, q1a, aa, ba, pa, sing0, (sq00, sq01), (so00, so01)),
            (q0b, q1b, ab, bb, pb, sing1, (sq10, sq11), (so10, so11))]
    HALF = CHUNK

    def start_in_grid(ci):
        _, _, a_v, b_v, p_v, sing, _, _ = bufs[ci % 2]
        cbase = wid * ROWS_PER_W + ci * CHUNK
        return [
            pltpu.async_copy(a_hbm.at[pl.ds(cbase, CHUNK)], a_v, sing),
            pltpu.async_copy(b_hbm.at[pl.ds(cbase, CHUNK)], b_v, sing),
            pltpu.async_copy(p_hbm.at[pl.ds(cbase, CHUNK)], p_v, sing),
        ]

    def start_in_q(ci, h):
        q0_v, q1_v, _, _, _, _, sq, _ = bufs[ci % 2]
        cbase = wid * ROWS_PER_W + ci * CHUNK
        off = 2 * cbase + h * HALF
        return [
            pltpu.async_copy(q_hbm.at[pl.ds(off, HALF)],
                             q0_v.at[pl.ds(h * HALF, HALF)], sq[h]),
            pltpu.async_copy(q_hbm.at[pl.ds(PLANE + off, HALF)],
                             q1_v.at[pl.ds(h * HALF, HALF)], sq[h]),
        ]

    def start_out(ci, h):
        q0_v, q1_v, _, _, _, _, _, so = bufs[ci % 2]
        cbase = wid * ROWS_PER_W + ci * CHUNK
        off = 2 * cbase + h * HALF
        return [
            pltpu.async_copy(q0_v.at[pl.ds(h * HALF, HALF)],
                             out_hbm.at[pl.ds(off, HALF)], so[h]),
            pltpu.async_copy(q1_v.at[pl.ds(h * HALF, HALF)],
                             out_hbm.at[pl.ds(PLANE + off, HALF)], so[h]),
        ]

    def compute(ci, h):
        q0_v, q1_v, a_v, b_v, p_v, _, _, _ = bufs[ci % 2]

        @plsc.parallel_loop(h * GROUPS // 2, (h + 1) * GROUPS // 2, 1, unroll=2)
        def group_body(g):
            rsub = g >> 6
            colblk = (g >> 3) & 7
            lblk = g & 7
            go = colblk * 1024 + rsub * 128 + lblk * 16
            qo = rsub * 2048 + colblk * 256 + lblk * 16
            a = a_v[pl.ds(go, 16)]
            b = b_v[pl.ds(go, 16)]
            p_f = p_v[pl.ds(go, 16)]
            q00 = q0_v[pl.ds(qo, 16)]
            q01 = q0_v[pl.ds(qo + 128, 16)]
            q10 = q1_v[pl.ds(qo, 16)]
            q11 = q1_v[pl.ds(qo + 128, 16)]
            a0 = a == 0
            b0 = b == 0
            m = jnp.where(b0, jnp.maximum(q00, q01), jnp.maximum(q10, q11))
            old = jnp.where(a0, jnp.where(b0, q00, q01),
                            jnp.where(b0, q10, q11))
            upd = (1.0 - ETA) * old + ETA * (p_f + GAMMA * m)
            na0 = jnp.logical_not(a0)
            nb0 = jnp.logical_not(b0)
            q0_v[pl.ds(qo, 16)] = jnp.where(a0 & b0, upd, q00)
            q0_v[pl.ds(qo + 128, 16)] = jnp.where(a0 & nb0, upd, q01)
            q1_v[pl.ds(qo, 16)] = jnp.where(na0 & b0, upd, q10)
            q1_v[pl.ds(qo + 128, 16)] = jnp.where(na0 & nb0, upd, q11)

    grid_flight, q_flight, out_flight = {}, {}, {}
    grid_flight[0] = start_in_grid(0)
    q_flight[(0, 0)] = start_in_q(0, 0)
    q_flight[(0, 1)] = start_in_q(0, 1)
    for ci in range(NCHUNK):
        if ci + 1 < NCHUNK:
            if ci - 1 >= 0:
                for hh in (0, 1):
                    for hd in out_flight.pop((ci - 1, hh)):
                        hd.wait()
            grid_flight[ci + 1] = start_in_grid(ci + 1)
            q_flight[(ci + 1, 0)] = start_in_q(ci + 1, 0)
            q_flight[(ci + 1, 1)] = start_in_q(ci + 1, 1)
        for hd in grid_flight.pop(ci):
            hd.wait()
        for hh in (0, 1):
            for hd in q_flight.pop((ci, hh)):
                hd.wait()
            compute(ci, hh)
            out_flight[(ci, hh)] = start_out(ci, hh)
    for key in sorted(out_flight):
        for hd in out_flight[key]:
            hd.wait()


def kernel(type_t_matrix, type_t1_matrix, Q_tensor, profit_matrix):
    a_raw = type_t_matrix.reshape(128, 8, 8, 128).transpose(0, 2, 1, 3).reshape(-1)
    b_raw = type_t1_matrix.reshape(128, 8, 8, 128).transpose(0, 2, 1, 3).reshape(-1)
    p_raw = profit_matrix.reshape(128, 8, 8, 128).transpose(0, 2, 1, 3).reshape(-1)
    q_raw = Q_tensor.reshape(8192, 128, 2, 2).transpose(2, 0, 3, 1).reshape(-1)
    out_raw = _spgg_update(a_raw, b_raw, p_raw, q_raw)
    return (out_raw.reshape(2, 8192, 2, 128).transpose(1, 3, 0, 2)
            .reshape(N_ROWS, 2, 2))

# --- scband reference (transcript-rebuilt; emitter-appended) ---
"""Pipeline reference for scband-spgg-qlearning-48095043781081 (READ-ONLY COPY).

The authoritative reference and input builder live on the scoring server;
editing this copy changes nothing except your own understanding.
"""

import jax, jax.numpy as jnp
import numpy as np

L = 1024
ETA = 0.8
GAMMA = 0.8

def setup_inputs(seed: int = 0) -> dict:
    key = jax.random.key(seed)
    k1, k2, k3, k4 = jax.random.split(key, 4)
    type_t_matrix = jax.random.randint(k1, (L, L), 0, 2, dtype=jnp.int32)
    type_t1_matrix = jax.random.randint(k2, (L, L), 0, 2, dtype=jnp.int32)
    Q_tensor = jax.random.normal(k3, (L * L, 2, 2), dtype=jnp.float32)
    profit_matrix = jax.random.normal(k4, (L, L), dtype=jnp.float32)
    return {"type_t_matrix": type_t_matrix, "type_t1_matrix": type_t1_matrix,
            "Q_tensor": Q_tensor, "profit_matrix": profit_matrix}

def reference(type_t_matrix, type_t1_matrix, Q_tensor, profit_matrix):
    # Faithful translation of SPGG_Qlearning.updateQMatrix (the core scatter-memory op):
    # Q[c, a, b] = (1-eta)*Q[c, a, b] + eta*(profit[c] + gamma * max_b' Q[c, b, b'])
    N = type_t_matrix.size
    C_indices = jnp.arange(N)
    A_indices = type_t_matrix.reshape(-1)
    B_indices = type_t1_matrix.reshape(-1)
    # gather rows Q[C, B, :] -> [N, 2], max over last dim -> [N]
    max_values = jnp.max(Q_tensor[C_indices, B_indices, :], axis=1)
    # gather scalar entries Q[C, A, B] -> [N]
    old_vals = Q_tensor[C_indices, A_indices, B_indices]
    update_values = (1.0 - ETA) * old_vals + ETA * (profit_matrix.reshape(-1) + GAMMA * max_values)
    # scatter-overwrite back into the Q table
    Q_new = Q_tensor.at[C_indices, A_indices, B_indices].set(update_values)
    return Q_new

if __name__ == "__main__":
    import jax
    _d = setup_inputs()
    print(jax.jit(kernel)(*tuple(_d.values())))

</pallas_src>

<mosaic_0001>
#map = affine_map<(d0, d1) -> (0)>
module attributes {stable_mosaic.version = 14 : i64} {
  func.func @_spgg_update(%arg0: i32, %arg1: i32, %arg2: memref<1048576xi32, #tpu.memory_space<hbm>>, %arg3: memref<1048576xi32, #tpu.memory_space<hbm>>, %arg4: memref<1048576xf32, #tpu.memory_space<hbm>>, %arg5: memref<4194304xf32, #tpu.memory_space<hbm>>, %arg6: memref<4194304xf32, #tpu.memory_space<hbm>>, %arg7: memref<16384xf32, #tpu.memory_space<vmem>>, %arg8: memref<16384xf32, #tpu.memory_space<vmem>>, %arg9: memref<8192xi32, #tpu.memory_space<vmem>>, %arg10: memref<8192xi32, #tpu.memory_space<vmem>>, %arg11: memref<8192xf32, #tpu.memory_space<vmem>>, %arg12: memref<16384xf32, #tpu.memory_space<vmem>>, %arg13: memref<16384xf32, #tpu.memory_space<vmem>>, %arg14: memref<8192xi32, #tpu.memory_space<vmem>>, %arg15: memref<8192xi32, #tpu.memory_space<vmem>>, %arg16: memref<8192xf32, #tpu.memory_space<vmem>>, %arg17: memref<!tpu.dma_semaphore, #tpu.memory_space<semaphore_mem>>, %arg18: memref<!tpu.dma_semaphore, #tpu.memory_space<semaphore_mem>>, %arg19: memref<!tpu.dma_semaphore, #tpu.memory_space<semaphore_mem>>, %arg20: memref<!tpu.dma_semaphore, #tpu.memory_space<semaphore_mem>>, %arg21: memref<!tpu.dma_semaphore, #tpu.memory_space<semaphore_mem>>, %arg22: memref<!tpu.dma_semaphore, #tpu.memory_space<semaphore_mem>>, %arg23: memref<!tpu.dma_semaphore, #tpu.memory_space<semaphore_mem>>, %arg24: memref<!tpu.dma_semaphore, #tpu.memory_space<semaphore_mem>>, %arg25: memref<!tpu.dma_semaphore, #tpu.memory_space<semaphore_mem>>, %arg26: memref<!tpu.dma_semaphore, #tpu.memory_space<semaphore_mem>>) attributes {dimension_semantics = [#tpu.dimension_semantics<core_parallel>, #tpu.dimension_semantics<subcore_parallel>], iteration_bounds = array<i64: 2, 16>, scalar_prefetch = 0 : i64, scratch_operands = 20 : i64, tpu.core_type = #tpu.core_type<sc_vector_subcore>, window_params = [{transform_indices = #map}, {transform_indices = #map}, {transform_indices = #map}, {transform_indices = #map}, {transform_indices = #map}]} {
    %mul3A = arith.constant 2 : i32
    %mul3A_0 = arith.muli %arg1, %mul3A : i32
    %add3A = arith.addi %mul3A_0, %arg0 : i32
    %mul3A_1 = arith.constant 32768 : i32
    %mul3A_2 = arith.muli %add3A, %mul3A_1 : i32
    %add3A_3 = arith.constant 0 : i32
    %add3A_4 = arith.addi %mul3A_2, %add3A_3 : i32
    %dma_start3A = tpu.memref_slice %arg2[%add3A_4] : memref<1048576xi32, #tpu.memory_space<hbm>> -> memref<8192xi32, #tpu.memory_space<hbm>>
    %dma_start3A_5 = tpu.memref_slice %arg2[%add3A_4] : memref<1048576xi32, #tpu.memory_space<hbm>> -> memref<8192xi32, #tpu.memory_space<hbm>>
    tpu.enqueue_dma source(%dma_start3A_5 : memref<8192xi32, #tpu.memory_space<hbm>>) target(%arg9 : memref<8192xi32, #tpu.memory_space<vmem>>) target_semaphore(%arg17 : memref<!tpu.dma_semaphore, #tpu.memory_space<semaphore_mem>>)
    %dma_start3A_6 = tpu.memref_slice %arg3[%add3A_4] : memref<1048576xi32, #tpu.memory_space<hbm>> -> memref<8192xi32, #tpu.memory_space<hbm>>
    %dma_start3A_7 = tpu.memref_slice %arg3[%add3A_4] : memref<1048576xi32, #tpu.memory_space<hbm>> -> memref<8192xi32, #tpu.memory_space<hbm>>
    tpu.enqueue_dma source(%dma_start3A_7 : memref<8192xi32, #tpu.memory_space<hbm>>) target(%arg10 : memref<8192xi32, #tpu.memory_space<vmem>>) target_semaphore(%arg17 : memref<!tpu.dma_semaphore, #tpu.memory_space<semaphore_mem>>)
    %dma_start3A_8 = tpu.memref_slice %arg4[%add3A_4] : memref<1048576xf32, #tpu.memory_space<hbm>> -> memref<8192xf32, #tpu.memory_space<hbm>>
    %dma_start3A_9 = tpu.memref_slice %arg4[%add3A_4] : memref<1048576xf32, #tpu.memory_space<hbm>> -> memref<8192xf32, #tpu.memory_space<hbm>>
    tpu.enqueue_dma source(%dma_start3A_9 : memref<8192xf32, #tpu.memory_space<hbm>>) target(%arg11 : memref<8192xf32, #tpu.memory_space<vmem>>) target_semaphore(%arg17 : memref<!tpu.dma_semaphore, #tpu.memory_space<semaphore_mem>>)
    %mul3A_10 = arith.constant 32768 : i32
    %mul3A_11 = arith.muli %add3A, %mul3A_10 : i32
    %add3A_12 = arith.constant 0 : i32
    %add3A_13 = arith.addi %mul3A_11, %add3A_12 : i32
    %mul3A_14 = arith.constant 2 : i32
    %mul3A_15 = arith.muli %mul3A_14, %add3A_13 : i32
    %add3A_16 = arith.constant 0 : i32
    %add3A_17 = arith.addi %mul3A_15, %add3A_16 : i32
    %dma_start3A_18 = arith.constant 0 : i32
    %dma_start3A_19 = tpu.memref_slice %arg7[%dma_start3A_18] : memref<16384xf32, #tpu.memory_space<vmem>> -> memref<8192xf32, #tpu.memory_space<vmem>>
    %dma_start3A_20 = tpu.memref_slice %arg5[%add3A_17] : memref<4194304xf32, #tpu.memory_space<hbm>> -> memref<8192xf32, #tpu.memory_space<hbm>>
    %dma_start3A_21 = arith.constant 0 : i32
    %dma_start3A_22 = tpu.memref_slice %arg7[%dma_start3A_21] : memref<16384xf32, #tpu.memory_space<vmem>> -> memref<8192xf32, #tpu.memory_space<vmem>>
    %dma_start3A_23 = tpu.memref_slice %arg5[%add3A_17] : memref<4194304xf32, #tpu.memory_space<hbm>> -> memref<8192xf32, #tpu.memory_space<hbm>>
    tpu.enqueue_dma source(%dma_start3A_23 : memref<8192xf32, #tpu.memory_space<hbm>>) target(%dma_start3A_22 : memref<8192xf32, #tpu.memory_space<vmem>>) target_semaphore(%arg19 : memref<!tpu.dma_semaphore, #tpu.memory_space<semaphore_mem>>)
    %add3A_24 = arith.constant 2097152 : i32
    %add3A_25 = arith.addi %add3A_24, %add3A_17 : i32
    %dma_start3A_26 = arith.constant 0 : i32
    %dma_start3A_27 = tpu.memref_slice %arg8[%dma_start3A_26] : memref<16384xf32, #tpu.memory_space<vmem>> -> memref<8192xf32, #tpu.memory_space<vmem>>
    %dma_start3A_28 = tpu.memref_slice %arg5[%add3A_25] : memref<4194304xf32, #tpu.memory_space<hbm>> -> memref<8192xf32, #tpu.memory_space<hbm>>
    %dma_start3A_29 = arith.constant 0 : i32
    %dma_start3A_30 = tpu.memref_slice %arg8[%dma_start3A_29] : memref<16384xf32, #tpu.memory_space<vmem>> -> memref<8192xf32, #tpu.memory_space<vmem>>
    %dma_start3A_31 = tpu.memref_slice %arg5[%add3A_25] : memref<4194304xf32, #tpu.memory_space<hbm>> -> memref<8192xf32, #tpu.memory_space<hbm>>
    tpu.enqueue_dma source(%dma_start3A_31 : memref<8192xf32, #tpu.memory_space<hbm>>) target(%dma_start3A_30 : memref<8192xf32, #tpu.memory_space<vmem>>) target_semaphore(%arg19 : memref<!tpu.dma_semaphore, #tpu.memory_space<semaphore_mem>>)
    %mul3A_32 = arith.constant 32768 : i32
    %mul3A_33 = arith.muli %add3A, %mul3A_32 : i32
    %add3A_34 = arith.constant 0 : i32
    %add3A_35 = arith.addi %mul3A_33, %add3A_34 : i32
    %mul3A_36 = arith.constant 2 : i32
    %mul3A_37 = arith.muli %mul3A_36, %add3A_35 : i32
    %add3A_38 = arith.constant 8192 : i32
    %add3A_39 = arith.addi %mul3A_37, %add3A_38 : i32
    %dma_start3A_40 = arith.constant 8192 : i32
    %dma_start3A_41 = tpu.memref_slice %arg7[%dma_start3A_40] : memref<16384xf32, #tpu.memory_space<vmem>> -> memref<8192xf32, #tpu.memory_space<vmem>>
    %dma_start3A_42 = tpu.memref_slice %arg5[%add3A_39] : memref<4194304xf32, #tpu.memory_space<hbm>> -> memref<8192xf32, #tpu.memory_space<hbm>>
    %dma_start3A_43 = arith.constant 8192 : i32
    %dma_start3A_44 = tpu.memref_slice %arg7[%dma_start3A_43] : memref<16384xf32, #tpu.memory_space<vmem>> -> memref<8192xf32, #tpu.memory_space<vmem>>
    %dma_start3A_45 = tpu.memref_slice %arg5[%add3A_39] : memref<4194304xf32, #tpu.memory_space<hbm>> -> memref<8192xf32, #tpu.memory_space<hbm>>
    tpu.enqueue_dma source(%dma_start3A_45 : memref<8192xf32, #tpu.memory_space<hbm>>) target(%dma_start3A_44 : memref<8192xf32, #tpu.memory_space<vmem>>) target_semaphore(%arg20 : memref<!tpu.dma_semaphore, #tpu.memory_space<semaphore_mem>>)
    %add3A_46 = arith.constant 2097152 : i32
    %add3A_47 = arith.addi %add3A_46, %add3A_39 : i32
    %dma_start3A_48 = arith.constant 8192 : i32
    %dma_start3A_49 = tpu.memref_slice %arg8[%dma_start3A_48] : memref<16384xf32, #tpu.memory_space<vmem>> -> memref<8192xf32, #tpu.memory_space<vmem>>
    %dma_start3A_50 = tpu.memref_slice %arg5[%add3A_47] : memref<4194304xf32, #tpu.memory_space<hbm>> -> memref<8192xf32, #tpu.memory_space<hbm>>
    %dma_start3A_51 = arith.constant 8192 : i32
    %dma_start3A_52 = tpu.memref_slice %arg8[%dma_start3A_51] : memref<16384xf32, #tpu.memory_space<vmem>> -> memref<8192xf32, #tpu.memory_space<vmem>>
    %dma_start3A_53 = tpu.memref_slice %arg5[%add3A_47] : memref<4194304xf32, #tpu.memory_space<hbm>> -> memref<8192xf32, #tpu.memory_space<hbm>>
    tpu.enqueue_dma source(%dma_start3A_53 : memref<8192xf32, #tpu.memory_space<hbm>>) target(%dma_start3A_52 : memref<8192xf32, #tpu.memory_space<vmem>>) target_semaphore(%arg20 : memref<!tpu.dma_semaphore, #tpu.memory_space<semaphore_mem>>)
    %mul3A_54 = arith.constant 32768 : i32
    %mul3A_55 = arith.muli %add3A, %mul3A_54 : i32
    %add3A_56 = arith.constant 8192 : i32
    %add3A_57 = arith.addi %mul3A_55, %add3A_56 : i32
    %dma_start3A_58 = tpu.memref_slice %arg2[%add3A_57] : memref<1048576xi32, #tpu.memory_space<hbm>> -> memref<8192xi32, #tpu.memory_space<hbm>>
    %dma_start3A_59 = tpu.memref_slice %arg2[%add3A_57] : memref<1048576xi32, #tpu.memory_space<hbm>> -> memref<8192xi32, #tpu.memory_space<hbm>>
    tpu.enqueue_dma source(%dma_start3A_59 : memref<8192xi32, #tpu.memory_space<hbm>>) target(%arg14 : memref<8192xi32, #tpu.memory_space<vmem>>) target_semaphore(%arg18 : memref<!tpu.dma_semaphore, #tpu.memory_space<semaphore_mem>>)
    %dma_start3A_60 = tpu.memref_slice %arg3[%add3A_57] : memref<1048576xi32, #tpu.memory_space<hbm>> -> memref<8192xi32, #tpu.memory_space<hbm>>
    %dma_start3A_61 = tpu.memref_slice %arg3[%add3A_57] : memref<1048576xi32, #tpu.memory_space<hbm>> -> memref<8192xi32, #tpu.memory_space<hbm>>
    tpu.enqueue_dma source(%dma_start3A_61 : memref<8192xi32, #tpu.memory_space<hbm>>) target(%arg15 : memref<8192xi32, #tpu.memory_space<vmem>>) target_semaphore(%arg18 : memref<!tpu.dma_semaphore, #tpu.memory_space<semaphore_mem>>)
    %dma_start3A_62 = tpu.memref_slice %arg4[%add3A_57] : memref<1048576xf32, #tpu.memory_space<hbm>> -> memref<8192xf32, #tpu.memory_space<hbm>>
    %dma_start3A_63 = tpu.memref_slice %arg4[%add3A_57] : memref<1048576xf32, #tpu.memory_space<hbm>> -> memref<8192xf32, #tpu.memory_space<hbm>>
    tpu.enqueue_dma source(%dma_start3A_63 : memref<8192xf32, #tpu.memory_space<hbm>>) target(%arg16 : memref<8192xf32, #tpu.memory_space<vmem>>) target_semaphore(%arg18 : memref<!tpu.dma_semaphore, #tpu.memory_space<semaphore_mem>>)
    %mul3A_64 = arith.constant 32768 : i32
    %mul3A_65 = arith.muli %add3A, %mul3A_64 : i32
    %add3A_66 = arith.constant 8192 : i32
    %add3A_67 = arith.addi %mul3A_65, %add3A_66 : i32
    %mul3A_68 = arith.constant 2 : i32
    %mul3A_69 = arith.muli %mul3A_68, %add3A_67 : i32
    %add3A_70 = arith.constant 0 : i32
    %add3A_71 = arith.addi %mul3A_69, %add3A_70 : i32
    %dma_start3A_72 = arith.constant 0 : i32
    %dma_start3A_73 = tpu.memref_slice %arg12[%dma_start3A_72] : memref<16384xf32, #tpu.memory_space<vmem>> -> memref<8192xf32, #tpu.memory_space<vmem>>
    %dma_start3A_74 = tpu.memref_slice %arg5[%add3A_71] : memref<4194304xf32, #tpu.memory_space<hbm>> -> memref<8192xf32, #tpu.memory_space<hbm>>
    %dma_start3A_75 = arith.constant 0 : i32
    %dma_start3A_76 = tpu.memref_slice %arg12[%dma_start3A_75] : memref<16384xf32, #tpu.memory_space<vmem>> -> memref<8192xf32, #tpu.memory_space<vmem>>
    %dma_start3A_77 = tpu.memref_slice %arg5[%add3A_71] : memref<4194304xf32, #tpu.memory_space<hbm>> -> memref<8192xf32, #tpu.memory_space<hbm>>
    tpu.enqueue_dma source(%dma_start3A_77 : memref<8192xf32, #tpu.memory_space<hbm>>) target(%dma_start3A_76 : memref<8192xf32, #tpu.memory_space<vmem>>) target_semaphore(%arg21 : memref<!tpu.dma_semaphore, #tpu.memory_space<semaphore_mem>>)
    %add3A_78 = arith.constant 2097152 : i32
    %add3A_79 = arith.addi %add3A_78, %add3A_71 : i32
    %dma_start3A_80 = arith.constant 0 : i32
    %dma_start3A_81 = tpu.memref_slice %arg13[%dma_start3A_80] : memref<16384xf32, #tpu.memory_space<vmem>> -> memref<8192xf32, #tpu.memory_space<vmem>>
    %dma_start3A_82 = tpu.memref_slice %arg5[%add3A_79] : memref<4194304xf32, #tpu.memory_space<hbm>> -> memref<8192xf32, #tpu.memory_space<hbm>>
    %dma_start3A_83 = arith.constant 0 : i32
    %dma_start3A_84 = tpu.memref_slice %arg13[%dma_start3A_83] : memref<16384xf32, #tpu.memory_space<vmem>> -> memref<8192xf32, #tpu.memory_space<vmem>>
    %dma_start3A_85 = tpu.memref_slice %arg5[%add3A_79] : memref<4194304xf32, #tpu.memory_space<hbm>> -> memref<8192xf32, #tpu.memory_space<hbm>>
    tpu.enqueue_dma source(%dma_start3A_85 : memref<8192xf32, #tpu.memory_space<hbm>>) target(%dma_start3A_84 : memref<8192xf32, #tpu.memory_space<vmem>>) target_semaphore(%arg21 : memref<!tpu.dma_semaphore, #tpu.memory_space<semaphore_mem>>)
    %mul3A_86 = arith.constant 32768 : i32
    %mul3A_87 = arith.muli %add3A, %mul3A_86 : i32
    %add3A_88 = arith.constant 8192 : i32
    %add3A_89 = arith.addi %mul3A_87, %add3A_88 : i32
    %mul3A_90 = arith.constant 2 : i32
    %mul3A_91 = arith.muli %mul3A_90, %add3A_89 : i32
    %add3A_92 = arith.constant 8192 : i32
    %add3A_93 = arith.addi %mul3A_91, %add3A_92 : i32
    %dma_start3A_94 = arith.constant 8192 : i32
    %dma_start3A_95 = tpu.memref_slice %arg12[%dma_start3A_94] : memref<16384xf32, #tpu.memory_space<vmem>> -> memref<8192xf32, #tpu.memory_space<vmem>>
    %dma_start3A_96 = tpu.memref_slice %arg5[%add3A_93] : memref<4194304xf32, #tpu.memory_space<hbm>> -> memref<8192xf32, #tpu.memory_space<hbm>>
    %dma_start3A_97 = arith.constant 8192 : i32
    %dma_start3A_98 = tpu.memref_slice %arg12[%dma_start3A_97] : memref<16384xf32, #tpu.memory_space<vmem>> -> memref<8192xf32, #tpu.memory_space<vmem>>
    %dma_start3A_99 = tpu.memref_slice %arg5[%add3A_93] : memref<4194304xf32, #tpu.memory_space<hbm>> -> memref<8192xf32, #tpu.memory_space<hbm>>
    tpu.enqueue_dma source(%dma_start3A_99 : memref<8192xf32, #tpu.memory_space<hbm>>) target(%dma_start3A_98 : memref<8192xf32, #tpu.memory_space<vmem>>) target_semaphore(%arg22 : memref<!tpu.dma_semaphore, #tpu.memory_space<semaphore_mem>>)
    %add3A_100 = arith.constant 2097152 : i32
    %add3A_101 = arith.addi %add3A_100, %add3A_93 : i32
    %dma_start3A_102 = arith.constant 8192 : i32
    %dma_start3A_103 = tpu.memref_slice %arg13[%dma_start3A_102] : memref<16384xf32, #tpu.memory_space<vmem>> -> memref<8192xf32, #tpu.memory_space<vmem>>
    %dma_start3A_104 = tpu.memref_slice %arg5[%add3A_101] : memref<4194304xf32, #tpu.memory_space<hbm>> -> memref<8192xf32, #tpu.memory_space<hbm>>
    %dma_start3A_105 = arith.constant 8192 : i32
    %dma_start3A_106 = tpu.memref_slice %arg13[%dma_start3A_105] : memref<16384xf32, #tpu.memory_space<vmem>> -> memref<8192xf32, #tpu.memory_space<vmem>>
    %dma_start3A_107 = tpu.memref_slice %arg5[%add3A_101] : memref<4194304xf32, #tpu.memory_space<hbm>> -> memref<8192xf32, #tpu.memory_space<hbm>>
    tpu.enqueue_dma source(%dma_start3A_107 : memref<8192xf32, #tpu.memory_space<hbm>>) target(%dma_start3A_106 : memref<8192xf32, #tpu.memory_space<vmem>>) target_semaphore(%arg22 : memref<!tpu.dma_semaphore, #tpu.memory_space<semaphore_mem>>)
    %dma_wait3A = tpu.memref_slice %arg2[%add3A_4] : memref<1048576xi32, #tpu.memory_space<hbm>> -> memref<8192xi32, #tpu.memory_space<hbm>>
    %dma_wait3A_108 = tpu.memref_slice %arg2[%add3A_4] : memref<1048576xi32, #tpu.memory_space<hbm>> -> memref<8192xi32, #tpu.memory_space<hbm>>
    tpu.wait_dma2 semaphore(%arg17 : memref<!tpu.dma_semaphore, #tpu.memory_space<semaphore_mem>>) src(%dma_wait3A_108 : memref<8192xi32, #tpu.memory_space<hbm>>) dst(%arg9 : memref<8192xi32, #tpu.memory_space<vmem>>)
    %dma_wait3A_109 = tpu.memref_slice %arg3[%add3A_4] : memref<1048576xi32, #tpu.memory_space<hbm>> -> memref<8192xi32, #tpu.memory_space<hbm>>
    %dma_wait3A_110 = tpu.memref_slice %arg3[%add3A_4] : memref<1048576xi32, #tpu.memory_space<hbm>> -> memref<8192xi32, #tpu.memory_space<hbm>>
    tpu.wait_dma2 semaphore(%arg17 : memref<!tpu.dma_semaphore, #tpu.memory_space<semaphore_mem>>) src(%dma_wait3A_110 : memref<8192xi32, #tpu.memory_space<hbm>>) dst(%arg10 : memref<8192xi32, #tpu.memory_space<vmem>>)
    %dma_wait3A_111 = tpu.memref_slice %arg4[%add3A_4] : memref<1048576xf32, #tpu.memory_space<hbm>> -> memref<8192xf32, #tpu.memory_space<hbm>>
    %dma_wait3A_112 = tpu.memref_slice %arg4[%add3A_4] : memref<1048576xf32, #tpu.memory_space<hbm>> -> memref<8192xf32, #tpu.memory_space<hbm>>
    tpu.wait_dma2 semaphore(%arg17 : memref<!tpu.dma_semaphore, #tpu.memory_space<semaphore_mem>>) src(%dma_wait3A_112 : memref<8192xf32, #tpu.memory_space<hbm>>) dst(%arg11 : memref<8192xf32, #tpu.memory_space<vmem>>)
    %dma_wait3A_113 = arith.constant 0 : i32
    %dma_wait3A_114 = tpu.memref_slice %arg7[%dma_wait3A_113] : memref<16384xf32, #tpu.memory_space<vmem>> -> memref<8192xf32, #tpu.memory_space<vmem>>
    %dma_wait3A_115 = tpu.memref_slice %arg5[%add3A_17] : memref<4194304xf32, #tpu.memory_space<hbm>> -> memref<8192xf32, #tpu.memory_space<hbm>>
    %dma_wait3A_116 = arith.constant 0 : i32
    %dma_wait3A_117 = tpu.memref_slice %arg7[%dma_wait3A_116] : memref<16384xf32, #tpu.memory_space<vmem>> -> memref<8192xf32, #tpu.memory_space<vmem>>
    %dma_wait3A_118 = tpu.memref_slice %arg5[%add3A_17] : memref<4194304xf32, #tpu.memory_space<hbm>> -> memref<8192xf32, #tpu.memory_space<hbm>>
    tpu.wait_dma2 semaphore(%arg19 : memref<!tpu.dma_semaphore, #tpu.memory_space<semaphore_mem>>) src(%dma_wait3A_118 : memref<8192xf32, #tpu.memory_space<hbm>>) dst(%dma_wait3A_117 : memref<8192xf32, #tpu.memory_space<vmem>>)
    %dma_wait3A_119 = arith.constant 0 : i32
    %dma_wait3A_120 = tpu.memref_slice %arg8[%dma_wait3A_119] : memref<16384xf32, #tpu.memory_space<vmem>> -> memref<8192xf32, #tpu.memory_space<vmem>>
    %dma_wait3A_121 = tpu.memref_slice %arg5[%add3A_25] : memref<4194304xf32, #tpu.memory_space<hbm>> -> memref<8192xf32, #tpu.memory_space<hbm>>
    %dma_wait3A_122 = arith.constant 0 : i32
    %dma_wait3A_123 = tpu.memref_slice %arg8[%dma_wait3A_122] : memref<16384xf32, #tpu.memory_space<vmem>> -> memref<8192xf32, #tpu.memory_space<vmem>>
    %dma_wait3A_124 = tpu.memref_slice %arg5[%add3A_25] : memref<4194304xf32, #tpu.memory_space<hbm>> -> memref<8192xf32, #tpu.memory_space<hbm>>
    tpu.wait_dma2 semaphore(%arg19 : memref<!tpu.dma_semaphore, #tpu.memory_space<semaphore_mem>>) src(%dma_wait3A_124 : memref<8192xf32, #tpu.memory_space<hbm>>) dst(%dma_wait3A_123 : memref<8192xf32, #tpu.memory_space<vmem>>)
    %parallel_loop3A = arith.constant 0 : i32
    %parallel_loop3A_125 = arith.constant 256 : i32
    %parallel_loop3A_126 = arith.constant 1 : i32
    scf.for %parallel_loop3A_630 = %parallel_loop3A to %parallel_loop3A_125 step %parallel_loop3A_126  : i32 {
      %parallel_loop3A_631 = arith.constant 6 : i32
      %parallel_loop3A_632 = arith.shrsi %parallel_loop3A_630, %parallel_loop3A_631 : i32
      %parallel_loop3A_633 = arith.constant 3 : i32
      %parallel_loop3A_634 = arith.shrsi %parallel_loop3A_630, %parallel_loop3A_633 : i32
      %parallel_loop3A_635 = arith.constant 7 : i32
      %parallel_loop3A_636 = arith.andi %parallel_loop3A_634, %parallel_loop3A_635 : i32
      %parallel_loop3A_637 = arith.constant 7 : i32
      %parallel_loop3A_638 = arith.andi %parallel_loop3A_630, %parallel_loop3A_637 : i32
      %parallel_loop3A_639 = arith.constant 1024 : i32
      %parallel_loop3A_640 = arith.muli %parallel_loop3A_636, %parallel_loop3A_639 : i32
      %parallel_loop3A_641 = arith.constant 128 : i32
      %parallel_loop3A_642 = arith.muli %parallel_loop3A_632, %parallel_loop3A_641 : i32
      %parallel_loop3A_643 = arith.addi %parallel_loop3A_640, %parallel_loop3A_642 : i32
      %parallel_loop3A_644 = arith.constant 16 : i32
      %parallel_loop3A_645 = arith.muli %parallel_loop3A_638, %parallel_loop3A_644 : i32
      %parallel_loop3A_646 = arith.addi %parallel_loop3A_643, %parallel_loop3A_645 : i32
      %parallel_loop3A_647 = arith.constant 2048 : i32
      %parallel_loop3A_648 = arith.muli %parallel_loop3A_632, %parallel_loop3A_647 : i32
      %parallel_loop3A_649 = arith.constant 256 : i32
      %parallel_loop3A_650 = arith.muli %parallel_loop3A_636, %parallel_loop3A_649 : i32
      %parallel_loop3A_651 = arith.addi %parallel_loop3A_648, %parallel_loop3A_650 : i32
      %parallel_loop3A_652 = arith.constant 16 : i32
      %parallel_loop3A_653 = arith.muli %parallel_loop3A_638, %parallel_loop3A_652 : i32
      %parallel_loop3A_654 = arith.addi %parallel_loop3A_651, %parallel_loop3A_653 : i32
      %parallel_loop3A_655 = arith.index_cast %parallel_loop3A_646 : i32 to index
      %parallel_loop3A_656 = tpu.vector_load %arg9[%parallel_loop3A_655] {strides = array<i32>} : memref<8192xi32, #tpu.memory_space<vmem>>, vector<16xi32>,
      %parallel_loop3A_657 = arith.index_cast %parallel_loop3A_646 : i32 to index
      %parallel_loop3A_658 = tpu.vector_load %arg10[%parallel_loop3A_657] {strides = array<i32>} : memref<8192xi32, #tpu.memory_space<vmem>>, vector<16xi32>,
      %parallel_loop3A_659 = arith.index_cast %parallel_loop3A_646 : i32 to index
      %parallel_loop3A_660 = tpu.vector_load %arg11[%parallel_loop3A_659] {strides = array<i32>} : memref<8192xf32, #tpu.memory_space<vmem>>, vector<16xf32>,
      %parallel_loop3A_661 = arith.index_cast %parallel_loop3A_654 : i32 to index
      %parallel_loop3A_662 = tpu.vector_load %arg7[%parallel_loop3A_661] {strides = array<i32>} : memref<16384xf32, #tpu.memory_space<vmem>>, vector<16xf32>,
      %parallel_loop3A_663 = arith.constant 128 : i32
      %parallel_loop3A_664 = arith.addi %parallel_loop3A_654, %parallel_loop3A_663 : i32
      %parallel_loop3A_665 = arith.index_cast %parallel_loop3A_664 : i32 to index
      %parallel_loop3A_666 = tpu.vector_load %arg7[%parallel_loop3A_665] {strides = array<i32>} : memref<16384xf32, #tpu.memory_space<vmem>>, vector<16xf32>,
      %parallel_loop3A_667 = arith.index_cast %parallel_loop3A_654 : i32 to index
      %parallel_loop3A_668 = tpu.vector_load %arg8[%parallel_loop3A_667] {strides = array<i32>} : memref<16384xf32, #tpu.memory_space<vmem>>, vector<16xf32>,
      %parallel_loop3A_669 = arith.constant 128 : i32
      %parallel_loop3A_670 = arith.addi %parallel_loop3A_654, %parallel_loop3A_669 : i32
      %parallel_loop3A_671 = arith.index_cast %parallel_loop3A_670 : i32 to index
      %parallel_loop3A_672 = tpu.vector_load %arg8[%parallel_loop3A_671] {strides = array<i32>} : memref<16384xf32, #tpu.memory_space<vmem>>, vector<16xf32>,
      %parallel_loop3A_673 = arith.constant 0 : i32
      %parallel_loop3A_674 = vector.broadcast %parallel_loop3A_673 : i32 to vector<16xi32>
      %parallel_loop3A_675 = arith.cmpi eq, %parallel_loop3A_656, %parallel_loop3A_674 : vector<16xi32>
      %parallel_loop3A_676 = arith.constant 0 : i32
      %parallel_loop3A_677 = vector.broadcast %parallel_loop3A_676 : i32 to vector<16xi32>
      %parallel_loop3A_678 = arith.cmpi eq, %parallel_loop3A_658, %parallel_loop3A_677 : vector<16xi32>
      %parallel_loop3A_679 = arith.maximumf %parallel_loop3A_662, %parallel_loop3A_666 : vector<16xf32>
      %parallel_loop3A_680 = arith.maximumf %parallel_loop3A_668, %parallel_loop3A_672 : vector<16xf32>
      %parallel_loop3A_681 = arith.select %parallel_loop3A_678, %parallel_loop3A_679, %parallel_loop3A_680 : vector<16xi1>, vector<16xf32>
      %parallel_loop3A_682 = arith.select %parallel_loop3A_678, %parallel_loop3A_662, %parallel_loop3A_666 : vector<16xi1>, vector<16xf32>
      %parallel_loop3A_683 = arith.select %parallel_loop3A_678, %parallel_loop3A_668, %parallel_loop3A_672 : vector<16xi1>, vector<16xf32>
      %parallel_loop3A_684 = arith.select %parallel_loop3A_675, %parallel_loop3A_682, %parallel_loop3A_683 : vector<16xi1>, vector<16xf32>
      %parallel_loop3A_685 = arith.constant 2.000000e-01 : f32
      %parallel_loop3A_686 = vector.broadcast %parallel_loop3A_685 : f32 to vector<16xf32>
      %parallel_loop3A_687 = arith.mulf %parallel_loop3A_686, %parallel_loop3A_684 : vector<16xf32>
      %parallel_loop3A_688 = arith.constant 8.000000e-01 : f32
      %parallel_loop3A_689 = vector.broadcast %parallel_loop3A_688 : f32 to vector<16xf32>
      %parallel_loop3A_690 = arith.mulf %parallel_loop3A_689, %parallel_loop3A_681 : vector<16xf32>
      %parallel_loop3A_691 = arith.addf %parallel_loop3A_660, %parallel_loop3A_690 : vector<16xf32>
      %parallel_loop3A_692 = arith.constant 8.000000e-01 : f32
      %parallel_loop3A_693 = vector.broadcast %parallel_loop3A_692 : f32 to vector<16xf32>
      %parallel_loop3A_694 = arith.mulf %parallel_loop3A_693, %parallel_loop3A_691 : vector<16xf32>
      %parallel_loop3A_695 = arith.addf %parallel_loop3A_687, %parallel_loop3A_694 : vector<16xf32>
      %parallel_loop3A_696 = arith.constant dense<true> : vector<16xi1>
      %parallel_loop3A_697 = arith.xori %parallel_loop3A_675, %parallel_loop3A_696 : vector<16xi1>
      %parallel_loop3A_698 = arith.constant dense<true> : vector<16xi1>
      %parallel_loop3A_699 = arith.xori %parallel_loop3A_678, %parallel_loop3A_698 : vector<16xi1>
      %parallel_loop3A_700 = arith.andi %parallel_loop3A_675, %parallel_loop3A_678 : vector<16xi1>
      %parallel_loop3A_701 = arith.select %parallel_loop3A_700, %parallel_loop3A_695, %parallel_loop3A_662 : vector<16xi1>, vector<16xf32>
      %parallel_loop3A_702 = arith.index_cast %parallel_loop3A_654 : i32 to index
      %parallel_loop3A_703 = tpu.vector_load %arg7[%parallel_loop3A_702] {strides = array<i32>} : memref<16384xf32, #tpu.memory_space<vmem>>, vector<16xf32>,
      tpu.vector_store %arg7[%parallel_loop3A_702], %parallel_loop3A_701 {strides = array<i32>} : memref<16384xf32, #tpu.memory_space<vmem>>, vector<16xf32>,
      %parallel_loop3A_704 = arith.andi %parallel_loop3A_675, %parallel_loop3A_699 : vector<16xi1>
      %parallel_loop3A_705 = arith.select %parallel_loop3A_704, %parallel_loop3A_695, %parallel_loop3A_666 : vector<16xi1>, vector<16xf32>
      %parallel_loop3A_706 = arith.constant 128 : i32
      %parallel_loop3A_707 = arith.addi %parallel_loop3A_654, %parallel_loop3A_706 : i32
      %parallel_loop3A_708 = arith.index_cast %parallel_loop3A_707 : i32 to index
      %parallel_loop3A_709 = tpu.vector_load %arg7[%parallel_loop3A_708] {strides = array<i32>} : memref<16384xf32, #tpu.memory_space<vmem>>, vector<16xf32>,
      tpu.vector_store %arg7[%parallel_loop3A_708], %parallel_loop3A_705 {strides = array<i32>} : memref<16384xf32, #tpu.memory_space<vmem>>, vector<16xf32>,
      %parallel_loop3A_710 = arith.andi %parallel_loop3A_697, %parallel_loop3A_678 : vector<16xi1>
      %parallel_loop3A_711 = arith.select %parallel_loop3A_710, %parallel_loop3A_695, %parallel_loop3A_668 : vector<16xi1>, vector<16xf32>
      %parallel_loop3A_712 = arith.index_cast %parallel_loop3A_654 : i32 to index
      %parallel_loop3A_713 = tpu.vector_load %arg8[%parallel_loop3A_712] {strides = array<i32>} : memref<16384xf32, #tpu.memory_space<vmem>>, vector<16xf32>,
      tpu.vector_store %arg8[%parallel_loop3A_712], %parallel_loop3A_711 {strides = array<i32>} : memref<16384xf32, #tpu.memory_space<vmem>>, vector<16xf32>,
      %parallel_loop3A_714 = arith.andi %parallel_loop3A_697, %parallel_loop3A_699 : vector<16xi1>
      %parallel_loop3A_715 = arith.select %parallel_loop3A_714, %parallel_loop3A_695, %parallel_loop3A_672 : vector<16xi1>, vector<16xf32>
      %parallel_loop3A_716 = arith.constant 128 : i32
      %parallel_loop3A_717 = arith.addi %parallel_loop3A_654, %parallel_loop3A_716 : i32
      %parallel_loop3A_718 = arith.index_cast %parallel_loop3A_717 : i32 to index
      %parallel_loop3A_719 = tpu.vector_load %arg8[%parallel_loop3A_718] {strides = array<i32>} : memref<16384xf32, #tpu.memory_space<vmem>>, vector<16xf32>,
      tpu.vector_store %arg8[%parallel_loop3A_718], %parallel_loop3A_715 {strides = array<i32>} : memref<16384xf32, #tpu.memory_space<vmem>>, vector<16xf32>,
    } {sc.loop_unroll_factor = 2 : i64, sc.parallel_access}
    %mul3A_127 = arith.constant 32768 : i32
    %mul3A_128 = arith.muli %add3A, %mul3A_127 : i32
    %add3A_129 = arith.constant 0 : i32
    %add3A_130 = arith.addi %mul3A_128, %add3A_129 : i32
    %mul3A_131 = arith.constant 2 : i32
    %mul3A_132 = arith.muli %mul3A_131, %add3A_130 : i32
    %add3A_133 = arith.constant 0 : i32
    %add3A_134 = arith.addi %mul3A_132, %add3A_133 : i32
    %dma_start3A_135 = arith.constant 0 : i32
    %dma_start3A_136 = tpu.memref_slice %arg7[%dma_start3A_135] : memref<16384xf32, #tpu.memory_space<vmem>> -> memref<8192xf32, #tpu.memory_space<vmem>>
    %dma_start3A_137 = tpu.memref_slice %arg6[%add3A_134] : memref<4194304xf32, #tpu.memory_space<hbm>> -> memref<8192xf32, #tpu.memory_space<hbm>>
    %dma_start3A_138 = tpu.memref_slice %arg6[%add3A_134] : memref<4194304xf32, #tpu.memory_space<hbm>> -> memref<8192xf32, #tpu.memory_space<hbm>>
    %dma_start3A_139 = arith.constant 0 : i32
    %dma_start3A_140 = tpu.memref_slice %arg7[%dma_start3A_139] : memref<16384xf32, #tpu.memory_space<vmem>> -> memref<8192xf32, #tpu.memory_space<vmem>>
    tpu.enqueue_dma source(%dma_start3A_140 : memref<8192xf32, #tpu.memory_space<vmem>>) target(%dma_start3A_138 : memref<8192xf32, #tpu.memory_space<hbm>>) target_semaphore(%arg23 : memref<!tpu.dma_semaphore, #tpu.memory_space<semaphore_mem>>)
    %add3A_141 = arith.constant 2097152 : i32
    %add3A_142 = arith.addi %add3A_141, %add3A_134 : i32
    %dma_start3A_143 = arith.constant 0 : i32
    %dma_start3A_144 = tpu.memref_slice %arg8[%dma_start3A_143] : memref<16384xf32, #tpu.memory_space<vmem>> -> memref<8192xf32, #tpu.memory_space<vmem>>
    %dma_start3A_145 = tpu.memref_slice %arg6[%add3A_142] : memref<4194304xf32, #tpu.memory_space<hbm>> -> memref<8192xf32, #tpu.memory_space<hbm>>
    %dma_start3A_146 = tpu.memref_slice %arg6[%add3A_142] : memref<4194304xf32, #tpu.memory_space<hbm>> -> memref<8192xf32, #tpu.memory_space<hbm>>
    %dma_start3A_147 = arith.constant 0 : i32
    %dma_start3A_148 = tpu.memref_slice %arg8[%dma_start3A_147] : memref<16384xf32, #tpu.memory_space<vmem>> -> memref<8192xf32, #tpu.memory_space<vmem>>
    tpu.enqueue_dma source(%dma_start3A_148 : memref<8192xf32, #tpu.memory_space<vmem>>) target(%dma_start3A_146 : memref<8192xf32, #tpu.memory_space<hbm>>) target_semaphore(%arg23 : memref<!tpu.dma_semaphore, #tpu.memory_space<semaphore_mem>>)
    %dma_wait3A_149 = arith.constant 8192 : i32
    %dma_wait3A_150 = tpu.memref_slice %arg7[%dma_wait3A_149] : memref<16384xf32, #tpu.memory_space<vmem>> -> memref<8192xf32, #tpu.memory_space<vmem>>
    %dma_wait3A_151 = tpu.memref_slice %arg5[%add3A_39] : memref<4194304xf32, #tpu.memory_space<hbm>> -> memref<8192xf32, #tpu.memory_space<hbm>>
    %dma_wait3A_152 = arith.constant 8192 : i32
    %dma_wait3A_153 = tpu.memref_slice %arg7[%dma_wait3A_152] : memref<16384xf32, #tpu.memory_space<vmem>> -> memref<8192xf32, #tpu.memory_space<vmem>>
    %dma_wait3A_154 = tpu.memref_slice %arg5[%add3A_39] : memref<4194304xf32, #tpu.memory_space<hbm>> -> memref<8192xf32, #tpu.memory_space<hbm>>
    tpu.wait_dma2 semaphore(%arg20 : memref<!tpu.dma_semaphore, #tpu.memory_space<semaphore_mem>>) src(%dma_wait3A_154 : memref<8192xf32, #tpu.memory_space<hbm>>) dst(%dma_wait3A_153 : memref<8192xf32, #tpu.memory_space<vmem>>)
    %dma_wait3A_155 = arith.constant 8192 : i32
    %dma_wait3A_156 = tpu.memref_slice %arg8[%dma_wait3A_155] : memref<16384xf32, #tpu.memory_space<vmem>> -> memref<8192xf32, #tpu.memory_space<vmem>>
    %dma_wait3A_157 = tpu.memref_slice %arg5[%add3A_47] : memref<4194304xf32, #tpu.memory_space<hbm>> -> memref<8192xf32, #tpu.memory_space<hbm>>
    %dma_wait3A_158 = arith.constant 8192 : i32
    %dma_wait3A_159 = tpu.memref_slice %arg8[%dma_wait3A_158] : memref<16384xf32, #tpu.memory_space<vmem>> -> memref<8192xf32, #tpu.memory_space<vmem>>
    %dma_wait3A_160 = tpu.memref_slice %arg5[%add3A_47] : memref<4194304xf32, #tpu.memory_space<hbm>> -> memref<8192xf32, #tpu.memory_space<hbm>>
    tpu.wait_dma2 semaphore(%arg20 : memref<!tpu.dma_semaphore, #tpu.memory_space<semaphore_mem>>) src(%dma_wait3A_160 : memref<8192xf32, #tpu.memory_space<hbm>>) dst(%dma_wait3A_159 : memref<8192xf32, #tpu.memory_space<vmem>>)
    %parallel_loop3A_161 = arith.constant 256 : i32
    %parallel_loop3A_162 = arith.constant 512 : i32
    %parallel_loop3A_163 = arith.constant 1 : i32
    scf.for %parallel_loop3A_630 = %parallel_loop3A_161 to %parallel_loop3A_162 step %parallel_loop3A_163  : i32 {
      %parallel_loop3A_631 = arith.constant 6 : i32
      %parallel_loop3A_632 = arith.shrsi %parallel_loop3A_630, %parallel_loop3A_631 : i32
      %parallel_loop3A_633 = arith.constant 3 : i32
      %parallel_loop3A_634 = arith.shrsi %parallel_loop3A_630, %parallel_loop3A_633 : i32
      %parallel_loop3A_635 = arith.constant 7 : i32
      %parallel_loop3A_636 = arith.andi %parallel_loop3A_634, %parallel_loop3A_635 : i32
      %parallel_loop3A_637 = arith.constant 7 : i32
      %parallel_loop3A_638 = arith.andi %parallel_loop3A_630, %parallel_loop3A_637 : i32
      %parallel_loop3A_639 = arith.constant 1024 : i32
      %parallel_loop3A_640 = arith.muli %parallel_loop3A_636, %parallel_loop3A_639 : i32
      %parallel_loop3A_641 = arith.constant 128 : i32
      %parallel_loop3A_642 = arith.muli %parallel_loop3A_632, %parallel_loop3A_641 : i32
      %parallel_loop3A_643 = arith.addi %parallel_loop3A_640, %parallel_loop3A_642 : i32
      %parallel_loop3A_644 = arith.constant 16 : i32
      %parallel_loop3A_645 = arith.muli %parallel_loop3A_638, %parallel_loop3A_644 : i32
      %parallel_loop3A_646 = arith.addi %parallel_loop3A_643, %parallel_loop3A_645 : i32
      %parallel_loop3A_647 = arith.constant 2048 : i32
      %parallel_loop3A_648 = arith.muli %parallel_loop3A_632, %parallel_loop3A_647 : i32
      %parallel_loop3A_649 = arith.constant 256 : i32
      %parallel_loop3A_650 = arith.muli %parallel_loop3A_636, %parallel_loop3A_649 : i32
      %parallel_loop3A_651 = arith.addi %parallel_loop3A_648, %parallel_loop3A_650 : i32
      %parallel_loop3A_652 = arith.constant 16 : i32
      %parallel_loop3A_653 = arith.muli %parallel_loop3A_638, %parallel_loop3A_652 : i32
      %parallel_loop3A_654 = arith.addi %parallel_loop3A_651, %parallel_loop3A_653 : i32
      %parallel_loop3A_655 = arith.index_cast %parallel_loop3A_646 : i32 to index
      %parallel_loop3A_656 = tpu.vector_load %arg9[%parallel_loop3A_655] {strides = array<i32>} : memref<8192xi32, #tpu.memory_space<vmem>>, vector<16xi32>,
      %parallel_loop3A_657 = arith.index_cast %parallel_loop3A_646 : i32 to index
      %parallel_loop3A_658 = tpu.vector_load %arg10[%parallel_loop3A_657] {strides = array<i32>} : memref<8192xi32, #tpu.memory_space<vmem>>, vector<16xi32>,
      %parallel_loop3A_659 = arith.index_cast %parallel_loop3A_646 : i32 to index
      %parallel_loop3A_660 = tpu.vector_load %arg11[%parallel_loop3A_659] {strides = array<i32>} : memref<8192xf32, #tpu.memory_space<vmem>>, vector<16xf32>,
      %parallel_loop3A_661 = arith.index_cast %parallel_loop3A_654 : i32 to index
      %parallel_loop3A_662 = tpu.vector_load %arg7[%parallel_loop3A_661] {strides = array<i32>} : memref<16384xf32, #tpu.memory_space<vmem>>, vector<16xf32>,
      %parallel_loop3A_663 = arith.constant 128 : i32
      %parallel_loop3A_664 = arith.addi %parallel_loop3A_654, %parallel_loop3A_663 : i32
      %parallel_loop3A_665 = arith.index_cast %parallel_loop3A_664 : i32 to index
      %parallel_loop3A_666 = tpu.vector_load %arg7[%parallel_loop3A_665] {strides = array<i32>} : memref<16384xf32, #tpu.memory_space<vmem>>, vector<16xf32>,
      %parallel_loop3A_667 = arith.index_cast %parallel_loop3A_654 : i32 to index
      %parallel_loop3A_668 = tpu.vector_load %arg8[%parallel_loop3A_667] {strides = array<i32>} : memref<16384xf32, #tpu.memory_space<vmem>>, vector<16xf32>,
      %parallel_loop3A_669 = arith.constant 128 : i32
      %parallel_loop3A_670 = arith.addi %parallel_loop3A_654, %parallel_loop3A_669 : i32
      %parallel_loop3A_671 = arith.index_cast %parallel_loop3A_670 : i32 to index
      %parallel_loop3A_672 = tpu.vector_load %arg8[%parallel_loop3A_671] {strides = array<i32>} : memref<16384xf32, #tpu.memory_space<vmem>>, vector<16xf32>,
      %parallel_loop3A_673 = arith.constant 0 : i32
      %parallel_loop3A_674 = vector.broadcast %parallel_loop3A_673 : i32 to vector<16xi32>
      %parallel_loop3A_675 = arith.cmpi eq, %parallel_loop3A_656, %parallel_loop3A_674 : vector<16xi32>
      %parallel_loop3A_676 = arith.constant 0 : i32
      %parallel_loop3A_677 = vector.broadcast %parallel_loop3A_676 : i32 to vector<16xi32>
      %parallel_loop3A_678 = arith.cmpi eq, %parallel_loop3A_658, %parallel_loop3A_677 : vector<16xi32>
      %parallel_loop3A_679 = arith.maximumf %parallel_loop3A_662, %parallel_loop3A_666 : vector<16xf32>
      %parallel_loop3A_680 = arith.maximumf %parallel_loop3A_668, %parallel_loop3A_672 : vector<16xf32>
      %parallel_loop3A_681 = arith.select %parallel_loop3A_678, %parallel_loop3A_679, %parallel_loop3A_680 : vector<16xi1>, vector<16xf32>
      %parallel_loop3A_682 = arith.select %parallel_loop3A_678, %parallel_loop3A_662, %parallel_loop3A_666 : vector<16xi1>, vector<16xf32>
      %parallel_loop3A_683 = arith.select %parallel_loop3A_678, %parallel_loop3A_668, %parallel_loop3A_672 : vector<16xi1>, vector<16xf32>
      %parallel_loop3A_684 = arith.select %parallel_loop3A_675, %parallel_loop3A_682, %parallel_loop3A_683 : vector<16xi1>, vector<16xf32>
      %parallel_loop3A_685 = arith.constant 2.000000e-01 : f32
      %parallel_loop3A_686 = vector.broadcast %parallel_loop3A_685 : f32 to vector<16xf32>
      %parallel_loop3A_687 = arith.mulf %parallel_loop3A_686, %parallel_loop3A_684 : vector<16xf32>
      %parallel_loop3A_688 = arith.constant 8.000000e-01 : f32
      %parallel_loop3A_689 = vector.broadcast %parallel_loop3A_688 : f32 to vector<16xf32>
      %parallel_loop3A_690 = arith.mulf %parallel_loop3A_689, %parallel_loop3A_681 : vector<16xf32>
      %parallel_loop3A_691 = arith.addf %parallel_loop3A_660, %parallel_loop3A_690 : vector<16xf32>
      %parallel_loop3A_692 = arith.constant 8.000000e-01 : f32
      %parallel_loop3A_693 = vector.broadcast %parallel_loop3A_692 : f32 to vector<16xf32>
      %parallel_loop3A_694 = arith.mulf %parallel_loop3A_693, %parallel_loop3A_691 : vector<16xf32>
      %parallel_loop3A_695 = arith.addf %parallel_loop3A_687, %parallel_loop3A_694 : vector<16xf32>
      %parallel_loop3A_696 = arith.constant dense<true> : vector<16xi1>
      %parallel_loop3A_697 = arith.xori %parallel_loop3A_675, %parallel_loop3A_696 : vector<16xi1>
      %parallel_loop3A_698 = arith.constant dense<true> : vector<16xi1>
      %parallel_loop3A_699 = arith.xori %parallel_loop3A_678, %parallel_loop3A_698 : vector<16xi1>
      %parallel_loop3A_700 = arith.andi %parallel_loop3A_675, %parallel_loop3A_678 : vector<16xi1>
      %parallel_loop3A_701 = arith.select %parallel_loop3A_700, %parallel_loop3A_695, %parallel_loop3A_662 : vector<16xi1>, vector<16xf32>
      %parallel_loop3A_702 = arith.index_cast %parallel_loop3A_654 : i32 to index
      %parallel_loop3A_703 = tpu.vector_load %arg7[%parallel_loop3A_702] {strides = array<i32>} : memref<16384xf32, #tpu.memory_space<vmem>>, vector<16xf32>,
      tpu.vector_store %arg7[%parallel_loop3A_702], %parallel_loop3A_701 {strides = array<i32>} : memref<16384xf32, #tpu.memory_space<vmem>>, vector<16xf32>,
      %parallel_loop3A_704 = arith.andi %parallel_loop3A_675, %parallel_loop3A_699 : vector<16xi1>
      %parallel_loop3A_705 = arith.select %parallel_loop3A_704, %parallel_loop3A_695, %parallel_loop3A_666 : vector<16xi1>, vector<16xf32>
      %parallel_loop3A_706 = arith.constant 128 : i32
      %parallel_loop3A_707 = arith.addi %parallel_loop3A_654, %parallel_loop3A_706 : i32
      %parallel_loop3A_708 = arith.index_cast %parallel_loop3A_707 : i32 to index
      %parallel_loop3A_709 = tpu.vector_load %arg7[%parallel_loop3A_708] {strides = array<i32>} : memref<16384xf32, #tpu.memory_space<vmem>>, vector<16xf32>,
      tpu.vector_store %arg7[%parallel_loop3A_708], %parallel_loop3A_705 {strides = array<i32>} : memref<16384xf32, #tpu.memory_space<vmem>>, vector<16xf32>,
      %parallel_loop3A_710 = arith.andi %parallel_loop3A_697, %parallel_loop3A_678 : vector<16xi1>
      %parallel_loop3A_711 = arith.select %parallel_loop3A_710, %parallel_loop3A_695, %parallel_loop3A_668 : vector<16xi1>, vector<16xf32>
      %parallel_loop3A_712 = arith.index_cast %parallel_loop3A_654 : i32 to index
      %parallel_loop3A_713 = tpu.vector_load %arg8[%parallel_loop3A_712] {strides = array<i32>} : memref<16384xf32, #tpu.memory_space<vmem>>, vector<16xf32>,
      tpu.vector_store %arg8[%parallel_loop3A_712], %parallel_loop3A_711 {strides = array<i32>} : memref<16384xf32, #tpu.memory_space<vmem>>, vector<16xf32>,
      %parallel_loop3A_714 = arith.andi %parallel_loop3A_697, %parallel_loop3A_699 : vector<16xi1>
      %parallel_loop3A_715 = arith.select %parallel_loop3A_714, %parallel_loop3A_695, %parallel_loop3A_672 : vector<16xi1>, vector<16xf32>
      %parallel_loop3A_716 = arith.constant 128 : i32
      %parallel_loop3A_717 = arith.addi %parallel_loop3A_654, %parallel_loop3A_716 : i32
      %parallel_loop3A_718 = arith.index_cast %parallel_loop3A_717 : i32 to index
      %parallel_loop3A_719 = tpu.vector_load %arg8[%parallel_loop3A_718] {strides = array<i32>} : memref<16384xf32, #tpu.memory_space<vmem>>, vector<16xf32>,
      tpu.vector_store %arg8[%parallel_loop3A_718], %parallel_loop3A_715 {strides = array<i32>} : memref<16384xf32, #tpu.memory_space<vmem>>, vector<16xf32>,
    } {sc.loop_unroll_factor = 2 : i64, sc.parallel_access}
    %mul3A_164 = arith.constant 32768 : i32
    %mul3A_165 = arith.muli %add3A, %mul3A_164 : i32
    %add3A_166 = arith.constant 0 : i32
    %add3A_167 = arith.addi %mul3A_165, %add3A_166 : i32
    %mul3A_168 = arith.constant 2 : i32
    %mul3A_169 = arith.muli %mul3A_168, %add3A_167 : i32
    %add3A_170 = arith.constant 8192 : i32
    %add3A_171 = arith.addi %mul3A_169, %add3A_170 : i32
    %dma_start3A_172 = arith.constant 8192 : i32
    %dma_start3A_173 = tpu.memref_slice %arg7[%dma_start3A_172] : memref<16384xf32, #tpu.memory_space<vmem>> -> memref<8192xf32, #tpu.memory_space<vmem>>
    %dma_start3A_174 = tpu.memref_slice %arg6[%add3A_171] : memref<4194304xf32, #tpu.memory_space<hbm>> -> memref<8192xf32, #tpu.memory_space<hbm>>
    %dma_start3A_175 = tpu.memref_slice %arg6[%add3A_171] : memref<4194304xf32, #tpu.memory_space<hbm>> -> memref<8192xf32, #tpu.memory_space<hbm>>
    %dma_start3A_176 = arith.constant 8192 : i32
    %dma_start3A_177 = tpu.memref_slice %arg7[%dma_start3A_176] : memref<16384xf32, #tpu.memory_space<vmem>> -> memref<8192xf32, #tpu.memory_space<vmem>>
    tpu.enqueue_dma source(%dma_start3A_177 : memref<8192xf32, #tpu.memory_space<vmem>>) target(%dma_start3A_175 : memref<8192xf32, #tpu.memory_space<hbm>>) target_semaphore(%arg24 : memref<!tpu.dma_semaphore, #tpu.memory_space<semaphore_mem>>)
    %add3A_178 = arith.constant 2097152 : i32
    %add3A_179 = arith.addi %add3A_178, %add3A_171 : i32
    %dma_start3A_180 = arith.constant 8192 : i32
    %dma_start3A_181 = tpu.memref_slice %arg8[%dma_start3A_180] : memref<16384xf32, #tpu.memory_space<vmem>> -> memref<8192xf32, #tpu.memory_space<vmem>>
    %dma_start3A_182 = tpu.memref_slice %arg6[%add3A_179] : memref<4194304xf32, #tpu.memory_space<hbm>> -> memref<8192xf32, #tpu.memory_space<hbm>>
    %dma_start3A_183 = tpu.memref_slice %arg6[%add3A_179] : memref<4194304xf32, #tpu.memory_space<hbm>> -> memref<8192xf32, #tpu.memory_space<hbm>>
    %dma_start3A_184 = arith.constant 8192 : i32
    %dma_start3A_185 = tpu.memref_slice %arg8[%dma_start3A_184] : memref<16384xf32, #tpu.memory_space<vmem>> -> memref<8192xf32, #tpu.memory_space<vmem>>
    tpu.enqueue_dma source(%dma_start3A_185 : memref<8192xf32, #tpu.memory_space<vmem>>) target(%dma_start3A_183 : memref<8192xf32, #tpu.memory_space<hbm>>) target_semaphore(%arg24 : memref<!tpu.dma_semaphore, #tpu.memory_space<semaphore_mem>>)
    %dma_wait3A_186 = arith.constant 0 : i32
    %dma_wait3A_187 = tpu.memref_slice %arg7[%dma_wait3A_186] : memref<16384xf32, #tpu.memory_space<vmem>> -> memref<8192xf32, #tpu.memory_space<vmem>>
    %dma_wait3A_188 = tpu.memref_slice %arg6[%add3A_134] : memref<4194304xf32, #tpu.memory_space<hbm>> -> memref<8192xf32, #tpu.memory_space<hbm>>
    %dma_wait3A_189 = tpu.memref_slice %arg6[%add3A_134] : memref<4194304xf32, #tpu.memory_space<hbm>> -> memref<8192xf32, #tpu.memory_space<hbm>>
    %dma_wait3A_190 = arith.constant 0 : i32
    %dma_wait3A_191 = tpu.memref_slice %arg7[%dma_wait3A_190] : memref<16384xf32, #tpu.memory_space<vmem>> -> memref<8192xf32, #tpu.memory_space<vmem>>
    tpu.wait_dma2 semaphore(%arg23 : memref<!tpu.dma_semaphore, #tpu.memory_space<semaphore_mem>>) src(%dma_wait3A_191 : memref<8192xf32, #tpu.memory_space<vmem>>) dst(%dma_wait3A_189 : memref<8192xf32, #tpu.memory_space<hbm>>)
    %dma_wait3A_192 = arith.constant 0 : i32
    %dma_wait3A_193 = tpu.memref_slice %arg8[%dma_wait3A_192] : memref<16384xf32, #tpu.memory_space<vmem>> -> memref<8192xf32, #tpu.memory_space<vmem>>
    %dma_wait3A_194 = tpu.memref_slice %arg6[%add3A_142] : memref<4194304xf32, #tpu.memory_space<hbm>> -> memref<8192xf32, #tpu.memory_space<hbm>>
    %dma_wait3A_195 = tpu.memref_slice %arg6[%add3A_142] : memref<4194304xf32, #tpu.memory_space<hbm>> -> memref<8192xf32, #tpu.memory_space<hbm>>
    %dma_wait3A_196 = arith.constant 0 : i32
    %dma_wait3A_197 = tpu.memref_slice %arg8[%dma_wait3A_196] : memref<16384xf32, #tpu.memory_space<vmem>> -> memref<8192xf32, #tpu.memory_space<vmem>>
    tpu.wait_dma2 semaphore(%arg23 : memref<!tpu.dma_semaphore, #tpu.memory_space<semaphore_mem>>) src(%dma_wait3A_197 : memref<8192xf32, #tpu.memory_space<vmem>>) dst(%dma_wait3A_195 : memref<8192xf32, #tpu.memory_space<hbm>>)
    %dma_wait3A_198 = arith.constant 8192 : i32
    %dma_wait3A_199 = tpu.memref_slice %arg7[%dma_wait3A_198] : memref<16384xf32, #tpu.memory_space<vmem>> -> memref<8192xf32, #tpu.memory_space<vmem>>
    %dma_wait3A_200 = tpu.memref_slice %arg6[%add3A_171] : memref<4194304xf32, #tpu.memory_space<hbm>> -> memref<8192xf32, #tpu.memory_space<hbm>>
    %dma_wait3A_201 = tpu.memref_slice %arg6[%add3A_171] : memref<4194304xf32, #tpu.memory_space<hbm>> -> memref<8192xf32, #tpu.memory_space<hbm>>
    %dma_wait3A_202 = arith.constant 8192 : i32
    %dma_wait3A_203 = tpu.memref_slice %arg7[%dma_wait3A_202] : memref<16384xf32, #tpu.memory_space<vmem>> -> memref<8192xf32, #tpu.memory_space<vmem>>
    tpu.wait_dma2 semaphore(%arg24 : memref<!tpu.dma_semaphore, #tpu.memory_space<semaphore_mem>>) src(%dma_wait3A_203 : memref<8192xf32, #tpu.memory_space<vmem>>) dst(%dma_wait3A_201 : memref<8192xf32, #tpu.memory_space<hbm>>)
    %dma_wait3A_204 = arith.constant 8192 : i32
    %dma_wait3A_205 = tpu.memref_slice %arg8[%dma_wait3A_204] : memref<16384xf32, #tpu.memory_space<vmem>> -> memref<8192xf32, #tpu.memory_space<vmem>>
    %dma_wait3A_206 = tpu.memref_slice %arg6[%add3A_179] : memref<4194304xf32, #tpu.memory_space<hbm>> -> memref<8192xf32, #tpu.memory_space<hbm>>
    %dma_wait3A_207 = tpu.memref_slice %arg6[%add3A_179] : memref<4194304xf32, #tpu.memory_space<hbm>> -> memref<8192xf32, #tpu.memory_space<hbm>>
    %dma_wait3A_208 = arith.constant 8192 : i32
    %dma_wait3A_209 = tpu.memref_slice %arg8[%dma_wait3A_208] : memref<16384xf32, #tpu.memory_space<vmem>> -> memref<8192xf32, #tpu.memory_space<vmem>>
    tpu.wait_dma2 semaphore(%arg24 : memref<!tpu.dma_semaphore, #tpu.memory_space<semaphore_mem>>) src(%dma_wait3A_209 : memref<8192xf32, #tpu.memory_space<vmem>>) dst(%dma_wait3A_207 : memref<8192xf32, #tpu.memory_space<hbm>>)
    %mul3A_210 = arith.constant 32768 : i32
    %mul3A_211 = arith.muli %add3A, %mul3A_210 : i32
    %add3A_212 = arith.constant 16384 : i32
    %add3A_213 = arith.addi %mul3A_211, %add3A_212 : i32
    %dma_start3A_214 = tpu.memref_slice %arg2[%add3A_213] : memref<1048576xi32, #tpu.memory_space<hbm>> -> memref<8192xi32, #tpu.memory_space<hbm>>
    %dma_start3A_215 = tpu.memref_slice %arg2[%add3A_213] : memref<1048576xi32, #tpu.memory_space<hbm>> -> memref<8192xi32, #tpu.memory_space<hbm>>
    tpu.enqueue_dma source(%dma_start3A_215 : memref<8192xi32, #tpu.memory_space<hbm>>) target(%arg9 : memref<8192xi32, #tpu.memory_space<vmem>>) target_semaphore(%arg17 : memref<!tpu.dma_semaphore, #tpu.memory_space<semaphore_mem>>)
    %dma_start3A_216 = tpu.memref_slice %arg3[%add3A_213] : memref<1048576xi32, #tpu.memory_space<hbm>> -> memref<8192xi32, #tpu.memory_space<hbm>>
    %dma_start3A_217 = tpu.memref_slice %arg3[%add3A_213] : memref<1048576xi32, #tpu.memory_space<hbm>> -> memref<8192xi32, #tpu.memory_space<hbm>>
    tpu.enqueue_dma source(%dma_start3A_217 : memref<8192xi32, #tpu.memory_space<hbm>>) target(%arg10 : memref<8192xi32, #tpu.memory_space<vmem>>) target_semaphore(%arg17 : memref<!tpu.dma_semaphore, #tpu.memory_space<semaphore_mem>>)
    %dma_start3A_218 = tpu.memref_slice %arg4[%add3A_213] : memref<1048576xf32, #tpu.memory_space<hbm>> -> memref<8192xf32, #tpu.memory_space<hbm>>
    %dma_start3A_219 = tpu.memref_slice %arg4[%add3A_213] : memref<1048576xf32, #tpu.memory_space<hbm>> -> memref<8192xf32, #tpu.memory_space<hbm>>
    tpu.enqueue_dma source(%dma_start3A_219 : memref<8192xf32, #tpu.memory_space<hbm>>) target(%arg11 : memref<8192xf32, #tpu.memory_space<vmem>>) target_semaphore(%arg17 : memref<!tpu.dma_semaphore, #tpu.memory_space<semaphore_mem>>)
    %mul3A_220 = arith.constant 32768 : i32
    %mul3A_221 = arith.muli %add3A, %mul3A_220 : i32
    %add3A_222 = arith.constant 16384 : i32
    %add3A_223 = arith.addi %mul3A_221, %add3A_222 : i32
    %mul3A_224 = arith.constant 2 : i32
    %mul3A_225 = arith.muli %mul3A_224, %add3A_223 : i32
    %add3A_226 = arith.constant 0 : i32
    %add3A_227 = arith.addi %mul3A_225, %add3A_226 : i32
    %dma_start3A_228 = arith.constant 0 : i32
    %dma_start3A_229 = tpu.memref_slice %arg7[%dma_start3A_228] : memref<16384xf32, #tpu.memory_space<vmem>> -> memref<8192xf32, #tpu.memory_space<vmem>>
    %dma_start3A_230 = tpu.memref_slice %arg5[%add3A_227] : memref<4194304xf32, #tpu.memory_space<hbm>> -> memref<8192xf32, #tpu.memory_space<hbm>>
    %dma_start3A_231 = arith.constant 0 : i32
    %dma_start3A_232 = tpu.memref_slice %arg7[%dma_start3A_231] : memref<16384xf32, #tpu.memory_space<vmem>> -> memref<8192xf32, #tpu.memory_space<vmem>>
    %dma_start3A_233 = tpu.memref_slice %arg5[%add3A_227] : memref<4194304xf32, #tpu.memory_space<hbm>> -> memref<8192xf32, #tpu.memory_space<hbm>>
    tpu.enqueue_dma source(%dma_start3A_233 : memref<8192xf32, #tpu.memory_space<hbm>>) target(%dma_start3A_232 : memref<8192xf32, #tpu.memory_space<vmem>>) target_semaphore(%arg19 : memref<!tpu.dma_semaphore, #tpu.memory_space<semaphore_mem>>)
    %add3A_234 = arith.constant 2097152 : i32
    %add3A_235 = arith.addi %add3A_234, %add3A_227 : i32
    %dma_start3A_236 = arith.constant 0 : i32
    %dma_start3A_237 = tpu.memref_slice %arg8[%dma_start3A_236] : memref<16384xf32, #tpu.memory_space<vmem>> -> memref<8192xf32, #tpu.memory_space<vmem>>
    %dma_start3A_238 = tpu.memref_slice %arg5[%add3A_235] : memref<4194304xf32, #tpu.memory_space<hbm>> -> memref<8192xf32, #tpu.memory_space<hbm>>
    %dma_start3A_239 = arith.constant 0 : i32
    %dma_start3A_240 = tpu.memref_slice %arg8[%dma_start3A_239] : memref<16384xf32, #tpu.memory_space<vmem>> -> memref<8192xf32, #tpu.memory_space<vmem>>
    %dma_start3A_241 = tpu.memref_slice %arg5[%add3A_235] : memref<4194304xf32, #tpu.memory_space<hbm>> -> memref<8192xf32, #tpu.memory_space<hbm>>
    tpu.enqueue_dma source(%dma_start3A_241 : memref<8192xf32, #tpu.memory_space<hbm>>) target(%dma_start3A_240 : memref<8192xf32, #tpu.memory_space<vmem>>) target_semaphore(%arg19 : memref<!tpu.dma_semaphore, #tpu.memory_space<semaphore_mem>>)
    %mul3A_242 = arith.constant 32768 : i32
    %mul3A_243 = arith.muli %add3A, %mul3A_242 : i32
    %add3A_244 = arith.constant 16384 : i32
    %add3A_245 = arith.addi %mul3A_243, %add3A_244 : i32
    %mul3A_246 = arith.constant 2 : i32
    %mul3A_247 = arith.muli %mul3A_246, %add3A_245 : i32
    %add3A_248 = arith.constant 8192 : i32
    %add3A_249 = arith.addi %mul3A_247, %add3A_248 : i32
    %dma_start3A_250 = arith.constant 8192 : i32
    %dma_start3A_251 = tpu.memref_slice %arg7[%dma_start3A_250] : memref<16384xf32, #tpu.memory_space<vmem>> -> memref<8192xf32, #tpu.memory_space<vmem>>
    %dma_start3A_252 = tpu.memref_slice %arg5[%add3A_249] : memref<4194304xf32, #tpu.memory_space<hbm>> -> memref<8192xf32, #tpu.memory_space<hbm>>
    %dma_start3A_253 = arith.constant 8192 : i32
    %dma_start3A_254 = tpu.memref_slice %arg7[%dma_start3A_253] : memref<16384xf32, #tpu.memory_space<vmem>> -> memref<8192xf32, #tpu.memory_space<vmem>>
    %dma_start3A_255 = tpu.memref_slice %arg5[%add3A_249] : memref<4194304xf32, #tpu.memory_space<hbm>> -> memref<8192xf32, #tpu.memory_space<hbm>>
    tpu.enqueue_dma source(%dma_start3A_255 : memref<8192xf32, #tpu.memory_space<hbm>>) target(%dma_start3A_254 : memref<8192xf32, #tpu.memory_space<vmem>>) target_semaphore(%arg20 : memref<!tpu.dma_semaphore, #tpu.memory_space<semaphore_mem>>)
    %add3A_256 = arith.constant 2097152 : i32
    %add3A_257 = arith.addi %add3A_256, %add3A_249 : i32
    %dma_start3A_258 = arith.constant 8192 : i32
    %dma_start3A_259 = tpu.memref_slice %arg8[%dma_start3A_258] : memref<16384xf32, #tpu.memory_space<vmem>> -> memref<8192xf32, #tpu.memory_space<vmem>>
    %dma_start3A_260 = tpu.memref_slice %arg5[%add3A_257] : memref<4194304xf32, #tpu.memory_space<hbm>> -> memref<8192xf32, #tpu.memory_space<hbm>>
    %dma_start3A_261 = arith.constant 8192 : i32
    %dma_start3A_262 = tpu.memref_slice %arg8[%dma_start3A_261] : memref<16384xf32, #tpu.memory_space<vmem>> -> memref<8192xf32, #tpu.memory_space<vmem>>
    %dma_start3A_263 = tpu.memref_slice %arg5[%add3A_257] : memref<4194304xf32, #tpu.memory_space<hbm>> -> memref<8192xf32, #tpu.memory_space<hbm>>
    tpu.enqueue_dma source(%dma_start3A_263 : memref<8192xf32, #tpu.memory_space<hbm>>) target(%dma_start3A_262 : memref<8192xf32, #tpu.memory_space<vmem>>) target_semaphore(%arg20 : memref<!tpu.dma_semaphore, #tpu.memory_space<semaphore_mem>>)
    %dma_wait3A_264 = tpu.memref_slice %arg2[%add3A_57] : memref<1048576xi32, #tpu.memory_space<hbm>> -> memref<8192xi32, #tpu.memory_space<hbm>>
    %dma_wait3A_265 = tpu.memref_slice %arg2[%add3A_57] : memref<1048576xi32, #tpu.memory_space<hbm>> -> memref<8192xi32, #tpu.memory_space<hbm>>
    tpu.wait_dma2 semaphore(%arg18 : memref<!tpu.dma_semaphore, #tpu.memory_space<semaphore_mem>>) src(%dma_wait3A_265 : memref<8192xi32, #tpu.memory_space<hbm>>) dst(%arg14 : memref<8192xi32, #tpu.memory_space<vmem>>)
    %dma_wait3A_266 = tpu.memref_slice %arg3[%add3A_57] : memref<1048576xi32, #tpu.memory_space<hbm>> -> memref<8192xi32, #tpu.memory_space<hbm>>
    %dma_wait3A_267 = tpu.memref_slice %arg3[%add3A_57] : memref<1048576xi32, #tpu.memory_space<hbm>> -> memref<8192xi32, #tpu.memory_space<hbm>>
    tpu.wait_dma2 semaphore(%arg18 : memref<!tpu.dma_semaphore, #tpu.memory_space<semaphore_mem>>) src(%dma_wait3A_267 : memref<8192xi32, #tpu.memory_space<hbm>>) dst(%arg15 : memref<8192xi32, #tpu.memory_space<vmem>>)
    %dma_wait3A_268 = tpu.memref_slice %arg4[%add3A_57] : memref<1048576xf32, #tpu.memory_space<hbm>> -> memref<8192xf32, #tpu.memory_space<hbm>>
    %dma_wait3A_269 = tpu.memref_slice %arg4[%add3A_57] : memref<1048576xf32, #tpu.memory_space<hbm>> -> memref<8192xf32, #tpu.memory_space<hbm>>
    tpu.wait_dma2 semaphore(%arg18 : memref<!tpu.dma_semaphore, #tpu.memory_space<semaphore_mem>>) src(%dma_wait3A_269 : memref<8192xf32, #tpu.memory_space<hbm>>) dst(%arg16 : memref<8192xf32, #tpu.memory_space<vmem>>)
    %dma_wait3A_270 = arith.constant 0 : i32
    %dma_wait3A_271 = tpu.memref_slice %arg12[%dma_wait3A_270] : memref<16384xf32, #tpu.memory_space<vmem>> -> memref<8192xf32, #tpu.memory_space<vmem>>
    %dma_wait3A_272 = tpu.memref_slice %arg5[%add3A_71] : memref<4194304xf32, #tpu.memory_space<hbm>> -> memref<8192xf32, #tpu.memory_space<hbm>>
    %dma_wait3A_273 = arith.constant 0 : i32
    %dma_wait3A_274 = tpu.memref_slice %arg12[%dma_wait3A_273] : memref<16384xf32, #tpu.memory_space<vmem>> -> memref<8192xf32, #tpu.memory_space<vmem>>
    %dma_wait3A_275 = tpu.memref_slice %arg5[%add3A_71] : memref<4194304xf32, #tpu.memory_space<hbm>> -> memref<8192xf32, #tpu.memory_space<hbm>>
    tpu.wait_dma2 semaphore(%arg21 : memref<!tpu.dma_semaphore, #tpu.memory_space<semaphore_mem>>) src(%dma_wait3A_275 : memref<8192xf32, #tpu.memory_space<hbm>>) dst(%dma_wait3A_274 : memref<8192xf32, #tpu.memory_space<vmem>>)
    %dma_wait3A_276 = arith.constant 0 : i32
    %dma_wait3A_277 = tpu.memref_slice %arg13[%dma_wait3A_276] : memref<16384xf32, #tpu.memory_space<vmem>> -> memref<8192xf32, #tpu.memory_space<vmem>>
    %dma_wait3A_278 = tpu.memref_slice %arg5[%add3A_79] : memref<4194304xf32, #tpu.memory_space<hbm>> -> memref<8192xf32, #tpu.memory_space<hbm>>
    %dma_wait3A_279 = arith.constant 0 : i32
    %dma_wait3A_280 = tpu.memref_slice %arg13[%dma_wait3A_279] : memref<16384xf32, #tpu.memory_space<vmem>> -> memref<8192xf32, #tpu.memory_space<vmem>>
    %dma_wait3A_281 = tpu.memref_slice %arg5[%add3A_79] : memref<4194304xf32, #tpu.memory_space<hbm>> -> memref<8192xf32, #tpu.memory_space<hbm>>
    tpu.wait_dma2 semaphore(%arg21 : memref<!tpu.dma_semaphore, #tpu.memory_space<semaphore_mem>>) src(%dma_wait3A_281 : memref<8192xf32, #tpu.memory_space<hbm>>) dst(%dma_wait3A_280 : memref<8192xf32, #tpu.memory_space<vmem>>)
    %parallel_loop3A_282 = arith.constant 0 : i32
    %parallel_loop3A_283 = arith.constant 256 : i32
    %parallel_loop3A_284 = arith.constant 1 : i32
    scf.for %parallel_loop3A_630 = %parallel_loop3A_282 to %parallel_loop3A_283 step %parallel_loop3A_284  : i32 {
      %parallel_loop3A_631 = arith.constant 6 : i32
      %parallel_loop3A_632 = arith.shrsi %parallel_loop3A_630, %parallel_loop3A_631 : i32
      %parallel_loop3A_633 = arith.constant 3 : i32
      %parallel_loop3A_634 = arith.shrsi %parallel_loop3A_630, %parallel_loop3A_633 : i32
      %parallel_loop3A_635 = arith.constant 7 : i32
      %parallel_loop3A_636 = arith.andi %parallel_loop3A_634, %parallel_loop3A_635 : i32
      %parallel_loop3A_637 = arith.constant 7 : i32
      %parallel_loop3A_638 = arith.andi %parallel_loop3A_630, %parallel_loop3A_637 : i32
      %parallel_loop3A_639 = arith.constant 1024 : i32
      %parallel_loop3A_640 = arith.muli %parallel_loop3A_636, %parallel_loop3A_639 : i32
      %parallel_loop3A_641 = arith.constant 128 : i32
      %parallel_loop3A_642 = arith.muli %parallel_loop3A_632, %parallel_loop3A_641 : i32
      %parallel_loop3A_643 = arith.addi %parallel_loop3A_640, %parallel_loop3A_642 : i32
      %parallel_loop3A_644 = arith.constant 16 : i32
      %parallel_loop3A_645 = arith.muli %parallel_loop3A_638, %parallel_loop3A_644 : i32
      %parallel_loop3A_646 = arith.addi %parallel_loop3A_643, %parallel_loop3A_645 : i32
      %parallel_loop3A_647 = arith.constant 2048 : i32
      %parallel_loop3A_648 = arith.muli %parallel_loop3A_632, %parallel_loop3A_647 : i32
      %parallel_loop3A_649 = arith.constant 256 : i32
      %parallel_loop3A_650 = arith.muli %parallel_loop3A_636, %parallel_loop3A_649 : i32
      %parallel_loop3A_651 = arith.addi %parallel_loop3A_648, %parallel_loop3A_650 : i32
      %parallel_loop3A_652 = arith.constant 16 : i32
      %parallel_loop3A_653 = arith.muli %parallel_loop3A_638, %parallel_loop3A_652 : i32
      %parallel_loop3A_654 = arith.addi %parallel_loop3A_651, %parallel_loop3A_653 : i32
      %parallel_loop3A_655 = arith.index_cast %parallel_loop3A_646 : i32 to index
      %parallel_loop3A_656 = tpu.vector_load %arg14[%parallel_loop3A_655] {strides = array<i32>} : memref<8192xi32, #tpu.memory_space<vmem>>, vector<16xi32>,
      %parallel_loop3A_657 = arith.index_cast %parallel_loop3A_646 : i32 to index
      %parallel_loop3A_658 = tpu.vector_load %arg15[%parallel_loop3A_657] {strides = array<i32>} : memref<8192xi32, #tpu.memory_space<vmem>>, vector<16xi32>,
      %parallel_loop3A_659 = arith.index_cast %parallel_loop3A_646 : i32 to index
      %parallel_loop3A_660 = tpu.vector_load %arg16[%parallel_loop3A_659] {strides = array<i32>} : memref<8192xf32, #tpu.memory_space<vmem>>, vector<16xf32>,
      %parallel_loop3A_661 = arith.index_cast %parallel_loop3A_654 : i32 to index
      %parallel_loop3A_662 = tpu.vector_load %arg12[%parallel_loop3A_661] {strides = array<i32>} : memref<16384xf32, #tpu.memory_space<vmem>>, vector<16xf32>,
      %parallel_loop3A_663 = arith.constant 128 : i32
      %parallel_loop3A_664 = arith.addi %parallel_loop3A_654, %parallel_loop3A_663 : i32
      %parallel_loop3A_665 = arith.index_cast %parallel_loop3A_664 : i32 to index
      %parallel_loop3A_666 = tpu.vector_load %arg12[%parallel_loop3A_665] {strides = array<i32>} : memref<16384xf32, #tpu.memory_space<vmem>>, vector<16xf32>,
      %parallel_loop3A_667 = arith.index_cast %parallel_loop3A_654 : i32 to index
      %parallel_loop3A_668 = tpu.vector_load %arg13[%parallel_loop3A_667] {strides = array<i32>} : memref<16384xf32, #tpu.memory_space<vmem>>, vector<16xf32>,
      %parallel_loop3A_669 = arith.constant 128 : i32
      %parallel_loop3A_670 = arith.addi %parallel_loop3A_654, %parallel_loop3A_669 : i32
      %parallel_loop3A_671 = arith.index_cast %parallel_loop3A_670 : i32 to index
      %parallel_loop3A_672 = tpu.vector_load %arg13[%parallel_loop3A_671] {strides = array<i32>} : memref<16384xf32, #tpu.memory_space<vmem>>, vector<16xf32>,
      %parallel_loop3A_673 = arith.constant 0 : i32
      %parallel_loop3A_674 = vector.broadcast %parallel_loop3A_673 : i32 to vector<16xi32>
      %parallel_loop3A_675 = arith.cmpi eq, %parallel_loop3A_656, %parallel_loop3A_674 : vector<16xi32>
      %parallel_loop3A_676 = arith.constant 0 : i32
      %parallel_loop3A_677 = vector.broadcast %parallel_loop3A_676 : i32 to vector<16xi32>
      %parallel_loop3A_678 = arith.cmpi eq, %parallel_loop3A_658, %parallel_loop3A_677 : vector<16xi32>
      %parallel_loop3A_679 = arith.maximumf %parallel_loop3A_662, %parallel_loop3A_666 : vector<16xf32>
      %parallel_loop3A_680 = arith.maximumf %parallel_loop3A_668, %parallel_loop3A_672 : vector<16xf32>
      %parallel_loop3A_681 = arith.select %parallel_loop3A_678, %parallel_loop3A_679, %parallel_loop3A_680 : vector<16xi1>, vector<16xf32>
      %parallel_loop3A_682 = arith.select %parallel_loop3A_678, %parallel_loop3A_662, %parallel_loop3A_666 : vector<16xi1>, vector<16xf32>
      %parallel_loop3A_683 = arith.select %parallel_loop3A_678, %parallel_loop3A_668, %parallel_loop3A_672 : vector<16xi1>, vector<16xf32>
      %parallel_loop3A_684 = arith.select %parallel_loop3A_675, %parallel_loop3A_682, %parallel_loop3A_683 : vector<16xi1>, vector<16xf32>
      %parallel_loop3A_685 = arith.constant 2.000000e-01 : f32
      %parallel_loop3A_686 = vector.broadcast %parallel_loop3A_685 : f32 to vector<16xf32>
      %parallel_loop3A_687 = arith.mulf %parallel_loop3A_686, %parallel_loop3A_684 : vector<16xf32>
      %parallel_loop3A_688 = arith.constant 8.000000e-01 : f32
      %parallel_loop3A_689 = vector.broadcast %parallel_loop3A_688 : f32 to vector<16xf32>
      %parallel_loop3A_690 = arith.mulf %parallel_loop3A_689, %parallel_loop3A_681 : vector<16xf32>
      %parallel_loop3A_691 = arith.addf %parallel_loop3A_660, %parallel_loop3A_690 : vector<16xf32>
      %parallel_loop3A_692 = arith.constant 8.000000e-01 : f32
      %parallel_loop3A_693 = vector.broadcast %parallel_loop3A_692 : f32 to vector<16xf32>
      %parallel_loop3A_694 = arith.mulf %parallel_loop3A_693, %parallel_loop3A_691 : vector<16xf32>
      %parallel_loop3A_695 = arith.addf %parallel_loop3A_687, %parallel_loop3A_694 : vector<16xf32>
      %parallel_loop3A_696 = arith.constant dense<true> : vector<16xi1>
      %parallel_loop3A_697 = arith.xori %parallel_loop3A_675, %parallel_loop3A_696 : vector<16xi1>
      %parallel_loop3A_698 = arith.constant dense<true> : vector<16xi1>
      %parallel_loop3A_699 = arith.xori %parallel_loop3A_678, %parallel_loop3A_698 : vector<16xi1>
      %parallel_loop3A_700 = arith.andi %parallel_loop3A_675, %parallel_loop3A_678 : vector<16xi1>
      %parallel_loop3A_701 = arith.select %parallel_loop3A_700, %parallel_loop3A_695, %parallel_loop3A_662 : vector<16xi1>, vector<16xf32>
      %parallel_loop3A_702 = arith.index_cast %parallel_loop3A_654 : i32 to index
      %parallel_loop3A_703 = tpu.vector_load %arg12[%parallel_loop3A_702] {strides = array<i32>} : memref<16384xf32, #tpu.memory_space<vmem>>, vector<16xf32>,
      tpu.vector_store %arg12[%parallel_loop3A_702], %parallel_loop3A_701 {strides = array<i32>} : memref<16384xf32, #tpu.memory_space<vmem>>, vector<16xf32>,
      %parallel_loop3A_704 = arith.andi %parallel_loop3A_675, %parallel_loop3A_699 : vector<16xi1>
      %parallel_loop3A_705 = arith.select %parallel_loop3A_704, %parallel_loop3A_695, %parallel_loop3A_666 : vector<16xi1>, vector<16xf32>
      %parallel_loop3A_706 = arith.constant 128 : i32
      %parallel_loop3A_707 = arith.addi %parallel_loop3A_654, %parallel_loop3A_706 : i32
      %parallel_loop3A_708 = arith.index_cast %parallel_loop3A_707 : i32 to index
      %parallel_loop3A_709 = tpu.vector_load %arg12[%parallel_loop3A_708] {strides = array<i32>} : memref<16384xf32, #tpu.memory_space<vmem>>, vector<16xf32>,
      tpu.vector_store %arg12[%parallel_loop3A_708], %parallel_loop3A_705 {strides = array<i32>} : memref<16384xf32, #tpu.memory_space<vmem>>, vector<16xf32>,
      %parallel_loop3A_710 = arith.andi %parallel_loop3A_697, %parallel_loop3A_678 : vector<16xi1>
      %parallel_loop3A_711 = arith.select %parallel_loop3A_710, %parallel_loop3A_695, %parallel_loop3A_668 : vector<16xi1>, vector<16xf32>
      %parallel_loop3A_712 = arith.index_cast %parallel_loop3A_654 : i32 to index
      %parallel_loop3A_713 = tpu.vector_load %arg13[%parallel_loop3A_712] {strides = array<i32>} : memref<16384xf32, #tpu.memory_space<vmem>>, vector<16xf32>,
      tpu.vector_store %arg13[%parallel_loop3A_712], %parallel_loop3A_711 {strides = array<i32>} : memref<16384xf32, #tpu.memory_space<vmem>>, vector<16xf32>,
      %parallel_loop3A_714 = arith.andi %parallel_loop3A_697, %parallel_loop3A_699 : vector<16xi1>
      %parallel_loop3A_715 = arith.select %parallel_loop3A_714, %parallel_loop3A_695, %parallel_loop3A_672 : vector<16xi1>, vector<16xf32>
      %parallel_loop3A_716 = arith.constant 128 : i32
      %parallel_loop3A_717 = arith.addi %parallel_loop3A_654, %parallel_loop3A_716 : i32
      %parallel_loop3A_718 = arith.index_cast %parallel_loop3A_717 : i32 to index
      %parallel_loop3A_719 = tpu.vector_load %arg13[%parallel_loop3A_718] {strides = array<i32>} : memref<16384xf32, #tpu.memory_space<vmem>>, vector<16xf32>,
      tpu.vector_store %arg13[%parallel_loop3A_718], %parallel_loop3A_715 {strides = array<i32>} : memref<16384xf32, #tpu.memory_space<vmem>>, vector<16xf32>,
    } {sc.loop_unroll_factor = 2 : i64, sc.parallel_access}
    %mul3A_285 = arith.constant 32768 : i32
    %mul3A_286 = arith.muli %add3A, %mul3A_285 : i32
    %add3A_287 = arith.constant 8192 : i32
    %add3A_288 = arith.addi %mul3A_286, %add3A_287 : i32
    %mul3A_289 = arith.constant 2 : i32
    %mul3A_290 = arith.muli %mul3A_289, %add3A_288 : i32
    %add3A_291 = arith.constant 0 : i32
    %add3A_292 = arith.addi %mul3A_290, %add3A_291 : i32
    %dma_start3A_293 = arith.constant 0 : i32
    %dma_start3A_294 = tpu.memref_slice %arg12[%dma_start3A_293] : memref<16384xf32, #tpu.memory_space<vmem>> -> memref<8192xf32, #tpu.memory_space<vmem>>
    %dma_start3A_295 = tpu.memref_slice %arg6[%add3A_292] : memref<4194304xf32, #tpu.memory_space<hbm>> -> memref<8192xf32, #tpu.memory_space<hbm>>
    %dma_start3A_296 = tpu.memref_slice %arg6[%add3A_292] : memref<4194304xf32, #tpu.memory_space<hbm>> -> memref<8192xf32, #tpu.memory_space<hbm>>
    %dma_start3A_297 = arith.constant 0 : i32
    %dma_start3A_298 = tpu.memref_slice %arg12[%dma_start3A_297] : memref<16384xf32, #tpu.memory_space<vmem>> -> memref<8192xf32, #tpu.memory_space<vmem>>
    tpu.enqueue_dma source(%dma_start3A_298 : memref<8192xf32, #tpu.memory_space<vmem>>) target(%dma_start3A_296 : memref<8192xf32, #tpu.memory_space<hbm>>) target_semaphore(%arg25 : memref<!tpu.dma_semaphore, #tpu.memory_space<semaphore_mem>>)
    %add3A_299 = arith.constant 2097152 : i32
    %add3A_300 = arith.addi %add3A_299, %add3A_292 : i32
    %dma_start3A_301 = arith.constant 0 : i32
    %dma_start3A_302 = tpu.memref_slice %arg13[%dma_start3A_301] : memref<16384xf32, #tpu.memory_space<vmem>> -> memref<8192xf32, #tpu.memory_space<vmem>>
    %dma_start3A_303 = tpu.memref_slice %arg6[%add3A_300] : memref<4194304xf32, #tpu.memory_space<hbm>> -> memref<8192xf32, #tpu.memory_space<hbm>>
    %dma_start3A_304 = tpu.memref_slice %arg6[%add3A_300] : memref<4194304xf32, #tpu.memory_space<hbm>> -> memref<8192xf32, #tpu.memory_space<hbm>>
    %dma_start3A_305 = arith.constant 0 : i32
    %dma_start3A_306 = tpu.memref_slice %arg13[%dma_start3A_305] : memref<16384xf32, #tpu.memory_space<vmem>> -> memref<8192xf32, #tpu.memory_space<vmem>>
    tpu.enqueue_dma source(%dma_start3A_306 : memref<8192xf32, #tpu.memory_space<vmem>>) target(%dma_start3A_304 : memref<8192xf32, #tpu.memory_space<hbm>>) target_semaphore(%arg25 : memref<!tpu.dma_semaphore, #tpu.memory_space<semaphore_mem>>)
    %dma_wait3A_307 = arith.constant 8192 : i32
    %dma_wait3A_308 = tpu.memref_slice %arg12[%dma_wait3A_307] : memref<16384xf32, #tpu.memory_space<vmem>> -> memref<8192xf32, #tpu.memory_space<vmem>>
    %dma_wait3A_309 = tpu.memref_slice %arg5[%add3A_93] : memref<4194304xf32, #tpu.memory_space<hbm>> -> memref<8192xf32, #tpu.memory_space<hbm>>
    %dma_wait3A_310 = arith.constant 8192 : i32
    %dma_wait3A_311 = tpu.memref_slice %arg12[%dma_wait3A_310] : memref<16384xf32, #tpu.memory_space<vmem>> -> memref<8192xf32, #tpu.memory_space<vmem>>
    %dma_wait3A_312 = tpu.memref_slice %arg5[%add3A_93] : memref<4194304xf32, #tpu.memory_space<hbm>> -> memref<8192xf32, #tpu.memory_space<hbm>>
    tpu.wait_dma2 semaphore(%arg22 : memref<!tpu.dma_semaphore, #tpu.memory_space<semaphore_mem>>) src(%dma_wait3A_312 : memref<8192xf32, #tpu.memory_space<hbm>>) dst(%dma_wait3A_311 : memref<8192xf32, #tpu.memory_space<vmem>>)
    %dma_wait3A_313 = arith.constant 8192 : i32
    %dma_wait3A_314 = tpu.memref_slice %arg13[%dma_wait3A_313] : memref<16384xf32, #tpu.memory_space<vmem>> -> memref<8192xf32, #tpu.memory_space<vmem>>
    %dma_wait3A_315 = tpu.memref_slice %arg5[%add3A_101] : memref<4194304xf32, #tpu.memory_space<hbm>> -> memref<8192xf32, #tpu.memory_space<hbm>>
    %dma_wait3A_316 = arith.constant 8192 : i32
    %dma_wait3A_317 = tpu.memref_slice %arg13[%dma_wait3A_316] : memref<16384xf32, #tpu.memory_space<vmem>> -> memref<8192xf32, #tpu.memory_space<vmem>>
    %dma_wait3A_318 = tpu.memref_slice %arg5[%add3A_101] : memref<4194304xf32, #tpu.memory_space<hbm>> -> memref<8192xf32, #tpu.memory_space<hbm>>
    tpu.wait_dma2 semaphore(%arg22 : memref<!tpu.dma_semaphore, #tpu.memory_space<semaphore_mem>>) src(%dma_wait3A_318 : memref<8192xf32, #tpu.memory_space<hbm>>) dst(%dma_wait3A_317 : memref<8192xf32, #tpu.memory_space<vmem>>)
    %parallel_loop3A_319 = arith.constant 256 : i32
    %parallel_loop3A_320 = arith.constant 512 : i32
    %parallel_loop3A_321 = arith.constant 1 : i32
    scf.for %parallel_loop3A_630 = %parallel_loop3A_319 to %parallel_loop3A_320 step %parallel_loop3A_321  : i32 {
      %parallel_loop3A_631 = arith.constant 6 : i32
      %parallel_loop3A_632 = arith.shrsi %parallel_loop3A_630, %parallel_loop3A_631 : i32
      %parallel_loop3A_633 = arith.constant 3 : i32
      %parallel_loop3A_634 = arith.shrsi %parallel_loop3A_630, %parallel_loop3A_633 : i32
      %parallel_loop3A_635 = arith.constant 7 : i32
      %parallel_loop3A_636 = arith.andi %parallel_loop3A_634, %parallel_loop3A_635 : i32
      %parallel_loop3A_637 = arith.constant 7 : i32
      %parallel_loop3A_638 = arith.andi %parallel_loop3A_630, %parallel_loop3A_637 : i32
      %parallel_loop3A_639 = arith.constant 1024 : i32
      %parallel_loop3A_640 = arith.muli %parallel_loop3A_636, %parallel_loop3A_639 : i32
      %parallel_loop3A_641 = arith.constant 128 : i32
      %parallel_loop3A_642 = arith.muli %parallel_loop3A_632, %parallel_loop3A_641 : i32
      %parallel_loop3A_643 = arith.addi %parallel_loop3A_640, %parallel_loop3A_642 : i32
      %parallel_loop3A_644 = arith.constant 16 : i32
      %parallel_loop3A_645 = arith.muli %parallel_loop3A_638, %parallel_loop3A_644 : i32
      %parallel_loop3A_646 = arith.addi %parallel_loop3A_643, %parallel_loop3A_645 : i32
      %parallel_loop3A_647 = arith.constant 2048 : i32
      %parallel_loop3A_648 = arith.muli %parallel_loop3A_632, %parallel_loop3A_647 : i32
      %parallel_loop3A_649 = arith.constant 256 : i32
      %parallel_loop3A_650 = arith.muli %parallel_loop3A_636, %parallel_loop3A_649 : i32
      %parallel_loop3A_651 = arith.addi %parallel_loop3A_648, %parallel_loop3A_650 : i32
      %parallel_loop3A_652 = arith.constant 16 : i32
      %parallel_loop3A_653 = arith.muli %parallel_loop3A_638, %parallel_loop3A_652 : i32
      %parallel_loop3A_654 = arith.addi %parallel_loop3A_651, %parallel_loop3A_653 : i32
      %parallel_loop3A_655 = arith.index_cast %parallel_loop3A_646 : i32 to index
      %parallel_loop3A_656 = tpu.vector_load %arg14[%parallel_loop3A_655] {strides = array<i32>} : memref<8192xi32, #tpu.memory_space<vmem>>, vector<16xi32>,
      %parallel_loop3A_657 = arith.index_cast %parallel_loop3A_646 : i32 to index
      %parallel_loop3A_658 = tpu.vector_load %arg15[%parallel_loop3A_657] {strides = array<i32>} : memref<8192xi32, #tpu.memory_space<vmem>>, vector<16xi32>,
      %parallel_loop3A_659 = arith.index_cast %parallel_loop3A_646 : i32 to index
      %parallel_loop3A_660 = tpu.vector_load %arg16[%parallel_loop3A_659] {strides = array<i32>} : memref<8192xf32, #tpu.memory_space<vmem>>, vector<16xf32>,
      %parallel_loop3A_661 = arith.index_cast %parallel_loop3A_654 : i32 to index
      %parallel_loop3A_662 = tpu.vector_load %arg12[%parallel_loop3A_661] {strides = array<i32>} : memref<16384xf32, #tpu.memory_space<vmem>>, vector<16xf32>,
      %parallel_loop3A_663 = arith.constant 128 : i32
      %parallel_loop3A_664 = arith.addi %parallel_loop3A_654, %parallel_loop3A_663 : i32
      %parallel_loop3A_665 = arith.index_cast %parallel_loop3A_664 : i32 to index
      %parallel_loop3A_666 = tpu.vector_load %arg12[%parallel_loop3A_665] {strides = array<i32>} : memref<16384xf32, #tpu.memory_space<vmem>>, vector<16xf32>,
      %parallel_loop3A_667 = arith.index_cast %parallel_loop3A_654 : i32 to index
      %parallel_loop3A_668 = tpu.vector_load %arg13[%parallel_loop3A_667] {strides = array<i32>} : memref<16384xf32, #tpu.memory_space<vmem>>, vector<16xf32>,
      %parallel_loop3A_669 = arith.constant 128 : i32
      %parallel_loop3A_670 = arith.addi %parallel_loop3A_654, %parallel_loop3A_669 : i32
      %parallel_loop3A_671 = arith.index_cast %parallel_loop3A_670 : i32 to index
      %parallel_loop3A_672 = tpu.vector_load %arg13[%parallel_loop3A_671] {strides = array<i32>} : memref<16384xf32, #tpu.memory_space<vmem>>, vector<16xf32>,
      %parallel_loop3A_673 = arith.constant 0 : i32
      %parallel_loop3A_674 = vector.broadcast %parallel_loop3A_673 : i32 to vector<16xi32>
      %parallel_loop3A_675 = arith.cmpi eq, %parallel_loop3A_656, %parallel_loop3A_674 : vector<16xi32>
      %parallel_loop3A_676 = arith.constant 0 : i32
      %parallel_loop3A_677 = vector.broadcast %parallel_loop3A_676 : i32 to vector<16xi32>
      %parallel_loop3A_678 = arith.cmpi eq, %parallel_loop3A_658, %parallel_loop3A_677 : vector<16xi32>
      %parallel_loop3A_679 = arith.maximumf %parallel_loop3A_662, %parallel_loop3A_666 : vector<16xf32>
      %parallel_loop3A_680 = arith.maximumf %parallel_loop3A_668, %parallel_loop3A_672 : vector<16xf32>
      %parallel_loop3A_681 = arith.select %parallel_loop3A_678, %parallel_loop3A_679, %parallel_loop3A_680 : vector<16xi1>, vector<16xf32>
      %parallel_loop3A_682 = arith.select %parallel_loop3A_678, %parallel_loop3A_662, %parallel_loop3A_666 : vector<16xi1>, vector<16xf32>
      %parallel_loop3A_683 = arith.select %parallel_loop3A_678, %parallel_loop3A_668, %parallel_loop3A_672 : vector<16xi1>, vector<16xf32>
      %parallel_loop3A_684 = arith.select %parallel_loop3A_675, %parallel_loop3A_682, %parallel_loop3A_683 : vector<16xi1>, vector<16xf32>
      %parallel_loop3A_685 = arith.constant 2.000000e-01 : f32
      %parallel_loop3A_686 = vector.broadcast %parallel_loop3A_685 : f32 to vector<16xf32>
      %parallel_loop3A_687 = arith.mulf %parallel_loop3A_686, %parallel_loop3A_684 : vector<16xf32>
      %parallel_loop3A_688 = arith.constant 8.000000e-01 : f32
      %parallel_loop3A_689 = vector.broadcast %parallel_loop3A_688 : f32 to vector<16xf32>
      %parallel_loop3A_690 = arith.mulf %parallel_loop3A_689, %parallel_loop3A_681 : vector<16xf32>
      %parallel_loop3A_691 = arith.addf %parallel_loop3A_660, %parallel_loop3A_690 : vector<16xf32>
      %parallel_loop3A_692 = arith.constant 8.000000e-01 : f32
      %parallel_loop3A_693 = vector.broadcast %parallel_loop3A_692 : f32 to vector<16xf32>
      %parallel_loop3A_694 = arith.mulf %parallel_loop3A_693, %parallel_loop3A_691 : vector<16xf32>
      %parallel_loop3A_695 = arith.addf %parallel_loop3A_687, %parallel_loop3A_694 : vector<16xf32>
      %parallel_loop3A_696 = arith.constant dense<true> : vector<16xi1>
      %parallel_loop3A_697 = arith.xori %parallel_loop3A_675, %parallel_loop3A_696 : vector<16xi1>
      %parallel_loop3A_698 = arith.constant dense<true> : vector<16xi1>
      %parallel_loop3A_699 = arith.xori %parallel_loop3A_678, %parallel_loop3A_698 : vector<16xi1>
      %parallel_loop3A_700 = arith.andi %parallel_loop3A_675, %parallel_loop3A_678 : vector<16xi1>
      %parallel_loop3A_701 = arith.select %parallel_loop3A_700, %parallel_loop3A_695, %parallel_loop3A_662 : vector<16xi1>, vector<16xf32>
      %parallel_loop3A_702 = arith.index_cast %parallel_loop3A_654 : i32 to index
      %parallel_loop3A_703 = tpu.vector_load %arg12[%parallel_loop3A_702] {strides = array<i32>} : memref<16384xf32, #tpu.memory_space<vmem>>, vector<16xf32>,
      tpu.vector_store %arg12[%parallel_loop3A_702], %parallel_loop3A_701 {strides = array<i32>} : memref<16384xf32, #tpu.memory_space<vmem>>, vector<16xf32>,
      %parallel_loop3A_704 = arith.andi %parallel_loop3A_675, %parallel_loop3A_699 : vector<16xi1>
      %parallel_loop3A_705 = arith.select %parallel_loop3A_704, %parallel_loop3A_695, %parallel_loop3A_666 : vector<16xi1>, vector<16xf32>
      %parallel_loop3A_706 = arith.constant 128 : i32
      %parallel_loop3A_707 = arith.addi %parallel_loop3A_654, %parallel_loop3A_706 : i32
      %parallel_loop3A_708 = arith.index_cast %parallel_loop3A_707 : i32 to index
      %parallel_loop3A_709 = tpu.vector_load %arg12[%parallel_loop3A_708] {strides = array<i32>} : memref<16384xf32, #tpu.memory_space<vmem>>, vector<16xf32>,
      tpu.vector_store %arg12[%parallel_loop3A_708], %parallel_loop3A_705 {strides = array<i32>} : memref<16384xf32, #tpu.memory_space<vmem>>, vector<16xf32>,
      %parallel_loop3A_710 = arith.andi %parallel_loop3A_697, %parallel_loop3A_678 : vector<16xi1>
      %parallel_loop3A_711 = arith.select %parallel_loop3A_710, %parallel_loop3A_695, %parallel_loop3A_668 : vector<16xi1>, vector<16xf32>
      %parallel_loop3A_712 = arith.index_cast %parallel_loop3A_654 : i32 to index
      %parallel_loop3A_713 = tpu.vector_load %arg13[%parallel_loop3A_712] {strides = array<i32>} : memref<16384xf32, #tpu.memory_space<vmem>>, vector<16xf32>,
      tpu.vector_store %arg13[%parallel_loop3A_712], %parallel_loop3A_711 {strides = array<i32>} : memref<16384xf32, #tpu.memory_space<vmem>>, vector<16xf32>,
      %parallel_loop3A_714 = arith.andi %parallel_loop3A_697, %parallel_loop3A_699 : vector<16xi1>
      %parallel_loop3A_715 = arith.select %parallel_loop3A_714, %parallel_loop3A_695, %parallel_loop3A_672 : vector<16xi1>, vector<16xf32>
      %parallel_loop3A_716 = arith.constant 128 : i32
      %parallel_loop3A_717 = arith.addi %parallel_loop3A_654, %parallel_loop3A_716 : i32
      %parallel_loop3A_718 = arith.index_cast %parallel_loop3A_717 : i32 to index
      %parallel_loop3A_719 = tpu.vector_load %arg13[%parallel_loop3A_718] {strides = array<i32>} : memref<16384xf32, #tpu.memory_space<vmem>>, vector<16xf32>,
      tpu.vector_store %arg13[%parallel_loop3A_718], %parallel_loop3A_715 {strides = array<i32>} : memref<16384xf32, #tpu.memory_space<vmem>>, vector<16xf32>,
    } {sc.loop_unroll_factor = 2 : i64, sc.parallel_access}
    %mul3A_322 = arith.constant 32768 : i32
    %mul3A_323 = arith.muli %add3A, %mul3A_322 : i32
    %add3A_324 = arith.constant 8192 : i32
    %add3A_325 = arith.addi %mul3A_323, %add3A_324 : i32
    %mul3A_326 = arith.constant 2 : i32
    %mul3A_327 = arith.muli %mul3A_326, %add3A_325 : i32
    %add3A_328 = arith.constant 8192 : i32
    %add3A_329 = arith.addi %mul3A_327, %add3A_328 : i32
    %dma_start3A_330 = arith.constant 8192 : i32
    %dma_start3A_331 = tpu.memref_slice %arg12[%dma_start3A_330] : memref<16384xf32, #tpu.memory_space<vmem>> -> memref<8192xf32, #tpu.memory_space<vmem>>
    %dma_start3A_332 = tpu.memref_slice %arg6[%add3A_329] : memref<4194304xf32, #tpu.memory_space<hbm>> -> memref<8192xf32, #tpu.memory_space<hbm>>
    %dma_start3A_333 = tpu.memref_slice %arg6[%add3A_329] : memref<4194304xf32, #tpu.memory_space<hbm>> -> memref<8192xf32, #tpu.memory_space<hbm>>
    %dma_start3A_334 = arith.constant 8192 : i32
    %dma_start3A_335 = tpu.memref_slice %arg12[%dma_start3A_334] : memref<16384xf32, #tpu.memory_space<vmem>> -> memref<8192xf32, #tpu.memory_space<vmem>>
    tpu.enqueue_dma source(%dma_start3A_335 : memref<8192xf32, #tpu.memory_space<vmem>>) target(%dma_start3A_333 : memref<8192xf32, #tpu.memory_space<hbm>>) target_semaphore(%arg26 : memref<!tpu.dma_semaphore, #tpu.memory_space<semaphore_mem>>)
    %add3A_336 = arith.constant 2097152 : i32
    %add3A_337 = arith.addi %add3A_336, %add3A_329 : i32
    %dma_start3A_338 = arith.constant 8192 : i32
    %dma_start3A_339 = tpu.memref_slice %arg13[%dma_start3A_338] : memref<16384xf32, #tpu.memory_space<vmem>> -> memref<8192xf32, #tpu.memory_space<vmem>>
    %dma_start3A_340 = tpu.memref_slice %arg6[%add3A_337] : memref<4194304xf32, #tpu.memory_space<hbm>> -> memref<8192xf32, #tpu.memory_space<hbm>>
    %dma_start3A_341 = tpu.memref_slice %arg6[%add3A_337] : memref<4194304xf32, #tpu.memory_space<hbm>> -> memref<8192xf32, #tpu.memory_space<hbm>>
    %dma_start3A_342 = arith.constant 8192 : i32
    %dma_start3A_343 = tpu.memref_slice %arg13[%dma_start3A_342] : memref<16384xf32, #tpu.memory_space<vmem>> -> memref<8192xf32, #tpu.memory_space<vmem>>
    tpu.enqueue_dma source(%dma_start3A_343 : memref<8192xf32, #tpu.memory_space<vmem>>) target(%dma_start3A_341 : memref<8192xf32, #tpu.memory_space<hbm>>) target_semaphore(%arg26 : memref<!tpu.dma_semaphore, #tpu.memory_space<semaphore_mem>>)
    %dma_wait3A_344 = arith.constant 0 : i32
    %dma_wait3A_345 = tpu.memref_slice %arg12[%dma_wait3A_344] : memref<16384xf32, #tpu.memory_space<vmem>> -> memref<8192xf32, #tpu.memory_space<vmem>>
    %dma_wait3A_346 = tpu.memref_slice %arg6[%add3A_292] : memref<4194304xf32, #tpu.memory_space<hbm>> -> memref<8192xf32, #tpu.memory_space<hbm>>
    %dma_wait3A_347 = tpu.memref_slice %arg6[%add3A_292] : memref<4194304xf32, #tpu.memory_space<hbm>> -> memref<8192xf32, #tpu.memory_space<hbm>>
    %dma_wait3A_348 = arith.constant 0 : i32
    %dma_wait3A_349 = tpu.memref_slice %arg12[%dma_wait3A_348] : memref<16384xf32, #tpu.memory_space<vmem>> -> memref<8192xf32, #tpu.memory_space<vmem>>
    tpu.wait_dma2 semaphore(%arg25 : memref<!tpu.dma_semaphore, #tpu.memory_space<semaphore_mem>>) src(%dma_wait3A_349 : memref<8192xf32, #tpu.memory_space<vmem>>) dst(%dma_wait3A_347 : memref<8192xf32, #tpu.memory_space<hbm>>)
    %dma_wait3A_350 = arith.constant 0 : i32
    %dma_wait3A_351 = tpu.memref_slice %arg13[%dma_wait3A_350] : memref<16384xf32, #tpu.memory_space<vmem>> -> memref<8192xf32, #tpu.memory_space<vmem>>
    %dma_wait3A_352 = tpu.memref_slice %arg6[%add3A_300] : memref<4194304xf32, #tpu.memory_space<hbm>> -> memref<8192xf32, #tpu.memory_space<hbm>>
    %dma_wait3A_353 = tpu.memref_slice %arg6[%add3A_300] : memref<4194304xf32, #tpu.memory_space<hbm>> -> memref<8192xf32, #tpu.memory_space<hbm>>
    %dma_wait3A_354 = arith.constant 0 : i32
    %dma_wait3A_355 = tpu.memref_slice %arg13[%dma_wait3A_354] : memref<16384xf32, #tpu.memory_space<vmem>> -> memref<8192xf32, #tpu.memory_space<vmem>>
    tpu.wait_dma2 semaphore(%arg25 : memref<!tpu.dma_semaphore, #tpu.memory_space<semaphore_mem>>) src(%dma_wait3A_355 : memref<8192xf32, #tpu.memory_space<vmem>>) dst(%dma_wait3A_353 : memref<8192xf32, #tpu.memory_space<hbm>>)
    %dma_wait3A_356 = arith.constant 8192 : i32
    %dma_wait3A_357 = tpu.memref_slice %arg12[%dma_wait3A_356] : memref<16384xf32, #tpu.memory_space<vmem>> -> memref<8192xf32, #tpu.memory_space<vmem>>
    %dma_wait3A_358 = tpu.memref_slice %arg6[%add3A_329] : memref<4194304xf32, #tpu.memory_space<hbm>> -> memref<8192xf32, #tpu.memory_space<hbm>>
    %dma_wait3A_359 = tpu.memref_slice %arg6[%add3A_329] : memref<4194304xf32, #tpu.memory_space<hbm>> -> memref<8192xf32, #tpu.memory_space<hbm>>
    %dma_wait3A_360 = arith.constant 8192 : i32
    %dma_wait3A_361 = tpu.memref_slice %arg12[%dma_wait3A_360] : memref<16384xf32, #tpu.memory_space<vmem>> -> memref<8192xf32, #tpu.memory_space<vmem>>
    tpu.wait_dma2 semaphore(%arg26 : memref<!tpu.dma_semaphore, #tpu.memory_space<semaphore_mem>>) src(%dma_wait3A_361 : memref<8192xf32, #tpu.memory_space<vmem>>) dst(%dma_wait3A_359 : memref<8192xf32, #tpu.memory_space<hbm>>)
    %dma_wait3A_362 = arith.constant 8192 : i32
    %dma_wait3A_363 = tpu.memref_slice %arg13[%dma_wait3A_362] : memref<16384xf32, #tpu.memory_space<vmem>> -> memref<8192xf32, #tpu.memory_space<vmem>>
    %dma_wait3A_364 = tpu.memref_slice %arg6[%add3A_337] : memref<4194304xf32, #tpu.memory_space<hbm>> -> memref<8192xf32, #tpu.memory_space<hbm>>
    %dma_wait3A_365 = tpu.memref_slice %arg6[%add3A_337] : memref<4194304xf32, #tpu.memory_space<hbm>> -> memref<8192xf32, #tpu.memory_space<hbm>>
    %dma_wait3A_366 = arith.constant 8192 : i32
    %dma_wait3A_367 = tpu.memref_slice %arg13[%dma_wait3A_366] : memref<16384xf32, #tpu.memory_space<vmem>> -> memref<8192xf32, #tpu.memory_space<vmem>>
    tpu.wait_dma2 semaphore(%arg26 : memref<!tpu.dma_semaphore, #tpu.memory_space<semaphore_mem>>) src(%dma_wait3A_367 : memref<8192xf32, #tpu.memory_space<vmem>>) dst(%dma_wait3A_365 : memref<8192xf32, #tpu.memory_space<hbm>>)
    %mul3A_368 = arith.constant 32768 : i32
    %mul3A_369 = arith.muli %add3A, %mul3A_368 : i32
    %add3A_370 = arith.constant 24576 : i32
    %add3A_371 = arith.addi %mul3A_369, %add3A_370 : i32
    %dma_start3A_372 = tpu.memref_slice %arg2[%add3A_371] : memref<1048576xi32, #tpu.memory_space<hbm>> -> memref<8192xi32, #tpu.memory_space<hbm>>
    %dma_start3A_373 = tpu.memref_slice %arg2[%add3A_371] : memref<1048576xi32, #tpu.memory_space<hbm>> -> memref<8192xi32, #tpu.memory_space<hbm>>
    tpu.enqueue_dma source(%dma_start3A_373 : memref<8192xi32, #tpu.memory_space<hbm>>) target(%arg14 : memref<8192xi32, #tpu.memory_space<vmem>>) target_semaphore(%arg18 : memref<!tpu.dma_semaphore, #tpu.memory_space<semaphore_mem>>)
    %dma_start3A_374 = tpu.memref_slice %arg3[%add3A_371] : memref<1048576xi32, #tpu.memory_space<hbm>> -> memref<8192xi32, #tpu.memory_space<hbm>>
    %dma_start3A_375 = tpu.memref_slice %arg3[%add3A_371] : memref<1048576xi32, #tpu.memory_space<hbm>> -> memref<8192xi32, #tpu.memory_space<hbm>>
    tpu.enqueue_dma source(%dma_start3A_375 : memref<8192xi32, #tpu.memory_space<hbm>>) target(%arg15 : memref<8192xi32, #tpu.memory_space<vmem>>) target_semaphore(%arg18 : memref<!tpu.dma_semaphore, #tpu.memory_space<semaphore_mem>>)
    %dma_start3A_376 = tpu.memref_slice %arg4[%add3A_371] : memref<1048576xf32, #tpu.memory_space<hbm>> -> memref<8192xf32, #tpu.memory_space<hbm>>
    %dma_start3A_377 = tpu.memref_slice %arg4[%add3A_371] : memref<1048576xf32, #tpu.memory_space<hbm>> -> memref<8192xf32, #tpu.memory_space<hbm>>
    tpu.enqueue_dma source(%dma_start3A_377 : memref<8192xf32, #tpu.memory_space<hbm>>) target(%arg16 : memref<8192xf32, #tpu.memory_space<vmem>>) target_semaphore(%arg18 : memref<!tpu.dma_semaphore, #tpu.memory_space<semaphore_mem>>)
    %mul3A_378 = arith.constant 32768 : i32
    %mul3A_379 = arith.muli %add3A, %mul3A_378 : i32
    %add3A_380 = arith.constant 24576 : i32
    %add3A_381 = arith.addi %mul3A_379, %add3A_380 : i32
    %mul3A_382 = arith.constant 2 : i32
    %mul3A_383 = arith.muli %mul3A_382, %add3A_381 : i32
    %add3A_384 = arith.constant 0 : i32
    %add3A_385 = arith.addi %mul3A_383, %add3A_384 : i32
    %dma_start3A_386 = arith.constant 0 : i32
    %dma_start3A_387 = tpu.memref_slice %arg12[%dma_start3A_386] : memref<16384xf32, #tpu.memory_space<vmem>> -> memref<8192xf32, #tpu.memory_space<vmem>>
    %dma_start3A_388 = tpu.memref_slice %arg5[%add3A_385] : memref<4194304xf32, #tpu.memory_space<hbm>> -> memref<8192xf32, #tpu.memory_space<hbm>>
    %dma_start3A_389 = arith.constant 0 : i32
    %dma_start3A_390 = tpu.memref_slice %arg12[%dma_start3A_389] : memref<16384xf32, #tpu.memory_space<vmem>> -> memref<8192xf32, #tpu.memory_space<vmem>>
    %dma_start3A_391 = tpu.memref_slice %arg5[%add3A_385] : memref<4194304xf32, #tpu.memory_space<hbm>> -> memref<8192xf32, #tpu.memory_space<hbm>>
    tpu.enqueue_dma source(%dma_start3A_391 : memref<8192xf32, #tpu.memory_space<hbm>>) target(%dma_start3A_390 : memref<8192xf32, #tpu.memory_space<vmem>>) target_semaphore(%arg21 : memref<!tpu.dma_semaphore, #tpu.memory_space<semaphore_mem>>)
    %add3A_392 = arith.constant 2097152 : i32
    %add3A_393 = arith.addi %add3A_392, %add3A_385 : i32
    %dma_start3A_394 = arith.constant 0 : i32
    %dma_start3A_395 = tpu.memref_slice %arg13[%dma_start3A_394] : memref<16384xf32, #tpu.memory_space<vmem>> -> memref<8192xf32, #tpu.memory_space<vmem>>
    %dma_start3A_396 = tpu.memref_slice %arg5[%add3A_393] : memref<4194304xf32, #tpu.memory_space<hbm>> -> memref<8192xf32, #tpu.memory_space<hbm>>
    %dma_start3A_397 = arith.constant 0 : i32
    %dma_start3A_398 = tpu.memref_slice %arg13[%dma_start3A_397] : memref<16384xf32, #tpu.memory_space<vmem>> -> memref<8192xf32, #tpu.memory_space<vmem>>
    %dma_start3A_399 = tpu.memref_slice %arg5[%add3A_393] : memref<4194304xf32, #tpu.memory_space<hbm>> -> memref<8192xf32, #tpu.memory_space<hbm>>
    tpu.enqueue_dma source(%dma_start3A_399 : memref<8192xf32, #tpu.memory_space<hbm>>) target(%dma_start3A_398 : memref<8192xf32, #tpu.memory_space<vmem>>) target_semaphore(%arg21 : memref<!tpu.dma_semaphore, #tpu.memory_space<semaphore_mem>>)
    %mul3A_400 = arith.constant 32768 : i32
    %mul3A_401 = arith.muli %add3A, %mul3A_400 : i32
    %add3A_402 = arith.constant 24576 : i32
    %add3A_403 = arith.addi %mul3A_401, %add3A_402 : i32
    %mul3A_404 = arith.constant 2 : i32
    %mul3A_405 = arith.muli %mul3A_404, %add3A_403 : i32
    %add3A_406 = arith.constant 8192 : i32
    %add3A_407 = arith.addi %mul3A_405, %add3A_406 : i32
    %dma_start3A_408 = arith.constant 8192 : i32
    %dma_start3A_409 = tpu.memref_slice %arg12[%dma_start3A_408] : memref<16384xf32, #tpu.memory_space<vmem>> -> memref<8192xf32, #tpu.memory_space<vmem>>
    %dma_start3A_410 = tpu.memref_slice %arg5[%add3A_407] : memref<4194304xf32, #tpu.memory_space<hbm>> -> memref<8192xf32, #tpu.memory_space<hbm>>
    %dma_start3A_411 = arith.constant 8192 : i32
    %dma_start3A_412 = tpu.memref_slice %arg12[%dma_start3A_411] : memref<16384xf32, #tpu.memory_space<vmem>> -> memref<8192xf32, #tpu.memory_space<vmem>>
    %dma_start3A_413 = tpu.memref_slice %arg5[%add3A_407] : memref<4194304xf32, #tpu.memory_space<hbm>> -> memref<8192xf32, #tpu.memory_space<hbm>>
    tpu.enqueue_dma source(%dma_start3A_413 : memref<8192xf32, #tpu.memory_space<hbm>>) target(%dma_start3A_412 : memref<8192xf32, #tpu.memory_space<vmem>>) target_semaphore(%arg22 : memref<!tpu.dma_semaphore, #tpu.memory_space<semaphore_mem>>)
    %add3A_414 = arith.constant 2097152 : i32
    %add3A_415 = arith.addi %add3A_414, %add3A_407 : i32
    %dma_start3A_416 = arith.constant 8192 : i32
    %dma_start3A_417 = tpu.memref_slice %arg13[%dma_start3A_416] : memref<16384xf32, #tpu.memory_space<vmem>> -> memref<8192xf32, #tpu.memory_space<vmem>>
    %dma_start3A_418 = tpu.memref_slice %arg5[%add3A_415] : memref<4194304xf32, #tpu.memory_space<hbm>> -> memref<8192xf32, #tpu.memory_space<hbm>>
    %dma_start3A_419 = arith.constant 8192 : i32
    %dma_start3A_420 = tpu.memref_slice %arg13[%dma_start3A_419] : memref<16384xf32, #tpu.memory_space<vmem>> -> memref<8192xf32, #tpu.memory_space<vmem>>
    %dma_start3A_421 = tpu.memref_slice %arg5[%add3A_415] : memref<4194304xf32, #tpu.memory_space<hbm>> -> memref<8192xf32, #tpu.memory_space<hbm>>
    tpu.enqueue_dma source(%dma_start3A_421 : memref<8192xf32, #tpu.memory_space<hbm>>) target(%dma_start3A_420 : memref<8192xf32, #tpu.memory_space<vmem>>) target_semaphore(%arg22 : memref<!tpu.dma_semaphore, #tpu.memory_space<semaphore_mem>>)
    %dma_wait3A_422 = tpu.memref_slice %arg2[%add3A_213] : memref<1048576xi32, #tpu.memory_space<hbm>> -> memref<8192xi32, #tpu.memory_space<hbm>>
    %dma_wait3A_423 = tpu.memref_slice %arg2[%add3A_213] : memref<1048576xi32, #tpu.memory_space<hbm>> -> memref<8192xi32, #tpu.memory_space<hbm>>
    tpu.wait_dma2 semaphore(%arg17 : memref<!tpu.dma_semaphore, #tpu.memory_space<semaphore_mem>>) src(%dma_wait3A_423 : memref<8192xi32, #tpu.memory_space<hbm>>) dst(%arg9 : memref<8192xi32, #tpu.memory_space<vmem>>)
    %dma_wait3A_424 = tpu.memref_slice %arg3[%add3A_213] : memref<1048576xi32, #tpu.memory_space<hbm>> -> memref<8192xi32, #tpu.memory_space<hbm>>
    %dma_wait3A_425 = tpu.memref_slice %arg3[%add3A_213] : memref<1048576xi32, #tpu.memory_space<hbm>> -> memref<8192xi32, #tpu.memory_space<hbm>>
    tpu.wait_dma2 semaphore(%arg17 : memref<!tpu.dma_semaphore, #tpu.memory_space<semaphore_mem>>) src(%dma_wait3A_425 : memref<8192xi32, #tpu.memory_space<hbm>>) dst(%arg10 : memref<8192xi32, #tpu.memory_space<vmem>>)
    %dma_wait3A_426 = tpu.memref_slice %arg4[%add3A_213] : memref<1048576xf32, #tpu.memory_space<hbm>> -> memref<8192xf32, #tpu.memory_space<hbm>>
    %dma_wait3A_427 = tpu.memref_slice %arg4[%add3A_213] : memref<1048576xf32, #tpu.memory_space<hbm>> -> memref<8192xf32, #tpu.memory_space<hbm>>
    tpu.wait_dma2 semaphore(%arg17 : memref<!tpu.dma_semaphore, #tpu.memory_space<semaphore_mem>>) src(%dma_wait3A_427 : memref<8192xf32, #tpu.memory_space<hbm>>) dst(%arg11 : memref<8192xf32, #tpu.memory_space<vmem>>)
    %dma_wait3A_428 = arith.constant 0 : i32
    %dma_wait3A_429 = tpu.memref_slice %arg7[%dma_wait3A_428] : memref<16384xf32, #tpu.memory_space<vmem>> -> memref<8192xf32, #tpu.memory_space<vmem>>
    %dma_wait3A_430 = tpu.memref_slice %arg5[%add3A_227] : memref<4194304xf32, #tpu.memory_space<hbm>> -> memref<8192xf32, #tpu.memory_space<hbm>>
    %dma_wait3A_431 = arith.constant 0 : i32
    %dma_wait3A_432 = tpu.memref_slice %arg7[%dma_wait3A_431] : memref<16384xf32, #tpu.memory_space<vmem>> -> memref<8192xf32, #tpu.memory_space<vmem>>
    %dma_wait3A_433 = tpu.memref_slice %arg5[%add3A_227] : memref<4194304xf32, #tpu.memory_space<hbm>> -> memref<8192xf32, #tpu.memory_space<hbm>>
    tpu.wait_dma2 semaphore(%arg19 : memref<!tpu.dma_semaphore, #tpu.memory_space<semaphore_mem>>) src(%dma_wait3A_433 : memref<8192xf32, #tpu.memory_space<hbm>>) dst(%dma_wait3A_432 : memref<8192xf32, #tpu.memory_space<vmem>>)
    %dma_wait3A_434 = arith.constant 0 : i32
    %dma_wait3A_435 = tpu.memref_slice %arg8[%dma_wait3A_434] : memref<16384xf32, #tpu.memory_space<vmem>> -> memref<8192xf32, #tpu.memory_space<vmem>>
    %dma_wait3A_436 = tpu.memref_slice %arg5[%add3A_235] : memref<4194304xf32, #tpu.memory_space<hbm>> -> memref<8192xf32, #tpu.memory_space<hbm>>
    %dma_wait3A_437 = arith.constant 0 : i32
    %dma_wait3A_438 = tpu.memref_slice %arg8[%dma_wait3A_437] : memref<16384xf32, #tpu.memory_space<vmem>> -> memref<8192xf32, #tpu.memory_space<vmem>>
    %dma_wait3A_439 = tpu.memref_slice %arg5[%add3A_235] : memref<4194304xf32, #tpu.memory_space<hbm>> -> memref<8192xf32, #tpu.memory_space<hbm>>
    tpu.wait_dma2 semaphore(%arg19 : memref<!tpu.dma_semaphore, #tpu.memory_space<semaphore_mem>>) src(%dma_wait3A_439 : memref<8192xf32, #tpu.memory_space<hbm>>) dst(%dma_wait3A_438 : memref<8192xf32, #tpu.memory_space<vmem>>)
    %parallel_loop3A_440 = arith.constant 0 : i32
    %parallel_loop3A_441 = arith.constant 256 : i32
    %parallel_loop3A_442 = arith.constant 1 : i32
    scf.for %parallel_loop3A_630 = %parallel_loop3A_440 to %parallel_loop3A_441 step %parallel_loop3A_442  : i32 {
      %parallel_loop3A_631 = arith.constant 6 : i32
      %parallel_loop3A_632 = arith.shrsi %parallel_loop3A_630, %parallel_loop3A_631 : i32
      %parallel_loop3A_633 = arith.constant 3 : i32
      %parallel_loop3A_634 = arith.shrsi %parallel_loop3A_630, %parallel_loop3A_633 : i32
      %parallel_loop3A_635 = arith.constant 7 : i32
      %parallel_loop3A_636 = arith.andi %parallel_loop3A_634, %parallel_loop3A_635 : i32
      %parallel_loop3A_637 = arith.constant 7 : i32
      %parallel_loop3A_638 = arith.andi %parallel_loop3A_630, %parallel_loop3A_637 : i32
      %parallel_loop3A_639 = arith.constant 1024 : i32
      %parallel_loop3A_640 = arith.muli %parallel_loop3A_636, %parallel_loop3A_639 : i32
      %parallel_loop3A_641 = arith.constant 128 : i32
      %parallel_loop3A_642 = arith.muli %parallel_loop3A_632, %parallel_loop3A_641 : i32
      %parallel_loop3A_643 = arith.addi %parallel_loop3A_640, %parallel_loop3A_642 : i32
      %parallel_loop3A_644 = arith.constant 16 : i32
      %parallel_loop3A_645 = arith.muli %parallel_loop3A_638, %parallel_loop3A_644 : i32
      %parallel_loop3A_646 = arith.addi %parallel_loop3A_643, %parallel_loop3A_645 : i32
      %parallel_loop3A_647 = arith.constant 2048 : i32
      %parallel_loop3A_648 = arith.muli %parallel_loop3A_632, %parallel_loop3A_647 : i32
      %parallel_loop3A_649 = arith.constant 256 : i32
      %parallel_loop3A_650 = arith.muli %parallel_loop3A_636, %parallel_loop3A_649 : i32
      %parallel_loop3A_651 = arith.addi %parallel_loop3A_648, %parallel_loop3A_650 : i32
      %parallel_loop3A_652 = arith.constant 16 : i32
      %parallel_loop3A_653 = arith.muli %parallel_loop3A_638, %parallel_loop3A_652 : i32
      %parallel_loop3A_654 = arith.addi %parallel_loop3A_651, %parallel_loop3A_653 : i32
      %parallel_loop3A_655 = arith.index_cast %parallel_loop3A_646 : i32 to index
      %parallel_loop3A_656 = tpu.vector_load %arg9[%parallel_loop3A_655] {strides = array<i32>} : memref<8192xi32, #tpu.memory_space<vmem>>, vector<16xi32>,
      %parallel_loop3A_657 = arith.index_cast %parallel_loop3A_646 : i32 to index
      %parallel_loop3A_658 = tpu.vector_load %arg10[%parallel_loop3A_657] {strides = array<i32>} : memref<8192xi32, #tpu.memory_space<vmem>>, vector<16xi32>,
      %parallel_loop3A_659 = arith.index_cast %parallel_loop3A_646 : i32 to index
      %parallel_loop3A_660 = tpu.vector_load %arg11[%parallel_loop3A_659] {strides = array<i32>} : memref<8192xf32, #tpu.memory_space<vmem>>, vector<16xf32>,
      %parallel_loop3A_661 = arith.index_cast %parallel_loop3A_654 : i32 to index
      %parallel_loop3A_662 = tpu.vector_load %arg7[%parallel_loop3A_661] {strides = array<i32>} : memref<16384xf32, #tpu.memory_space<vmem>>, vector<16xf32>,
      %parallel_loop3A_663 = arith.constant 128 : i32
      %parallel_loop3A_664 = arith.addi %parallel_loop3A_654, %parallel_loop3A_663 : i32
      %parallel_loop3A_665 = arith.index_cast %parallel_loop3A_664 : i32 to index
      %parallel_loop3A_666 = tpu.vector_load %arg7[%parallel_loop3A_665] {strides = array<i32>} : memref<16384xf32, #tpu.memory_space<vmem>>, vector<16xf32>,
      %parallel_loop3A_667 = arith.index_cast %parallel_loop3A_654 : i32 to index
      %parallel_loop3A_668 = tpu.vector_load %arg8[%parallel_loop3A_667] {strides = array<i32>} : memref<16384xf32, #tpu.memory_space<vmem>>, vector<16xf32>,
      %parallel_loop3A_669 = arith.constant 128 : i32
      %parallel_loop3A_670 = arith.addi %parallel_loop3A_654, %parallel_loop3A_669 : i32
      %parallel_loop3A_671 = arith.index_cast %parallel_loop3A_670 : i32 to index
      %parallel_loop3A_672 = tpu.vector_load %arg8[%parallel_loop3A_671] {strides = array<i32>} : memref<16384xf32, #tpu.memory_space<vmem>>, vector<16xf32>,
      %parallel_loop3A_673 = arith.constant 0 : i32
      %parallel_loop3A_674 = vector.broadcast %parallel_loop3A_673 : i32 to vector<16xi32>
      %parallel_loop3A_675 = arith.cmpi eq, %parallel_loop3A_656, %parallel_loop3A_674 : vector<16xi32>
      %parallel_loop3A_676 = arith.constant 0 : i32
      %parallel_loop3A_677 = vector.broadcast %parallel_loop3A_676 : i32 to vector<16xi32>
      %parallel_loop3A_678 = arith.cmpi eq, %parallel_loop3A_658, %parallel_loop3A_677 : vector<16xi32>
      %parallel_loop3A_679 = arith.maximumf %parallel_loop3A_662, %parallel_loop3A_666 : vector<16xf32>
      %parallel_loop3A_680 = arith.maximumf %parallel_loop3A_668, %parallel_loop3A_672 : vector<16xf32>
      %parallel_loop3A_681 = arith.select %parallel_loop3A_678, %parallel_loop3A_679, %parallel_loop3A_680 : vector<16xi1>, vector<16xf32>
      %parallel_loop3A_682 = arith.select %parallel_loop3A_678, %parallel_loop3A_662, %parallel_loop3A_666 : vector<16xi1>, vector<16xf32>
      %parallel_loop3A_683 = arith.select %parallel_loop3A_678, %parallel_loop3A_668, %parallel_loop3A_672 : vector<16xi1>, vector<16xf32>
      %parallel_loop3A_684 = arith.select %parallel_loop3A_675, %parallel_loop3A_682, %parallel_loop3A_683 : vector<16xi1>, vector<16xf32>
      %parallel_loop3A_685 = arith.constant 2.000000e-01 : f32
      %parallel_loop3A_686 = vector.broadcast %parallel_loop3A_685 : f32 to vector<16xf32>
      %parallel_loop3A_687 = arith.mulf %parallel_loop3A_686, %parallel_loop3A_684 : vector<16xf32>
      %parallel_loop3A_688 = arith.constant 8.000000e-01 : f32
      %parallel_loop3A_689 = vector.broadcast %parallel_loop3A_688 : f32 to vector<16xf32>
      %parallel_loop3A_690 = arith.mulf %parallel_loop3A_689, %parallel_loop3A_681 : vector<16xf32>
      %parallel_loop3A_691 = arith.addf %parallel_loop3A_660, %parallel_loop3A_690 : vector<16xf32>
      %parallel_loop3A_692 = arith.constant 8.000000e-01 : f32
      %parallel_loop3A_693 = vector.broadcast %parallel_loop3A_692 : f32 to vector<16xf32>
      %parallel_loop3A_694 = arith.mulf %parallel_loop3A_693, %parallel_loop3A_691 : vector<16xf32>
      %parallel_loop3A_695 = arith.addf %parallel_loop3A_687, %parallel_loop3A_694 : vector<16xf32>
      %parallel_loop3A_696 = arith.constant dense<true> : vector<16xi1>
      %parallel_loop3A_697 = arith.xori %parallel_loop3A_675, %parallel_loop3A_696 : vector<16xi1>
      %parallel_loop3A_698 = arith.constant dense<true> : vector<16xi1>
      %parallel_loop3A_699 = arith.xori %parallel_loop3A_678, %parallel_loop3A_698 : vector<16xi1>
      %parallel_loop3A_700 = arith.andi %parallel_loop3A_675, %parallel_loop3A_678 : vector<16xi1>
      %parallel_loop3A_701 = arith.select %parallel_loop3A_700, %parallel_loop3A_695, %parallel_loop3A_662 : vector<16xi1>, vector<16xf32>
      %parallel_loop3A_702 = arith.index_cast %parallel_loop3A_654 : i32 to index
      %parallel_loop3A_703 = tpu.vector_load %arg7[%parallel_loop3A_702] {strides = array<i32>} : memref<16384xf32, #tpu.memory_space<vmem>>, vector<16xf32>,
      tpu.vector_store %arg7[%parallel_loop3A_702], %parallel_loop3A_701 {strides = array<i32>} : memref<16384xf32, #tpu.memory_space<vmem>>, vector<16xf32>,
      %parallel_loop3A_704 = arith.andi %parallel_loop3A_675, %parallel_loop3A_699 : vector<16xi1>
      %parallel_loop3A_705 = arith.select %parallel_loop3A_704, %parallel_loop3A_695, %parallel_loop3A_666 : vector<16xi1>, vector<16xf32>
      %parallel_loop3A_706 = arith.constant 128 : i32
      %parallel_loop3A_707 = arith.addi %parallel_loop3A_654, %parallel_loop3A_706 : i32
      %parallel_loop3A_708 = arith.index_cast %parallel_loop3A_707 : i32 to index
      %parallel_loop3A_709 = tpu.vector_load %arg7[%parallel_loop3A_708] {strides = array<i32>} : memref<16384xf32, #tpu.memory_space<vmem>>, vector<16xf32>,
      tpu.vector_store %arg7[%parallel_loop3A_708], %parallel_loop3A_705 {strides = array<i32>} : memref<16384xf32, #tpu.memory_space<vmem>>, vector<16xf32>,
      %parallel_loop3A_710 = arith.andi %parallel_loop3A_697, %parallel_loop3A_678 : vector<16xi1>
      %parallel_loop3A_711 = arith.select %parallel_loop3A_710, %parallel_loop3A_695, %parallel_loop3A_668 : vector<16xi1>, vector<16xf32>
      %parallel_loop3A_712 = arith.index_cast %parallel_loop3A_654 : i32 to index
      %parallel_loop3A_713 = tpu.vector_load %arg8[%parallel_loop3A_712] {strides = array<i32>} : memref<16384xf32, #tpu.memory_space<vmem>>, vector<16xf32>,
      tpu.vector_store %arg8[%parallel_loop3A_712], %parallel_loop3A_711 {strides = array<i32>} : memref<16384xf32, #tpu.memory_space<vmem>>, vector<16xf32>,
      %parallel_loop3A_714 = arith.andi %parallel_loop3A_697, %parallel_loop3A_699 : vector<16xi1>
      %parallel_loop3A_715 = arith.select %parallel_loop3A_714, %parallel_loop3A_695, %parallel_loop3A_672 : vector<16xi1>, vector<16xf32>
      %parallel_loop3A_716 = arith.constant 128 : i32
      %parallel_loop3A_717 = arith.addi %parallel_loop3A_654, %parallel_loop3A_716 : i32
      %parallel_loop3A_718 = arith.index_cast %parallel_loop3A_717 : i32 to index
      %parallel_loop3A_719 = tpu.vector_load %arg8[%parallel_loop3A_718] {strides = array<i32>} : memref<16384xf32, #tpu.memory_space<vmem>>, vector<16xf32>,
      tpu.vector_store %arg8[%parallel_loop3A_718], %parallel_loop3A_715 {strides = array<i32>} : memref<16384xf32, #tpu.memory_space<vmem>>, vector<16xf32>,
    } {sc.loop_unroll_factor = 2 : i64, sc.parallel_access}
    %mul3A_443 = arith.constant 32768 : i32
    %mul3A_444 = arith.muli %add3A, %mul3A_443 : i32
    %add3A_445 = arith.constant 16384 : i32
    %add3A_446 = arith.addi %mul3A_444, %add3A_445 : i32
    %mul3A_447 = arith.constant 2 : i32
    %mul3A_448 = arith.muli %mul3A_447, %add3A_446 : i32
    %add3A_449 = arith.constant 0 : i32
    %add3A_450 = arith.addi %mul3A_448, %add3A_449 : i32
    %dma_start3A_451 = arith.constant 0 : i32
    %dma_start3A_452 = tpu.memref_slice %arg7[%dma_start3A_451] : memref<16384xf32, #tpu.memory_space<vmem>> -> memref<8192xf32, #tpu.memory_space<vmem>>
    %dma_start3A_453 = tpu.memref_slice %arg6[%add3A_450] : memref<4194304xf32, #tpu.memory_space<hbm>> -> memref<8192xf32, #tpu.memory_space<hbm>>
    %dma_start3A_454 = tpu.memref_slice %arg6[%add3A_450] : memref<4194304xf32, #tpu.memory_space<hbm>> -> memref<8192xf32, #tpu.memory_space<hbm>>
    %dma_start3A_455 = arith.constant 0 : i32
    %dma_start3A_456 = tpu.memref_slice %arg7[%dma_start3A_455] : memref<16384xf32, #tpu.memory_space<vmem>> -> memref<8192xf32, #tpu.memory_space<vmem>>
    tpu.enqueue_dma source(%dma_start3A_456 : memref<8192xf32, #tpu.memory_space<vmem>>) target(%dma_start3A_454 : memref<8192xf32, #tpu.memory_space<hbm>>) target_semaphore(%arg23 : memref<!tpu.dma_semaphore, #tpu.memory_space<semaphore_mem>>)
    %add3A_457 = arith.constant 2097152 : i32
    %add3A_458 = arith.addi %add3A_457, %add3A_450 : i32
    %dma_start3A_459 = arith.constant 0 : i32
    %dma_start3A_460 = tpu.memref_slice %arg8[%dma_start3A_459] : memref<16384xf32, #tpu.memory_space<vmem>> -> memref<8192xf32, #tpu.memory_space<vmem>>
    %dma_start3A_461 = tpu.memref_slice %arg6[%add3A_458] : memref<4194304xf32, #tpu.memory_space<hbm>> -> memref<8192xf32, #tpu.memory_space<hbm>>
    %dma_start3A_462 = tpu.memref_slice %arg6[%add3A_458] : memref<4194304xf32, #tpu.memory_space<hbm>> -> memref<8192xf32, #tpu.memory_space<hbm>>
    %dma_start3A_463 = arith.constant 0 : i32
    %dma_start3A_464 = tpu.memref_slice %arg8[%dma_start3A_463] : memref<16384xf32, #tpu.memory_space<vmem>> -> memref<8192xf32, #tpu.memory_space<vmem>>
    tpu.enqueue_dma source(%dma_start3A_464 : memref<8192xf32, #tpu.memory_space<vmem>>) target(%dma_start3A_462 : memref<8192xf32, #tpu.memory_space<hbm>>) target_semaphore(%arg23 : memref<!tpu.dma_semaphore, #tpu.memory_space<semaphore_mem>>)
    %dma_wait3A_465 = arith.constant 8192 : i32
    %dma_wait3A_466 = tpu.memref_slice %arg7[%dma_wait3A_465] : memref<16384xf32, #tpu.memory_space<vmem>> -> memref<8192xf32, #tpu.memory_space<vmem>>
    %dma_wait3A_467 = tpu.memref_slice %arg5[%add3A_249] : memref<4194304xf32, #tpu.memory_space<hbm>> -> memref<8192xf32, #tpu.memory_space<hbm>>
    %dma_wait3A_468 = arith.constant 8192 : i32
    %dma_wait3A_469 = tpu.memref_slice %arg7[%dma_wait3A_468] : memref<16384xf32, #tpu.memory_space<vmem>> -> memref<8192xf32, #tpu.memory_space<vmem>>
    %dma_wait3A_470 = tpu.memref_slice %arg5[%add3A_249] : memref<4194304xf32, #tpu.memory_space<hbm>> -> memref<8192xf32, #tpu.memory_space<hbm>>
    tpu.wait_dma2 semaphore(%arg20 : memref<!tpu.dma_semaphore, #tpu.memory_space<semaphore_mem>>) src(%dma_wait3A_470 : memref<8192xf32, #tpu.memory_space<hbm>>) dst(%dma_wait3A_469 : memref<8192xf32, #tpu.memory_space<vmem>>)
    %dma_wait3A_471 = arith.constant 8192 : i32
    %dma_wait3A_472 = tpu.memref_slice %arg8[%dma_wait3A_471] : memref<16384xf32, #tpu.memory_space<vmem>> -> memref<8192xf32, #tpu.memory_space<vmem>>
    %dma_wait3A_473 = tpu.memref_slice %arg5[%add3A_257] : memref<4194304xf32, #tpu.memory_space<hbm>> -> memref<8192xf32, #tpu.memory_space<hbm>>
    %dma_wait3A_474 = arith.constant 8192 : i32
    %dma_wait3A_475 = tpu.memref_slice %arg8[%dma_wait3A_474] : memref<16384xf32, #tpu.memory_space<vmem>> -> memref<8192xf32, #tpu.memory_space<vmem>>
    %dma_wait3A_476 = tpu.memref_slice %arg5[%add3A_257] : memref<4194304xf32, #tpu.memory_space<hbm>> -> memref<8192xf32, #tpu.memory_space<hbm>>
    tpu.wait_dma2 semaphore(%arg20 : memref<!tpu.dma_semaphore, #tpu.memory_space<semaphore_mem>>) src(%dma_wait3A_476 : memref<8192xf32, #tpu.memory_space<hbm>>) dst(%dma_wait3A_475 : memref<8192xf32, #tpu.memory_space<vmem>>)
    %parallel_loop3A_477 = arith.constant 256 : i32
    %parallel_loop3A_478 = arith.constant 512 : i32
    %parallel_loop3A_479 = arith.constant 1 : i32
    scf.for %parallel_loop3A_630 = %parallel_loop3A_477 to %parallel_loop3A_478 step %parallel_loop3A_479  : i32 {
      %parallel_loop3A_631 = arith.constant 6 : i32
      %parallel_loop3A_632 = arith.shrsi %parallel_loop3A_630, %parallel_loop3A_631 : i32
      %parallel_loop3A_633 = arith.constant 3 : i32
      %parallel_loop3A_634 = arith.shrsi %parallel_loop3A_630, %parallel_loop3A_633 : i32
      %parallel_loop3A_635 = arith.constant 7 : i32
      %parallel_loop3A_636 = arith.andi %parallel_loop3A_634, %parallel_loop3A_635 : i32
      %parallel_loop3A_637 = arith.constant 7 : i32
      %parallel_loop3A_638 = arith.andi %parallel_loop3A_630, %parallel_loop3A_637 : i32
      %parallel_loop3A_639 = arith.constant 1024 : i32
      %parallel_loop3A_640 = arith.muli %parallel_loop3A_636, %parallel_loop3A_639 : i32
      %parallel_loop3A_641 = arith.constant 128 : i32
      %parallel_loop3A_642 = arith.muli %parallel_loop3A_632, %parallel_loop3A_641 : i32
      %parallel_loop3A_643 = arith.addi %parallel_loop3A_640, %parallel_loop3A_642 : i32
      %parallel_loop3A_644 = arith.constant 16 : i32
      %parallel_loop3A_645 = arith.muli %parallel_loop3A_638, %parallel_loop3A_644 : i32
      %parallel_loop3A_646 = arith.addi %parallel_loop3A_643, %parallel_loop3A_645 : i32
      %parallel_loop3A_647 = arith.constant 2048 : i32
      %parallel_loop3A_648 = arith.muli %parallel_loop3A_632, %parallel_loop3A_647 : i32
      %parallel_loop3A_649 = arith.constant 256 : i32
      %parallel_loop3A_650 = arith.muli %parallel_loop3A_636, %parallel_loop3A_649 : i32
      %parallel_loop3A_651 = arith.addi %parallel_loop3A_648, %parallel_loop3A_650 : i32
      %parallel_loop3A_652 = arith.constant 16 : i32
      %parallel_loop3A_653 = arith.muli %parallel_loop3A_638, %parallel_loop3A_652 : i32
      %parallel_loop3A_654 = arith.addi %parallel_loop3A_651, %parallel_loop3A_653 : i32
      %parallel_loop3A_655 = arith.index_cast %parallel_loop3A_646 : i32 to index
      %parallel_loop3A_656 = tpu.vector_load %arg9[%parallel_loop3A_655] {strides = array<i32>} : memref<8192xi32, #tpu.memory_space<vmem>>, vector<16xi32>,
      %parallel_loop3A_657 = arith.index_cast %parallel_loop3A_646 : i32 to index
      %parallel_loop3A_658 = tpu.vector_load %arg10[%parallel_loop3A_657] {strides = array<i32>} : memref<8192xi32, #tpu.memory_space<vmem>>, vector<16xi32>,
      %parallel_loop3A_659 = arith.index_cast %parallel_loop3A_646 : i32 to index
      %parallel_loop3A_660 = tpu.vector_load %arg11[%parallel_loop3A_659] {strides = array<i32>} : memref<8192xf32, #tpu.memory_space<vmem>>, vector<16xf32>,
      %parallel_loop3A_661 = arith.index_cast %parallel_loop3A_654 : i32 to index
      %parallel_loop3A_662 = tpu.vector_load %arg7[%parallel_loop3A_661] {strides = array<i32>} : memref<16384xf32, #tpu.memory_space<vmem>>, vector<16xf32>,
      %parallel_loop3A_663 = arith.constant 128 : i32
      %parallel_loop3A_664 = arith.addi %parallel_loop3A_654, %parallel_loop3A_663 : i32
      %parallel_loop3A_665 = arith.index_cast %parallel_loop3A_664 : i32 to index
      %parallel_loop3A_666 = tpu.vector_load %arg7[%parallel_loop3A_665] {strides = array<i32>} : memref<16384xf32, #tpu.memory_space<vmem>>, vector<16xf32>,
      %parallel_loop3A_667 = arith.index_cast %parallel_loop3A_654 : i32 to index
      %parallel_loop3A_668 = tpu.vector_load %arg8[%parallel_loop3A_667] {strides = array<i32>} : memref<16384xf32, #tpu.memory_space<vmem>>, vector<16xf32>,
      %parallel_loop3A_669 = arith.constant 128 : i32
      %parallel_loop3A_670 = arith.addi %parallel_loop3A_654, %parallel_loop3A_669 : i32
      %parallel_loop3A_671 = arith.index_cast %parallel_loop3A_670 : i32 to index
      %parallel_loop3A_672 = tpu.vector_load %arg8[%parallel_loop3A_671] {strides = array<i32>} : memref<16384xf32, #tpu.memory_space<vmem>>, vector<16xf32>,
      %parallel_loop3A_673 = arith.constant 0 : i32
      %parallel_loop3A_674 = vector.broadcast %parallel_loop3A_673 : i32 to vector<16xi32>
      %parallel_loop3A_675 = arith.cmpi eq, %parallel_loop3A_656, %parallel_loop3A_674 : vector<16xi32>
      %parallel_loop3A_676 = arith.constant 0 : i32
      %parallel_loop3A_677 = vector.broadcast %parallel_loop3A_676 : i32 to vector<16xi32>
      %parallel_loop3A_678 = arith.cmpi eq, %parallel_loop3A_658, %parallel_loop3A_677 : vector<16xi32>
      %parallel_loop3A_679 = arith.maximumf %parallel_loop3A_662, %parallel_loop3A_666 : vector<16xf32>
      %parallel_loop3A_680 = arith.maximumf %parallel_loop3A_668, %parallel_loop3A_672 : vector<16xf32>
      %parallel_loop3A_681 = arith.select %parallel_loop3A_678, %parallel_loop3A_679, %parallel_loop3A_680 : vector<16xi1>, vector<16xf32>
      %parallel_loop3A_682 = arith.select %parallel_loop3A_678, %parallel_loop3A_662, %parallel_loop3A_666 : vector<16xi1>, vector<16xf32>
      %parallel_loop3A_683 = arith.select %parallel_loop3A_678, %parallel_loop3A_668, %parallel_loop3A_672 : vector<16xi1>, vector<16xf32>
      %parallel_loop3A_684 = arith.select %parallel_loop3A_675, %parallel_loop3A_682, %parallel_loop3A_683 : vector<16xi1>, vector<16xf32>
      %parallel_loop3A_685 = arith.constant 2.000000e-01 : f32
      %parallel_loop3A_686 = vector.broadcast %parallel_loop3A_685 : f32 to vector<16xf32>
      %parallel_loop3A_687 = arith.mulf %parallel_loop3A_686, %parallel_loop3A_684 : vector<16xf32>
      %parallel_loop3A_688 = arith.constant 8.000000e-01 : f32
      %parallel_loop3A_689 = vector.broadcast %parallel_loop3A_688 : f32 to vector<16xf32>
      %parallel_loop3A_690 = arith.mulf %parallel_loop3A_689, %parallel_loop3A_681 : vector<16xf32>
      %parallel_loop3A_691 = arith.addf %parallel_loop3A_660, %parallel_loop3A_690 : vector<16xf32>
      %parallel_loop3A_692 = arith.constant 8.000000e-01 : f32
      %parallel_loop3A_693 = vector.broadcast %parallel_loop3A_692 : f32 to vector<16xf32>
      %parallel_loop3A_694 = arith.mulf %parallel_loop3A_693, %parallel_loop3A_691 : vector<16xf32>
      %parallel_loop3A_695 = arith.addf %parallel_loop3A_687, %parallel_loop3A_694 : vector<16xf32>
      %parallel_loop3A_696 = arith.constant dense<true> : vector<16xi1>
      %parallel_loop3A_697 = arith.xori %parallel_loop3A_675, %parallel_loop3A_696 : vector<16xi1>
      %parallel_loop3A_698 = arith.constant dense<true> : vector<16xi1>
      %parallel_loop3A_699 = arith.xori %parallel_loop3A_678, %parallel_loop3A_698 : vector<16xi1>
      %parallel_loop3A_700 = arith.andi %parallel_loop3A_675, %parallel_loop3A_678 : vector<16xi1>
      %parallel_loop3A_701 = arith.select %parallel_loop3A_700, %parallel_loop3A_695, %parallel_loop3A_662 : vector<16xi1>, vector<16xf32>
      %parallel_loop3A_702 = arith.index_cast %parallel_loop3A_654 : i32 to index
      %parallel_loop3A_703 = tpu.vector_load %arg7[%parallel_loop3A_702] {strides = array<i32>} : memref<16384xf32, #tpu.memory_space<vmem>>, vector<16xf32>,
      tpu.vector_store %arg7[%parallel_loop3A_702], %parallel_loop3A_701 {strides = array<i32>} : memref<16384xf32, #tpu.memory_space<vmem>>, vector<16xf32>,
      %parallel_loop3A_704 = arith.andi %parallel_loop3A_675, %parallel_loop3A_699 : vector<16xi1>
      %parallel_loop3A_705 = arith.select %parallel_loop3A_704, %parallel_loop3A_695, %parallel_loop3A_666 : vector<16xi1>, vector<16xf32>
      %parallel_loop3A_706 = arith.constant 128 : i32
      %parallel_loop3A_707 = arith.addi %parallel_loop3A_654, %parallel_loop3A_706 : i32
      %parallel_loop3A_708 = arith.index_cast %parallel_loop3A_707 : i32 to index
      %parallel_loop3A_709 = tpu.vector_load %arg7[%parallel_loop3A_708] {strides = array<i32>} : memref<16384xf32, #tpu.memory_space<vmem>>, vector<16xf32>,
      tpu.vector_store %arg7[%parallel_loop3A_708], %parallel_loop3A_705 {strides = array<i32>} : memref<16384xf32, #tpu.memory_space<vmem>>, vector<16xf32>,
      %parallel_loop3A_710 = arith.andi %parallel_loop3A_697, %parallel_loop3A_678 : vector<16xi1>
      %parallel_loop3A_711 = arith.select %parallel_loop3A_710, %parallel_loop3A_695, %parallel_loop3A_668 : vector<16xi1>, vector<16xf32>
      %parallel_loop3A_712 = arith.index_cast %parallel_loop3A_654 : i32 to index
      %parallel_loop3A_713 = tpu.vector_load %arg8[%parallel_loop3A_712] {strides = array<i32>} : memref<16384xf32, #tpu.memory_space<vmem>>, vector<16xf32>,
      tpu.vector_store %arg8[%parallel_loop3A_712], %parallel_loop3A_711 {strides = array<i32>} : memref<16384xf32, #tpu.memory_space<vmem>>, vector<16xf32>,
      %parallel_loop3A_714 = arith.andi %parallel_loop3A_697, %parallel_loop3A_699 : vector<16xi1>
      %parallel_loop3A_715 = arith.select %parallel_loop3A_714, %parallel_loop3A_695, %parallel_loop3A_672 : vector<16xi1>, vector<16xf32>
      %parallel_loop3A_716 = arith.constant 128 : i32
      %parallel_loop3A_717 = arith.addi %parallel_loop3A_654, %parallel_loop3A_716 : i32
      %parallel_loop3A_718 = arith.index_cast %parallel_loop3A_717 : i32 to index
      %parallel_loop3A_719 = tpu.vector_load %arg8[%parallel_loop3A_718] {strides = array<i32>} : memref<16384xf32, #tpu.memory_space<vmem>>, vector<16xf32>,
      tpu.vector_store %arg8[%parallel_loop3A_718], %parallel_loop3A_715 {strides = array<i32>} : memref<16384xf32, #tpu.memory_space<vmem>>, vector<16xf32>,
    } {sc.loop_unroll_factor = 2 : i64, sc.parallel_access}
    %mul3A_480 = arith.constant 32768 : i32
    %mul3A_481 = arith.muli %add3A, %mul3A_480 : i32
    %add3A_482 = arith.constant 16384 : i32
    %add3A_483 = arith.addi %mul3A_481, %add3A_482 : i32
    %mul3A_484 = arith.constant 2 : i32
    %mul3A_485 = arith.muli %mul3A_484, %add3A_483 : i32
    %add3A_486 = arith.constant 8192 : i32
    %add3A_487 = arith.addi %mul3A_485, %add3A_486 : i32
    %dma_start3A_488 = arith.constant 8192 : i32
    %dma_start3A_489 = tpu.memref_slice %arg7[%dma_start3A_488] : memref<16384xf32, #tpu.memory_space<vmem>> -> memref<8192xf32, #tpu.memory_space<vmem>>
    %dma_start3A_490 = tpu.memref_slice %arg6[%add3A_487] : memref<4194304xf32, #tpu.memory_space<hbm>> -> memref<8192xf32, #tpu.memory_space<hbm>>
    %dma_start3A_491 = tpu.memref_slice %arg6[%add3A_487] : memref<4194304xf32, #tpu.memory_space<hbm>> -> memref<8192xf32, #tpu.memory_space<hbm>>
    %dma_start3A_492 = arith.constant 8192 : i32
    %dma_start3A_493 = tpu.memref_slice %arg7[%dma_start3A_492] : memref<16384xf32, #tpu.memory_space<vmem>> -> memref<8192xf32, #tpu.memory_space<vmem>>
    tpu.enqueue_dma source(%dma_start3A_493 : memref<8192xf32, #tpu.memory_space<vmem>>) target(%dma_start3A_491 : memref<8192xf32, #tpu.memory_space<hbm>>) target_semaphore(%arg24 : memref<!tpu.dma_semaphore, #tpu.memory_space<semaphore_mem>>)
    %add3A_494 = arith.constant 2097152 : i32
    %add3A_495 = arith.addi %add3A_494, %add3A_487 : i32
    %dma_start3A_496 = arith.constant 8192 : i32
    %dma_start3A_497 = tpu.memref_slice %arg8[%dma_start3A_496] : memref<16384xf32, #tpu.memory_space<vmem>> -> memref<8192xf32, #tpu.memory_space<vmem>>
    %dma_start3A_498 = tpu.memref_slice %arg6[%add3A_495] : memref<4194304xf32, #tpu.memory_space<hbm>> -> memref<8192xf32, #tpu.memory_space<hbm>>
    %dma_start3A_499 = tpu.memref_slice %arg6[%add3A_495] : memref<4194304xf32, #tpu.memory_space<hbm>> -> memref<8192xf32, #tpu.memory_space<hbm>>
    %dma_start3A_500 = arith.constant 8192 : i32
    %dma_start3A_501 = tpu.memref_slice %arg8[%dma_start3A_500] : memref<16384xf32, #tpu.memory_space<vmem>> -> memref<8192xf32, #tpu.memory_space<vmem>>
    tpu.enqueue_dma source(%dma_start3A_501 : memref<8192xf32, #tpu.memory_space<vmem>>) target(%dma_start3A_499 : memref<8192xf32, #tpu.memory_space<hbm>>) target_semaphore(%arg24 : memref<!tpu.dma_semaphore, #tpu.memory_space<semaphore_mem>>)
    %dma_wait3A_502 = tpu.memref_slice %arg2[%add3A_371] : memref<1048576xi32, #tpu.memory_space<hbm>> -> memref<8192xi32, #tpu.memory_space<hbm>>
    %dma_wait3A_503 = tpu.memref_slice %arg2[%add3A_371] : memref<1048576xi32, #tpu.memory_space<hbm>> -> memref<8192xi32, #tpu.memory_space<hbm>>
    tpu.wait_dma2 semaphore(%arg18 : memref<!tpu.dma_semaphore, #tpu.memory_space<semaphore_mem>>) src(%dma_wait3A_503 : memref<8192xi32, #tpu.memory_space<hbm>>) dst(%arg14 : memref<8192xi32, #tpu.memory_space<vmem>>)
    %dma_wait3A_504 = tpu.memref_slice %arg3[%add3A_371] : memref<1048576xi32, #tpu.memory_space<hbm>> -> memref<8192xi32, #tpu.memory_space<hbm>>
    %dma_wait3A_505 = tpu.memref_slice %arg3[%add3A_371] : memref<1048576xi32, #tpu.memory_space<hbm>> -> memref<8192xi32, #tpu.memory_space<hbm>>
    tpu.wait_dma2 semaphore(%arg18 : memref<!tpu.dma_semaphore, #tpu.memory_space<semaphore_mem>>) src(%dma_wait3A_505 : memref<8192xi32, #tpu.memory_space<hbm>>) dst(%arg15 : memref<8192xi32, #tpu.memory_space<vmem>>)
    %dma_wait3A_506 = tpu.memref_slice %arg4[%add3A_371] : memref<1048576xf32, #tpu.memory_space<hbm>> -> memref<8192xf32, #tpu.memory_space<hbm>>
    %dma_wait3A_507 = tpu.memref_slice %arg4[%add3A_371] : memref<1048576xf32, #tpu.memory_space<hbm>> -> memref<8192xf32, #tpu.memory_space<hbm>>
    tpu.wait_dma2 semaphore(%arg18 : memref<!tpu.dma_semaphore, #tpu.memory_space<semaphore_mem>>) src(%dma_wait3A_507 : memref<8192xf32, #tpu.memory_space<hbm>>) dst(%arg16 : memref<8192xf32, #tpu.memory_space<vmem>>)
    %dma_wait3A_508 = arith.constant 0 : i32
    %dma_wait3A_509 = tpu.memref_slice %arg12[%dma_wait3A_508] : memref<16384xf32, #tpu.memory_space<vmem>> -> memref<8192xf32, #tpu.memory_space<vmem>>
    %dma_wait3A_510 = tpu.memref_slice %arg5[%add3A_385] : memref<4194304xf32, #tpu.memory_space<hbm>> -> memref<8192xf32, #tpu.memory_space<hbm>>
    %dma_wait3A_511 = arith.constant 0 : i32
    %dma_wait3A_512 = tpu.memref_slice %arg12[%dma_wait3A_511] : memref<16384xf32, #tpu.memory_space<vmem>> -> memref<8192xf32, #tpu.memory_space<vmem>>
    %dma_wait3A_513 = tpu.memref_slice %arg5[%add3A_385] : memref<4194304xf32, #tpu.memory_space<hbm>> -> memref<8192xf32, #tpu.memory_space<hbm>>
    tpu.wait_dma2 semaphore(%arg21 : memref<!tpu.dma_semaphore, #tpu.memory_space<semaphore_mem>>) src(%dma_wait3A_513 : memref<8192xf32, #tpu.memory_space<hbm>>) dst(%dma_wait3A_512 : memref<8192xf32, #tpu.memory_space<vmem>>)
    %dma_wait3A_514 = arith.constant 0 : i32
    %dma_wait3A_515 = tpu.memref_slice %arg13[%dma_wait3A_514] : memref<16384xf32, #tpu.memory_space<vmem>> -> memref<8192xf32, #tpu.memory_space<vmem>>
    %dma_wait3A_516 = tpu.memref_slice %arg5[%add3A_393] : memref<4194304xf32, #tpu.memory_space<hbm>> -> memref<8192xf32, #tpu.memory_space<hbm>>
    %dma_wait3A_517 = arith.constant 0 : i32
    %dma_wait3A_518 = tpu.memref_slice %arg13[%dma_wait3A_517] : memref<16384xf32, #tpu.memory_space<vmem>> -> memref<8192xf32, #tpu.memory_space<vmem>>
    %dma_wait3A_519 = tpu.memref_slice %arg5[%add3A_393] : memref<4194304xf32, #tpu.memory_space<hbm>> -> memref<8192xf32, #tpu.memory_space<hbm>>
    tpu.wait_dma2 semaphore(%arg21 : memref<!tpu.dma_semaphore, #tpu.memory_space<semaphore_mem>>) src(%dma_wait3A_519 : memref<8192xf32, #tpu.memory_space<hbm>>) dst(%dma_wait3A_518 : memref<8192xf32, #tpu.memory_space<vmem>>)
    %parallel_loop3A_520 = arith.constant 0 : i32
    %parallel_loop3A_521 = arith.constant 256 : i32
    %parallel_loop3A_522 = arith.constant 1 : i32
    scf.for %parallel_loop3A_630 = %parallel_loop3A_520 to %parallel_loop3A_521 step %parallel_loop3A_522  : i32 {
      %parallel_loop3A_631 = arith.constant 6 : i32
      %parallel_loop3A_632 = arith.shrsi %parallel_loop3A_630, %parallel_loop3A_631 : i32
      %parallel_loop3A_633 = arith.constant 3 : i32
      %parallel_loop3A_634 = arith.shrsi %parallel_loop3A_630, %parallel_loop3A_633 : i32
      %parallel_loop3A_635 = arith.constant 7 : i32
      %parallel_loop3A_636 = arith.andi %parallel_loop3A_634, %parallel_loop3A_635 : i32
      %parallel_loop3A_637 = arith.constant 7 : i32
      %parallel_loop3A_638 = arith.andi %parallel_loop3A_630, %parallel_loop3A_637 : i32
      %parallel_loop3A_639 = arith.constant 1024 : i32
      %parallel_loop3A_640 = arith.muli %parallel_loop3A_636, %parallel_loop3A_639 : i32
      %parallel_loop3A_641 = arith.constant 128 : i32
      %parallel_loop3A_642 = arith.muli %parallel_loop3A_632, %parallel_loop3A_641 : i32
      %parallel_loop3A_643 = arith.addi %parallel_loop3A_640, %parallel_loop3A_642 : i32
      %parallel_loop3A_644 = arith.constant 16 : i32
      %parallel_loop3A_645 = arith.muli %parallel_loop3A_638, %parallel_loop3A_644 : i32
      %parallel_loop3A_646 = arith.addi %parallel_loop3A_643, %parallel_loop3A_645 : i32
      %parallel_loop3A_647 = arith.constant 2048 : i32
      %parallel_loop3A_648 = arith.muli %parallel_loop3A_632, %parallel_loop3A_647 : i32
      %parallel_loop3A_649 = arith.constant 256 : i32
      %parallel_loop3A_650 = arith.muli %parallel_loop3A_636, %parallel_loop3A_649 : i32
      %parallel_loop3A_651 = arith.addi %parallel_loop3A_648, %parallel_loop3A_650 : i32
      %parallel_loop3A_652 = arith.constant 16 : i32
      %parallel_loop3A_653 = arith.muli %parallel_loop3A_638, %parallel_loop3A_652 : i32
      %parallel_loop3A_654 = arith.addi %parallel_loop3A_651, %parallel_loop3A_653 : i32
      %parallel_loop3A_655 = arith.index_cast %parallel_loop3A_646 : i32 to index
      %parallel_loop3A_656 = tpu.vector_load %arg14[%parallel_loop3A_655] {strides = array<i32>} : memref<8192xi32, #tpu.memory_space<vmem>>, vector<16xi32>,
      %parallel_loop3A_657 = arith.index_cast %parallel_loop3A_646 : i32 to index
      %parallel_loop3A_658 = tpu.vector_load %arg15[%parallel_loop3A_657] {strides = array<i32>} : memref<8192xi32, #tpu.memory_space<vmem>>, vector<16xi32>,
      %parallel_loop3A_659 = arith.index_cast %parallel_loop3A_646 : i32 to index
      %parallel_loop3A_660 = tpu.vector_load %arg16[%parallel_loop3A_659] {strides = array<i32>} : memref<8192xf32, #tpu.memory_space<vmem>>, vector<16xf32>,
      %parallel_loop3A_661 = arith.index_cast %parallel_loop3A_654 : i32 to index
      %parallel_loop3A_662 = tpu.vector_load %arg12[%parallel_loop3A_661] {strides = array<i32>} : memref<16384xf32, #tpu.memory_space<vmem>>, vector<16xf32>,
      %parallel_loop3A_663 = arith.constant 128 : i32
      %parallel_loop3A_664 = arith.addi %parallel_loop3A_654, %parallel_loop3A_663 : i32
      %parallel_loop3A_665 = arith.index_cast %parallel_loop3A_664 : i32 to index
      %parallel_loop3A_666 = tpu.vector_load %arg12[%parallel_loop3A_665] {strides = array<i32>} : memref<16384xf32, #tpu.memory_space<vmem>>, vector<16xf32>,
      %parallel_loop3A_667 = arith.index_cast %parallel_loop3A_654 : i32 to index
      %parallel_loop3A_668 = tpu.vector_load %arg13[%parallel_loop3A_667] {strides = array<i32>} : memref<16384xf32, #tpu.memory_space<vmem>>, vector<16xf32>,
      %parallel_loop3A_669 = arith.constant 128 : i32
      %parallel_loop3A_670 = arith.addi %parallel_loop3A_654, %parallel_loop3A_669 : i32
      %parallel_loop3A_671 = arith.index_cast %parallel_loop3A_670 : i32 to index
      %parallel_loop3A_672 = tpu.vector_load %arg13[%parallel_loop3A_671] {strides = array<i32>} : memref<16384xf32, #tpu.memory_space<vmem>>, vector<16xf32>,
      %parallel_loop3A_673 = arith.constant 0 : i32
      %parallel_loop3A_674 = vector.broadcast %parallel_loop3A_673 : i32 to vector<16xi32>
      %parallel_loop3A_675 = arith.cmpi eq, %parallel_loop3A_656, %parallel_loop3A_674 : vector<16xi32>
      %parallel_loop3A_676 = arith.constant 0 : i32
      %parallel_loop3A_677 = vector.broadcast %parallel_loop3A_676 : i32 to vector<16xi32>
      %parallel_loop3A_678 = arith.cmpi eq, %parallel_loop3A_658, %parallel_loop3A_677 : vector<16xi32>
      %parallel_loop3A_679 = arith.maximumf %parallel_loop3A_662, %parallel_loop3A_666 : vector<16xf32>
      %parallel_loop3A_680 = arith.maximumf %parallel_loop3A_668, %parallel_loop3A_672 : vector<16xf32>
      %parallel_loop3A_681 = arith.select %parallel_loop3A_678, %parallel_loop3A_679, %parallel_loop3A_680 : vector<16xi1>, vector<16xf32>
      %parallel_loop3A_682 = arith.select %parallel_loop3A_678, %parallel_loop3A_662, %parallel_loop3A_666 : vector<16xi1>, vector<16xf32>
      %parallel_loop3A_683 = arith.select %parallel_loop3A_678, %parallel_loop3A_668, %parallel_loop3A_672 : vector<16xi1>, vector<16xf32>
      %parallel_loop3A_684 = arith.select %parallel_loop3A_675, %parallel_loop3A_682, %parallel_loop3A_683 : vector<16xi1>, vector<16xf32>
      %parallel_loop3A_685 = arith.constant 2.000000e-01 : f32
      %parallel_loop3A_686 = vector.broadcast %parallel_loop3A_685 : f32 to vector<16xf32>
      %parallel_loop3A_687 = arith.mulf %parallel_loop3A_686, %parallel_loop3A_684 : vector<16xf32>
      %parallel_loop3A_688 = arith.constant 8.000000e-01 : f32
      %parallel_loop3A_689 = vector.broadcast %parallel_loop3A_688 : f32 to vector<16xf32>
      %parallel_loop3A_690 = arith.mulf %parallel_loop3A_689, %parallel_loop3A_681 : vector<16xf32>
      %parallel_loop3A_691 = arith.addf %parallel_loop3A_660, %parallel_loop3A_690 : vector<16xf32>
      %parallel_loop3A_692 = arith.constant 8.000000e-01 : f32
      %parallel_loop3A_693 = vector.broadcast %parallel_loop3A_692 : f32 to vector<16xf32>
      %parallel_loop3A_694 = arith.mulf %parallel_loop3A_693, %parallel_loop3A_691 : vector<16xf32>
      %parallel_loop3A_695 = arith.addf %parallel_loop3A_687, %parallel_loop3A_694 : vector<16xf32>
      %parallel_loop3A_696 = arith.constant dense<true> : vector<16xi1>
      %parallel_loop3A_697 = arith.xori %parallel_loop3A_675, %parallel_loop3A_696 : vector<16xi1>
      %parallel_loop3A_698 = arith.constant dense<true> : vector<16xi1>
      %parallel_loop3A_699 = arith.xori %parallel_loop3A_678, %parallel_loop3A_698 : vector<16xi1>
      %parallel_loop3A_700 = arith.andi %parallel_loop3A_675, %parallel_loop3A_678 : vector<16xi1>
      %parallel_loop3A_701 = arith.select %parallel_loop3A_700, %parallel_loop3A_695, %parallel_loop3A_662 : vector<16xi1>, vector<16xf32>
      %parallel_loop3A_702 = arith.index_cast %parallel_loop3A_654 : i32 to index
      %parallel_loop3A_703 = tpu.vector_load %arg12[%parallel_loop3A_702] {strides = array<i32>} : memref<16384xf32, #tpu.memory_space<vmem>>, vector<16xf32>,
      tpu.vector_store %arg12[%parallel_loop3A_702], %parallel_loop3A_701 {strides = array<i32>} : memref<16384xf32, #tpu.memory_space<vmem>>, vector<16xf32>,
      %parallel_loop3A_704 = arith.andi %parallel_loop3A_675, %parallel_loop3A_699 : vector<16xi1>
      %parallel_loop3A_705 = arith.select %parallel_loop3A_704, %parallel_loop3A_695, %parallel_loop3A_666 : vector<16xi1>, vector<16xf32>
      %parallel_loop3A_706 = arith.constant 128 : i32
      %parallel_loop3A_707 = arith.addi %parallel_loop3A_654, %parallel_loop3A_706 : i32
      %parallel_loop3A_708 = arith.index_cast %parallel_loop3A_707 : i32 to index
      %parallel_loop3A_709 = tpu.vector_load %arg12[%parallel_loop3A_708] {strides = array<i32>} : memref<16384xf32, #tpu.memory_space<vmem>>, vector<16xf32>,
      tpu.vector_store %arg12[%parallel_loop3A_708], %parallel_loop3A_705 {strides = array<i32>} : memref<16384xf32, #tpu.memory_space<vmem>>, vector<16xf32>,
      %parallel_loop3A_710 = arith.andi %parallel_loop3A_697, %parallel_loop3A_678 : vector<16xi1>
      %parallel_loop3A_711 = arith.select %parallel_loop3A_710, %parallel_loop3A_695, %parallel_loop3A_668 : vector<16xi1>, vector<16xf32>
      %parallel_loop3A_712 = arith.index_cast %parallel_loop3A_654 : i32 to index
      %parallel_loop3A_713 = tpu.vector_load %arg13[%parallel_loop3A_712] {strides = array<i32>} : memref<16384xf32, #tpu.memory_space<vmem>>, vector<16xf32>,
      tpu.vector_store %arg13[%parallel_loop3A_712], %parallel_loop3A_711 {strides = array<i32>} : memref<16384xf32, #tpu.memory_space<vmem>>, vector<16xf32>,
      %parallel_loop3A_714 = arith.andi %parallel_loop3A_697, %parallel_loop3A_699 : vector<16xi1>
      %parallel_loop3A_715 = arith.select %parallel_loop3A_714, %parallel_loop3A_695, %parallel_loop3A_672 : vector<16xi1>, vector<16xf32>
      %parallel_loop3A_716 = arith.constant 128 : i32
      %parallel_loop3A_717 = arith.addi %parallel_loop3A_654, %parallel_loop3A_716 : i32
      %parallel_loop3A_718 = arith.index_cast %parallel_loop3A_717 : i32 to index
      %parallel_loop3A_719 = tpu.vector_load %arg13[%parallel_loop3A_718] {strides = array<i32>} : memref<16384xf32, #tpu.memory_space<vmem>>, vector<16xf32>,
      tpu.vector_store %arg13[%parallel_loop3A_718], %parallel_loop3A_715 {strides = array<i32>} : memref<16384xf32, #tpu.memory_space<vmem>>, vector<16xf32>,
    } {sc.loop_unroll_factor = 2 : i64, sc.parallel_access}
    %mul3A_523 = arith.constant 32768 : i32
    %mul3A_524 = arith.muli %add3A, %mul3A_523 : i32
    %add3A_525 = arith.constant 24576 : i32
    %add3A_526 = arith.addi %mul3A_524, %add3A_525 : i32
    %mul3A_527 = arith.constant 2 : i32
    %mul3A_528 = arith.muli %mul3A_527, %add3A_526 : i32
    %add3A_529 = arith.constant 0 : i32
    %add3A_530 = arith.addi %mul3A_528, %add3A_529 : i32
    %dma_start3A_531 = arith.constant 0 : i32
    %dma_start3A_532 = tpu.memref_slice %arg12[%dma_start3A_531] : memref<16384xf32, #tpu.memory_space<vmem>> -> memref<8192xf32, #tpu.memory_space<vmem>>
    %dma_start3A_533 = tpu.memref_slice %arg6[%add3A_530] : memref<4194304xf32, #tpu.memory_space<hbm>> -> memref<8192xf32, #tpu.memory_space<hbm>>
    %dma_start3A_534 = tpu.memref_slice %arg6[%add3A_530] : memref<4194304xf32, #tpu.memory_space<hbm>> -> memref<8192xf32, #tpu.memory_space<hbm>>
    %dma_start3A_535 = arith.constant 0 : i32
    %dma_start3A_536 = tpu.memref_slice %arg12[%dma_start3A_535] : memref<16384xf32, #tpu.memory_space<vmem>> -> memref<8192xf32, #tpu.memory_space<vmem>>
    tpu.enqueue_dma source(%dma_start3A_536 : memref<8192xf32, #tpu.memory_space<vmem>>) target(%dma_start3A_534 : memref<8192xf32, #tpu.memory_space<hbm>>) target_semaphore(%arg25 : memref<!tpu.dma_semaphore, #tpu.memory_space<semaphore_mem>>)
    %add3A_537 = arith.constant 2097152 : i32
    %add3A_538 = arith.addi %add3A_537, %add3A_530 : i32
    %dma_start3A_539 = arith.constant 0 : i32
    %dma_start3A_540 = tpu.memref_slice %arg13[%dma_start3A_539] : memref<16384xf32, #tpu.memory_space<vmem>> -> memref<8192xf32, #tpu.memory_space<vmem>>
    %dma_start3A_541 = tpu.memref_slice %arg6[%add3A_538] : memref<4194304xf32, #tpu.memory_space<hbm>> -> memref<8192xf32, #tpu.memory_space<hbm>>
    %dma_start3A_542 = tpu.memref_slice %arg6[%add3A_538] : memref<4194304xf32, #tpu.memory_space<hbm>> -> memref<8192xf32, #tpu.memory_space<hbm>>
    %dma_start3A_543 = arith.constant 0 : i32
    %dma_start3A_544 = tpu.memref_slice %arg13[%dma_start3A_543] : memref<16384xf32, #tpu.memory_space<vmem>> -> memref<8192xf32, #tpu.memory_space<vmem>>
    tpu.enqueue_dma source(%dma_start3A_544 : memref<8192xf32, #tpu.memory_space<vmem>>) target(%dma_start3A_542 : memref<8192xf32, #tpu.memory_space<hbm>>) target_semaphore(%arg25 : memref<!tpu.dma_semaphore, #tpu.memory_space<semaphore_mem>>)
    %dma_wait3A_545 = arith.constant 8192 : i32
    %dma_wait3A_546 = tpu.memref_slice %arg12[%dma_wait3A_545] : memref<16384xf32, #tpu.memory_space<vmem>> -> memref<8192xf32, #tpu.memory_space<vmem>>
    %dma_wait3A_547 = tpu.memref_slice %arg5[%add3A_407] : memref<4194304xf32, #tpu.memory_space<hbm>> -> memref<8192xf32, #tpu.memory_space<hbm>>
    %dma_wait3A_548 = arith.constant 8192 : i32
    %dma_wait3A_549 = tpu.memref_slice %arg12[%dma_wait3A_548] : memref<16384xf32, #tpu.memory_space<vmem>> -> memref<8192xf32, #tpu.memory_space<vmem>>
    %dma_wait3A_550 = tpu.memref_slice %arg5[%add3A_407] : memref<4194304xf32, #tpu.memory_space<hbm>> -> memref<8192xf32, #tpu.memory_space<hbm>>
    tpu.wait_dma2 semaphore(%arg22 : memref<!tpu.dma_semaphore, #tpu.memory_space<semaphore_mem>>) src(%dma_wait3A_550 : memref<8192xf32, #tpu.memory_space<hbm>>) dst(%dma_wait3A_549 : memref<8192xf32, #tpu.memory_space<vmem>>)
    %dma_wait3A_551 = arith.constant 8192 : i32
    %dma_wait3A_552 = tpu.memref_slice %arg13[%dma_wait3A_551] : memref<16384xf32, #tpu.memory_space<vmem>> -> memref<8192xf32, #tpu.memory_space<vmem>>
    %dma_wait3A_553 = tpu.memref_slice %arg5[%add3A_415] : memref<4194304xf32, #tpu.memory_space<hbm>> -> memref<8192xf32, #tpu.memory_space<hbm>>
    %dma_wait3A_554 = arith.constant 8192 : i32
    %dma_wait3A_555 = tpu.memref_slice %arg13[%dma_wait3A_554] : memref<16384xf32, #tpu.memory_space<vmem>> -> memref<8192xf32, #tpu.memory_space<vmem>>
    %dma_wait3A_556 = tpu.memref_slice %arg5[%add3A_415] : memref<4194304xf32, #tpu.memory_space<hbm>> -> memref<8192xf32, #tpu.memory_space<hbm>>
    tpu.wait_dma2 semaphore(%arg22 : memref<!tpu.dma_semaphore, #tpu.memory_space<semaphore_mem>>) src(%dma_wait3A_556 : memref<8192xf32, #tpu.memory_space<hbm>>) dst(%dma_wait3A_555 : memref<8192xf32, #tpu.memory_space<vmem>>)
    %parallel_loop3A_557 = arith.constant 256 : i32
    %parallel_loop3A_558 = arith.constant 512 : i32
    %parallel_loop3A_559 = arith.constant 1 : i32
    scf.for %parallel_loop3A_630 = %parallel_loop3A_557 to %parallel_loop3A_558 step %parallel_loop3A_559  : i32 {
      %parallel_loop3A_631 = arith.constant 6 : i32
      %parallel_loop3A_632 = arith.shrsi %parallel_loop3A_630, %parallel_loop3A_631 : i32
      %parallel_loop3A_633 = arith.constant 3 : i32
      %parallel_loop3A_634 = arith.shrsi %parallel_loop3A_630, %parallel_loop3A_633 : i32
      %parallel_loop3A_635 = arith.constant 7 : i32
      %parallel_loop3A_636 = arith.andi %parallel_loop3A_634, %parallel_loop3A_635 : i32
      %parallel_loop3A_637 = arith.constant 7 : i32
      %parallel_loop3A_638 = arith.andi %parallel_loop3A_630, %parallel_loop3A_637 : i32
      %parallel_loop3A_639 = arith.constant 1024 : i32
      %parallel_loop3A_640 = arith.muli %parallel_loop3A_636, %parallel_loop3A_639 : i32
      %parallel_loop3A_641 = arith.constant 128 : i32
      %parallel_loop3A_642 = arith.muli %parallel_loop3A_632, %parallel_loop3A_641 : i32
      %parallel_loop3A_643 = arith.addi %parallel_loop3A_640, %parallel_loop3A_642 : i32
      %parallel_loop3A_644 = arith.constant 16 : i32
      %parallel_loop3A_645 = arith.muli %parallel_loop3A_638, %parallel_loop3A_644 : i32
      %parallel_loop3A_646 = arith.addi %parallel_loop3A_643, %parallel_loop3A_645 : i32
      %parallel_loop3A_647 = arith.constant 2048 : i32
      %parallel_loop3A_648 = arith.muli %parallel_loop3A_632, %parallel_loop3A_647 : i32
      %parallel_loop3A_649 = arith.constant 256 : i32
      %parallel_loop3A_650 = arith.muli %parallel_loop3A_636, %parallel_loop3A_649 : i32
      %parallel_loop3A_651 = arith.addi %parallel_loop3A_648, %parallel_loop3A_650 : i32
      %parallel_loop3A_652 = arith.constant 16 : i32
      %parallel_loop3A_653 = arith.muli %parallel_loop3A_638, %parallel_loop3A_652 : i32
      %parallel_loop3A_654 = arith.addi %parallel_loop3A_651, %parallel_loop3A_653 : i32
      %parallel_loop3A_655 = arith.index_cast %parallel_loop3A_646 : i32 to index
      %parallel_loop3A_656 = tpu.vector_load %arg14[%parallel_loop3A_655] {strides = array<i32>} : memref<8192xi32, #tpu.memory_space<vmem>>, vector<16xi32>,
      %parallel_loop3A_657 = arith.index_cast %parallel_loop3A_646 : i32 to index
      %parallel_loop3A_658 = tpu.vector_load %arg15[%parallel_loop3A_657] {strides = array<i32>} : memref<8192xi32, #tpu.memory_space<vmem>>, vector<16xi32>,
      %parallel_loop3A_659 = arith.index_cast %parallel_loop3A_646 : i32 to index
      %parallel_loop3A_660 = tpu.vector_load %arg16[%parallel_loop3A_659] {strides = array<i32>} : memref<8192xf32, #tpu.memory_space<vmem>>, vector<16xf32>,
      %parallel_loop3A_661 = arith.index_cast %parallel_loop3A_654 : i32 to index
      %parallel_loop3A_662 = tpu.vector_load %arg12[%parallel_loop3A_661] {strides = array<i32>} : memref<16384xf32, #tpu.memory_space<vmem>>, vector<16xf32>,
      %parallel_loop3A_663 = arith.constant 128 : i32
      %parallel_loop3A_664 = arith.addi %parallel_loop3A_654, %parallel_loop3A_663 : i32
      %parallel_loop3A_665 = arith.index_cast %parallel_loop3A_664 : i32 to index
      %parallel_loop3A_666 = tpu.vector_load %arg12[%parallel_loop3A_665] {strides = array<i32>} : memref<16384xf32, #tpu.memory_space<vmem>>, vector<16xf32>,
      %parallel_loop3A_667 = arith.index_cast %parallel_loop3A_654 : i32 to index
      %parallel_loop3A_668 = tpu.vector_load %arg13[%parallel_loop3A_667] {strides = array<i32>} : memref<16384xf32, #tpu.memory_space<vmem>>, vector<16xf32>,
      %parallel_loop3A_669 = arith.constant 128 : i32
      %parallel_loop3A_670 = arith.addi %parallel_loop3A_654, %parallel_loop3A_669 : i32
      %parallel_loop3A_671 = arith.index_cast %parallel_loop3A_670 : i32 to index
      %parallel_loop3A_672 = tpu.vector_load %arg13[%parallel_loop3A_671] {strides = array<i32>} : memref<16384xf32, #tpu.memory_space<vmem>>, vector<16xf32>,
      %parallel_loop3A_673 = arith.constant 0 : i32
      %parallel_loop3A_674 = vector.broadcast %parallel_loop3A_673 : i32 to vector<16xi32>
      %parallel_loop3A_675 = arith.cmpi eq, %parallel_loop3A_656, %parallel_loop3A_674 : vector<16xi32>
      %parallel_loop3A_676 = arith.constant 0 : i32
      %parallel_loop3A_677 = vector.broadcast %parallel_loop3A_676 : i32 to vector<16xi32>
      %parallel_loop3A_678 = arith.cmpi eq, %parallel_loop3A_658, %parallel_loop3A_677 : vector<16xi32>
      %parallel_loop3A_679 = arith.maximumf %parallel_loop3A_662, %parallel_loop3A_666 : vector<16xf32>
      %parallel_loop3A_680 = arith.maximumf %parallel_loop3A_668, %parallel_loop3A_672 : vector<16xf32>
      %parallel_loop3A_681 = arith.select %parallel_loop3A_678, %parallel_loop3A_679, %parallel_loop3A_680 : vector<16xi1>, vector<16xf32>
      %parallel_loop3A_682 = arith.select %parallel_loop3A_678, %parallel_loop3A_662, %parallel_loop3A_666 : vector<16xi1>, vector<16xf32>
      %parallel_loop3A_683 = arith.select %parallel_loop3A_678, %parallel_loop3A_668, %parallel_loop3A_672 : vector<16xi1>, vector<16xf32>
      %parallel_loop3A_684 = arith.select %parallel_loop3A_675, %parallel_loop3A_682, %parallel_loop3A_683 : vector<16xi1>, vector<16xf32>
      %parallel_loop3A_685 = arith.constant 2.000000e-01 : f32
      %parallel_loop3A_686 = vector.broadcast %parallel_loop3A_685 : f32 to vector<16xf32>
      %parallel_loop3A_687 = arith.mulf %parallel_loop3A_686, %parallel_loop3A_684 : vector<16xf32>
      %parallel_loop3A_688 = arith.constant 8.000000e-01 : f32
      %parallel_loop3A_689 = vector.broadcast %parallel_loop3A_688 : f32 to vector<16xf32>
      %parallel_loop3A_690 = arith.mulf %parallel_loop3A_689, %parallel_loop3A_681 : vector<16xf32>
      %parallel_loop3A_691 = arith.addf %parallel_loop3A_660, %parallel_loop3A_690 : vector<16xf32>
      %parallel_loop3A_692 = arith.constant 8.000000e-01 : f32
      %parallel_loop3A_693 = vector.broadcast %parallel_loop3A_692 : f32 to vector<16xf32>
      %parallel_loop3A_694 = arith.mulf %parallel_loop3A_693, %parallel_loop3A_691 : vector<16xf32>
      %parallel_loop3A_695 = arith.addf %parallel_loop3A_687, %parallel_loop3A_694 : vector<16xf32>
      %parallel_loop3A_696 = arith.constant dense<true> : vector<16xi1>
      %parallel_loop3A_697 = arith.xori %parallel_loop3A_675, %parallel_loop3A_696 : vector<16xi1>
      %parallel_loop3A_698 = arith.constant dense<true> : vector<16xi1>
      %parallel_loop3A_699 = arith.xori %parallel_loop3A_678, %parallel_loop3A_698 : vector<16xi1>
      %parallel_loop3A_700 = arith.andi %parallel_loop3A_675, %parallel_loop3A_678 : vector<16xi1>
      %parallel_loop3A_701 = arith.select %parallel_loop3A_700, %parallel_loop3A_695, %parallel_loop3A_662 : vector<16xi1>, vector<16xf32>
      %parallel_loop3A_702 = arith.index_cast %parallel_loop3A_654 : i32 to index
      %parallel_loop3A_703 = tpu.vector_load %arg12[%parallel_loop3A_702] {strides = array<i32>} : memref<16384xf32, #tpu.memory_space<vmem>>, vector<16xf32>,
      tpu.vector_store %arg12[%parallel_loop3A_702], %parallel_loop3A_701 {strides = array<i32>} : memref<16384xf32, #tpu.memory_space<vmem>>, vector<16xf32>,
      %parallel_loop3A_704 = arith.andi %parallel_loop3A_675, %parallel_loop3A_699 : vector<16xi1>
      %parallel_loop3A_705 = arith.select %parallel_loop3A_704, %parallel_loop3A_695, %parallel_loop3A_666 : vector<16xi1>, vector<16xf32>
      %parallel_loop3A_706 = arith.constant 128 : i32
      %parallel_loop3A_707 = arith.addi %parallel_loop3A_654, %parallel_loop3A_706 : i32
      %parallel_loop3A_708 = arith.index_cast %parallel_loop3A_707 : i32 to index
      %parallel_loop3A_709 = tpu.vector_load %arg12[%parallel_loop3A_708] {strides = array<i32>} : memref<16384xf32, #tpu.memory_space<vmem>>, vector<16xf32>,
      tpu.vector_store %arg12[%parallel_loop3A_708], %parallel_loop3A_705 {strides = array<i32>} : memref<16384xf32, #tpu.memory_space<vmem>>, vector<16xf32>,
      %parallel_loop3A_710 = arith.andi %parallel_loop3A_697, %parallel_loop3A_678 : vector<16xi1>
      %parallel_loop3A_711 = arith.select %parallel_loop3A_710, %parallel_loop3A_695, %parallel_loop3A_668 : vector<16xi1>, vector<16xf32>
      %parallel_loop3A_712 = arith.index_cast %parallel_loop3A_654 : i32 to index
      %parallel_loop3A_713 = tpu.vector_load %arg13[%parallel_loop3A_712] {strides = array<i32>} : memref<16384xf32, #tpu.memory_space<vmem>>, vector<16xf32>,
      tpu.vector_store %arg13[%parallel_loop3A_712], %parallel_loop3A_711 {strides = array<i32>} : memref<16384xf32, #tpu.memory_space<vmem>>, vector<16xf32>,
      %parallel_loop3A_714 = arith.andi %parallel_loop3A_697, %parallel_loop3A_699 : vector<16xi1>
      %parallel_loop3A_715 = arith.select %parallel_loop3A_714, %parallel_loop3A_695, %parallel_loop3A_672 : vector<16xi1>, vector<16xf32>
      %parallel_loop3A_716 = arith.constant 128 : i32
      %parallel_loop3A_717 = arith.addi %parallel_loop3A_654, %parallel_loop3A_716 : i32
      %parallel_loop3A_718 = arith.index_cast %parallel_loop3A_717 : i32 to index
      %parallel_loop3A_719 = tpu.vector_load %arg13[%parallel_loop3A_718] {strides = array<i32>} : memref<16384xf32, #tpu.memory_space<vmem>>, vector<16xf32>,
      tpu.vector_store %arg13[%parallel_loop3A_718], %parallel_loop3A_715 {strides = array<i32>} : memref<16384xf32, #tpu.memory_space<vmem>>, vector<16xf32>,
    } {sc.loop_unroll_factor = 2 : i64, sc.parallel_access}
    %mul3A_560 = arith.constant 32768 : i32
    %mul3A_561 = arith.muli %add3A, %mul3A_560 : i32
    %add3A_562 = arith.constant 24576 : i32
    %add3A_563 = arith.addi %mul3A_561, %add3A_562 : i32
    %mul3A_564 = arith.constant 2 : i32
    %mul3A_565 = arith.muli %mul3A_564, %add3A_563 : i32
    %add3A_566 = arith.constant 8192 : i32
    %add3A_567 = arith.addi %mul3A_565, %add3A_566 : i32
    %dma_start3A_568 = arith.constant 8192 : i32
    %dma_start3A_569 = tpu.memref_slice %arg12[%dma_start3A_568] : memref<16384xf32, #tpu.memory_space<vmem>> -> memref<8192xf32, #tpu.memory_space<vmem>>
    %dma_start3A_570 = tpu.memref_slice %arg6[%add3A_567] : memref<4194304xf32, #tpu.memory_space<hbm>> -> memref<8192xf32, #tpu.memory_space<hbm>>
    %dma_start3A_571 = tpu.memref_slice %arg6[%add3A_567] : memref<4194304xf32, #tpu.memory_space<hbm>> -> memref<8192xf32, #tpu.memory_space<hbm>>
    %dma_start3A_572 = arith.constant 8192 : i32
    %dma_start3A_573 = tpu.memref_slice %arg12[%dma_start3A_572] : memref<16384xf32, #tpu.memory_space<vmem>> -> memref<8192xf32, #tpu.memory_space<vmem>>
    tpu.enqueue_dma source(%dma_start3A_573 : memref<8192xf32, #tpu.memory_space<vmem>>) target(%dma_start3A_571 : memref<8192xf32, #tpu.memory_space<hbm>>) target_semaphore(%arg26 : memref<!tpu.dma_semaphore, #tpu.memory_space<semaphore_mem>>)
    %add3A_574 = arith.constant 2097152 : i32
    %add3A_575 = arith.addi %add3A_574, %add3A_567 : i32
    %dma_start3A_576 = arith.constant 8192 : i32
    %dma_start3A_577 = tpu.memref_slice %arg13[%dma_start3A_576] : memref<16384xf32, #tpu.memory_space<vmem>> -> memref<8192xf32, #tpu.memory_space<vmem>>
    %dma_start3A_578 = tpu.memref_slice %arg6[%add3A_575] : memref<4194304xf32, #tpu.memory_space<hbm>> -> memref<8192xf32, #tpu.memory_space<hbm>>
    %dma_start3A_579 = tpu.memref_slice %arg6[%add3A_575] : memref<4194304xf32, #tpu.memory_space<hbm>> -> memref<8192xf32, #tpu.memory_space<hbm>>
    %dma_start3A_580 = arith.constant 8192 : i32
    %dma_start3A_581 = tpu.memref_slice %arg13[%dma_start3A_580] : memref<16384xf32, #tpu.memory_space<vmem>> -> memref<8192xf32, #tpu.memory_space<vmem>>
    tpu.enqueue_dma source(%dma_start3A_581 : memref<8192xf32, #tpu.memory_space<vmem>>) target(%dma_start3A_579 : memref<8192xf32, #tpu.memory_space<hbm>>) target_semaphore(%arg26 : memref<!tpu.dma_semaphore, #tpu.memory_space<semaphore_mem>>)
    %dma_wait3A_582 = arith.constant 0 : i32
    %dma_wait3A_583 = tpu.memref_slice %arg7[%dma_wait3A_582] : memref<16384xf32, #tpu.memory_space<vmem>> -> memref<8192xf32, #tpu.memory_space<vmem>>
    %dma_wait3A_584 = tpu.memref_slice %arg6[%add3A_450] : memref<4194304xf32, #tpu.memory_space<hbm>> -> memref<8192xf32, #tpu.memory_space<hbm>>
    %dma_wait3A_585 = tpu.memref_slice %arg6[%add3A_450] : memref<4194304xf32, #tpu.memory_space<hbm>> -> memref<8192xf32, #tpu.memory_space<hbm>>
    %dma_wait3A_586 = arith.constant 0 : i32
    %dma_wait3A_587 = tpu.memref_slice %arg7[%dma_wait3A_586] : memref<16384xf32, #tpu.memory_space<vmem>> -> memref<8192xf32, #tpu.memory_space<vmem>>
    tpu.wait_dma2 semaphore(%arg23 : memref<!tpu.dma_semaphore, #tpu.memory_space<semaphore_mem>>) src(%dma_wait3A_587 : memref<8192xf32, #tpu.memory_space<vmem>>) dst(%dma_wait3A_585 : memref<8192xf32, #tpu.memory_space<hbm>>)
    %dma_wait3A_588 = arith.constant 0 : i32
    %dma_wait3A_589 = tpu.memref_slice %arg8[%dma_wait3A_588] : memref<16384xf32, #tpu.memory_space<vmem>> -> memref<8192xf32, #tpu.memory_space<vmem>>
    %dma_wait3A_590 = tpu.memref_slice %arg6[%add3A_458] : memref<4194304xf32, #tpu.memory_space<hbm>> -> memref<8192xf32, #tpu.memory_space<hbm>>
    %dma_wait3A_591 = tpu.memref_slice %arg6[%add3A_458] : memref<4194304xf32, #tpu.memory_space<hbm>> -> memref<8192xf32, #tpu.memory_space<hbm>>
    %dma_wait3A_592 = arith.constant 0 : i32
    %dma_wait3A_593 = tpu.memref_slice %arg8[%dma_wait3A_592] : memref<16384xf32, #tpu.memory_space<vmem>> -> memref<8192xf32, #tpu.memory_space<vmem>>
    tpu.wait_dma2 semaphore(%arg23 : memref<!tpu.dma_semaphore, #tpu.memory_space<semaphore_mem>>) src(%dma_wait3A_593 : memref<8192xf32, #tpu.memory_space<vmem>>) dst(%dma_wait3A_591 : memref<8192xf32, #tpu.memory_space<hbm>>)
    %dma_wait3A_594 = arith.constant 8192 : i32
    %dma_wait3A_595 = tpu.memref_slice %arg7[%dma_wait3A_594] : memref<16384xf32, #tpu.memory_space<vmem>> -> memref<8192xf32, #tpu.memory_space<vmem>>
    %dma_wait3A_596 = tpu.memref_slice %arg6[%add3A_487] : memref<4194304xf32, #tpu.memory_space<hbm>> -> memref<8192xf32, #tpu.memory_space<hbm>>
    %dma_wait3A_597 = tpu.memref_slice %arg6[%add3A_487] : memref<4194304xf32, #tpu.memory_space<hbm>> -> memref<8192xf32, #tpu.memory_space<hbm>>
    %dma_wait3A_598 = arith.constant 8192 : i32
    %dma_wait3A_599 = tpu.memref_slice %arg7[%dma_wait3A_598] : memref<16384xf32, #tpu.memory_space<vmem>> -> memref<8192xf32, #tpu.memory_space<vmem>>
    tpu.wait_dma2 semaphore(%arg24 : memref<!tpu.dma_semaphore, #tpu.memory_space<semaphore_mem>>) src(%dma_wait3A_599 : memref<8192xf32, #tpu.memory_space<vmem>>) dst(%dma_wait3A_597 : memref<8192xf32, #tpu.memory_space<hbm>>)
    %dma_wait3A_600 = arith.constant 8192 : i32
    %dma_wait3A_601 = tpu.memref_slice %arg8[%dma_wait3A_600] : memref<16384xf32, #tpu.memory_space<vmem>> -> memref<8192xf32, #tpu.memory_space<vmem>>
    %dma_wait3A_602 = tpu.memref_slice %arg6[%add3A_495] : memref<4194304xf32, #tpu.memory_space<hbm>> -> memref<8192xf32, #tpu.memory_space<hbm>>
    %dma_wait3A_603 = tpu.memref_slice %arg6[%add3A_495] : memref<4194304xf32, #tpu.memory_space<hbm>> -> memref<8192xf32, #tpu.memory_space<hbm>>
    %dma_wait3A_604 = arith.constant 8192 : i32
    %dma_wait3A_605 = tpu.memref_slice %arg8[%dma_wait3A_604] : memref<16384xf32, #tpu.memory_space<vmem>> -> memref<8192xf32, #tpu.memory_space<vmem>>
    tpu.wait_dma2 semaphore(%arg24 : memref<!tpu.dma_semaphore, #tpu.memory_space<semaphore_mem>>) src(%dma_wait3A_605 : memref<8192xf32, #tpu.memory_space<vmem>>) dst(%dma_wait3A_603 : memref<8192xf32, #tpu.memory_space<hbm>>)
    %dma_wait3A_606 = arith.constant 0 : i32
    %dma_wait3A_607 = tpu.memref_slice %arg12[%dma_wait3A_606] : memref<16384xf32, #tpu.memory_space<vmem>> -> memref<8192xf32, #tpu.memory_space<vmem>>
    %dma_wait3A_608 = tpu.memref_slice %arg6[%add3A_530] : memref<4194304xf32, #tpu.memory_space<hbm>> -> memref<8192xf32, #tpu.memory_space<hbm>>
    %dma_wait3A_609 = tpu.memref_slice %arg6[%add3A_530] : memref<4194304xf32, #tpu.memory_space<hbm>> -> memref<8192xf32, #tpu.memory_space<hbm>>
    %dma_wait3A_610 = arith.constant 0 : i32
    %dma_wait3A_611 = tpu.memref_slice %arg12[%dma_wait3A_610] : memref<16384xf32, #tpu.memory_space<vmem>> -> memref<8192xf32, #tpu.memory_space<vmem>>
    tpu.wait_dma2 semaphore(%arg25 : memref<!tpu.dma_semaphore, #tpu.memory_space<semaphore_mem>>) src(%dma_wait3A_611 : memref<8192xf32, #tpu.memory_space<vmem>>) dst(%dma_wait3A_609 : memref<8192xf32, #tpu.memory_space<hbm>>)
    %dma_wait3A_612 = arith.constant 0 : i32
    %dma_wait3A_613 = tpu.memref_slice %arg13[%dma_wait3A_612] : memref<16384xf32, #tpu.memory_space<vmem>> -> memref<8192xf32, #tpu.memory_space<vmem>>
    %dma_wait3A_614 = tpu.memref_slice %arg6[%add3A_538] : memref<4194304xf32, #tpu.memory_space<hbm>> -> memref<8192xf32, #tpu.memory_space<hbm>>
    %dma_wait3A_615 = tpu.memref_slice %arg6[%add3A_538] : memref<4194304xf32, #tpu.memory_space<hbm>> -> memref<8192xf32, #tpu.memory_space<hbm>>
    %dma_wait3A_616 = arith.constant 0 : i32
    %dma_wait3A_617 = tpu.memref_slice %arg13[%dma_wait3A_616] : memref<16384xf32, #tpu.memory_space<vmem>> -> memref<8192xf32, #tpu.memory_space<vmem>>
    tpu.wait_dma2 semaphore(%arg25 : memref<!tpu.dma_semaphore, #tpu.memory_space<semaphore_mem>>) src(%dma_wait3A_617 : memref<8192xf32, #tpu.memory_space<vmem>>) dst(%dma_wait3A_615 : memref<8192xf32, #tpu.memory_space<hbm>>)
    %dma_wait3A_618 = arith.constant 8192 : i32
    %dma_wait3A_619 = tpu.memref_slice %arg12[%dma_wait3A_618] : memref<16384xf32, #tpu.memory_space<vmem>> -> memref<8192xf32, #tpu.memory_space<vmem>>
    %dma_wait3A_620 = tpu.memref_slice %arg6[%add3A_567] : memref<4194304xf32, #tpu.memory_space<hbm>> -> memref<8192xf32, #tpu.memory_space<hbm>>
    %dma_wait3A_621 = tpu.memref_slice %arg6[%add3A_567] : memref<4194304xf32, #tpu.memory_space<hbm>> -> memref<8192xf32, #tpu.memory_space<hbm>>
    %dma_wait3A_622 = arith.constant 8192 : i32
    %dma_wait3A_623 = tpu.memref_slice %arg12[%dma_wait3A_622] : memref<16384xf32, #tpu.memory_space<vmem>> -> memref<8192xf32, #tpu.memory_space<vmem>>
    tpu.wait_dma2 semaphore(%arg26 : memref<!tpu.dma_semaphore, #tpu.memory_space<semaphore_mem>>) src(%dma_wait3A_623 : memref<8192xf32, #tpu.memory_space<vmem>>) dst(%dma_wait3A_621 : memref<8192xf32, #tpu.memory_space<hbm>>)
    %dma_wait3A_624 = arith.constant 8192 : i32
    %dma_wait3A_625 = tpu.memref_slice %arg13[%dma_wait3A_624] : memref<16384xf32, #tpu.memory_space<vmem>> -> memref<8192xf32, #tpu.memory_space<vmem>>
    %dma_wait3A_626 = tpu.memref_slice %arg6[%add3A_575] : memref<4194304xf32, #tpu.memory_space<hbm>> -> memref<8192xf32, #tpu.memory_space<hbm>>
    %dma_wait3A_627 = tpu.memref_slice %arg6[%add3A_575] : memref<4194304xf32, #tpu.memory_space<hbm>> -> memref<8192xf32, #tpu.memory_space<hbm>>
    %dma_wait3A_628 = arith.constant 8192 : i32
    %dma_wait3A_629 = tpu.memref_slice %arg13[%dma_wait3A_628] : memref<16384xf32, #tpu.memory_space<vmem>> -> memref<8192xf32, #tpu.memory_space<vmem>>
    tpu.wait_dma2 semaphore(%arg26 : memref<!tpu.dma_semaphore, #tpu.memory_space<semaphore_mem>>) src(%dma_wait3A_629 : memref<8192xf32, #tpu.memory_space<vmem>>) dst(%dma_wait3A_627 : memref<8192xf32, #tpu.memory_space<hbm>>)
    return
  }
}

</mosaic_0001>

<sc_bundles>
// kernel: kernel.3.cloned.1.call-start
scs
__scs_entry_jumppad:
0x0: {  	(pc) =	sbr.rel $0x88, $3  }
0x1: {  	(tag) =	ssettag $0x0;
	lr =	simm.s32 $0x1  }
0x2: {  	[smem:$0x3F9D] =	sst lr;
	_ =	strace $0xD0000000  }
0x3: {  	_ = 	snop  }
0x4: {  	_ = 	snop  }
0x5: {  	_ = 	snop  }
0x6: {  	_ = 	snop  }
0x7: {  	_ = 	snop  }
__scs_overlays_trampoline_lowered:
0x8: {  	[smem:$0x3FAC] =	sst s0  }
0x9: {  	[smem:$0x3FAD] =	sst s1  }
0xa: {  	[smem:$0x3FAE] =	sst s2  }
0xb: {  	[smem:$0x3FAF] =	sst s3  }
0xc: {  	[smem:$0x3FB0] =	sst s4  }
0xd: {  	[smem:$0x3FB1] =	sst s5  }
0xe: {  	[smem:$0x3FB2] =	sst s6  }
0xf: {  	[smem:$0x3FB3] =	sst s7  }
0x10: {  	[smem:$0x3FB4] =	sst s8  }
0x11: {  	[smem:$0x3FB5] =	sst s9;
	s0 =	simm.s32 @!p0 $0x0  }
0x12: {  	s1 =	sld [smem:$0x3F9B];
	s0 =	simm.s32 @p0 $0x1  }
0x13: {  	[smem:$0x3FB6] =	sst s0;
	s0 =	simm.s32 @!p1 $0x0  }
0x14: {  	s2 =	sld [smem:$0x3F9A];
	s0 =	simm.s32 @p1 $0x1  }
0x15: {  	[smem:$0x3FB7] =	sst s0;
	s0 =	simm.s32 @!p2 $0x0  }
0x16: {  	s3 =	sld [smem:$0x3FDB];
	s0 =	simm.s32 @p2 $0x1  }
0x17: {  	s4 =	simm.s32 $0x1BF5;
	[smem:$0x3FB9] =	sst s0  }
0x18: {  	s0 =	sld [smem:$0x3F9C];
	_ =	swait.ge [sflag:s4], $0x0  }
0x19: {  	s7 =	sld [smem:$0x3F9D]  }
0x1a: {  	s8 =	sadd.s32 $0xFFFFE003, lr  }
0x1b: {  	s9 =	sadd.s32 $0xFFFFFEF7, lr;
	s5 =	simm.s32 $0xFFFFFFFF;
	p2 =	slt.u32 s8, $0xFFFFF086  }
0x1c: {  	p1 =	slt.u32 s9, $0xF7A;
	s5 =	simm.s32 @!p2 $0x0  }
0x1d: {  	s5 =	simm.s32 @p1 $0x1;
	p0 =	seq.s32 s7, s2  }
0x1e: {  	s7 =	smul.u32 @!p0 $0xF7A, s2;
	p2 =	seq.s32 @!p0 s5, $0x0  }
0x1f: {  	s9 =	smul.u32 $0xF7A, s1;
	s8 =	simm.s32 @!p0 $0x1BF5;
	p2 =	por !p2, p0  }
0x20: {  	[sflag:s8] =	ssyncset.s32 @!p0 $0xFFFFF086;
	s6 =	sadd.s32 @!p0 s3, s7;
	s7 =	simm.s32 @!p0 $0x108  }
0x21: {  	s3 =	sadd.s32 s3, s9;
	s6 =	sadd.s32 @!p0 $0x88, s6;
	s7 =	simm.s32 @p2 $0x1082  }
0x22: {  	[simem:s7], [sflag:s8] =	dma.local @!p0 [hbm:s6], $0xF7A  }
0x23: {  	s9 =	sor.u32 $0xD0000000, s2;
	s6 =	simm.s32 $0x108;
	_ =	swait.ge @!p0 [sflag:s8], $0x0  }
0x24: {  	s3 =	sadd.s32 $0x88, s3;
	s6 =	simm.s32 @!p1 $0x1082;
	[sflag:s4] =	ssyncset.s32 $0xFFFFF086  }
0x25: {  	[simem:s6], [sflag:s4] =	dma.local [hbm:s3], $0xF7A  }
0x26: {  	[smem:$0x3F9D] =	sst s1;
	(tag) =	ssettag s2;
	_ =	strace s9  }
0x27: {  	s1 =	sld [smem:$0x3FAD]  }
0x28: {  	s2 =	sld [smem:$0x3FAE]  }
0x29: {  	s4 =	sld [smem:$0x3FB0]  }
0x2a: {  	p0 =	seq.s32 s5, $0x0;
	s5 =	sld [smem:$0x3FB1]  }
0x2b: {  	s6 =	sld [smem:$0x3FB2]  }
0x2c: {  	s7 =	sld [smem:$0x3FB3]  }
0x2d: {  	s3 =	simm.s32 $0x108;
	s8 =	sld [smem:$0x3FB4]  }
0x2e: {  	s3 =	simm.s32 @!p0 $0x1082;
	s9 =	sld [smem:$0x3FB5]  }
0x2f: {  	lr =	sadd.s32 s0, s3;
	s0 =	sld [smem:$0x3FAC]  }
0x30: {  	s3 =	sld [smem:$0x3FAF]  }
0x31: {  	[smem:$0x3FB8] =	sst s10  }
0x32: {  	s10 =	sld [smem:$0x3FB6];
	_ =	sdelay $0x3  }
0x33: {  	p0 =	seq.s32 s10, $0x1;
	s10 =	sld [smem:$0x3FB8];
	_ =	sdelay $0x3  }
0x34: {  	[smem:$0x3FB8] =	sst s10  }
0x35: {  	s10 =	sld [smem:$0x3FB7];
	_ =	sdelay $0x3  }
0x36: {  	p1 =	seq.s32 s10, $0x1;
	s10 =	sld [smem:$0x3FB8];
	_ =	sdelay $0x3  }
0x37: {  	[smem:$0x3FB8] =	sst s10  }
0x38: {  	s10 =	sld [smem:$0x3FB9]  }
0x39: {  	_ = 	snop;
	(pc) =	sbr.ind lr, $3  }
0x3a: {  	_ = 	snop  }
0x3b: {  	_ = 	snop  }
0x3c: {  	p2 =	seq.s32 s10, $0x1;
	s10 =	sld [smem:$0x3FB8]  }
0x3d: {  	_ =	shalt  }
0x3e: {  	_ =	shalt  }
0x3f: {  	_ =	shalt  }
0x40: {  	_ =	shalt  }
0x41: {  	_ =	shalt  }
0x42: {  	_ =	shalt  }
0x43: {  	_ =	shalt  }
0x44: {  	_ =	shalt  }
0x45: {  	_ =	shalt  }
0x46: {  	_ =	shalt  }
0x47: {  	_ =	shalt  }
0x48: {  	_ =	shalt  }
0x49: {  	_ =	shalt  }
0x4a: {  	_ =	shalt  }
0x4b: {  	_ =	shalt  }
0x4c: {  	_ =	shalt  }
0x4d: {  	_ =	shalt  }
0x4e: {  	_ =	shalt  }
0x4f: {  	_ =	shalt  }
0x50: {  	_ =	shalt  }
0x51: {  	_ =	shalt  }
0x52: {  	_ =	shalt  }
0x53: {  	_ =	shalt  }
0x54: {  	_ =	shalt  }
0x55: {  	_ =	shalt  }
0x56: {  	_ =	shalt  }
0x57: {  	_ =	shalt  }
0x58: {  	_ =	shalt  }
0x59: {  	_ =	shalt  }
0x5a: {  	_ =	shalt  }
0x5b: {  	_ =	shalt  }
0x5c: {  	_ =	shalt  }
0x5d: {  	_ =	shalt  }
0x5e: {  	_ =	shalt  }
0x5f: {  	_ =	shalt  }
0x60: {  	_ =	shalt  }
0x61: {  	_ =	shalt  }
0x62: {  	_ =	shalt  }
0x63: {  	_ =	shalt  }
0x64: {  	_ =	shalt  }
0x65: {  	_ =	shalt  }
0x66: {  	_ =	shalt  }
0x67: {  	_ =	shalt  }
0x68: {  	_ =	shalt  }
0x69: {  	_ =	shalt  }
0x6a: {  	_ =	shalt  }
0x6b: {  	_ =	shalt  }
0x6c: {  	_ =	shalt  }
0x6d: {  	_ =	shalt  }
0x6e: {  	_ =	shalt  }
0x6f: {  	_ =	shalt  }
0x70: {  	_ =	shalt  }
0x71: {  	_ =	shalt  }
0x72: {  	_ =	shalt  }
0x73: {  	_ =	shalt  }
0x74: {  	_ =	shalt  }
0x75: {  	_ =	shalt  }
0x76: {  	_ =	shalt  }
0x77: {  	_ =	shalt  }
0x78: {  	_ =	shalt  }
0x79: {  	_ =	shalt  }
0x7a: {  	_ =	shalt  }
0x7b: {  	_ =	shalt  }
0x7c: {  	_ =	shalt  }
0x7d: {  	_ =	shalt  }
0x7e: {  	_ =	shalt  }
0x7f: {  	_ =	shalt  }
0x80: {  	_ =	shalt  }
0x81: {  	_ =	shalt  }
0x82: {  	_ =	shalt  }
0x83: {  	_ =	shalt  }
0x84: {  	_ =	shalt  }
0x85: {  	_ =	shalt  }
0x86: {  	_ =	shalt  }
0x87: {  	_ =	shalt  }
.Lfunc_end0:
.L_simem_size_0:
called_computation_lowered:
.L_overlay_start_0:
0x88: {  	s2 =	sld [smem:$0x3FD9]  }
0x89: {  	s3 =	sld [smem:$0x3FFE];
	_ =	sdelay $0x1  }
0x8a: {  	s1 =	srdreg.scid  }
0x8b: {  	s0 =	sand.u32 $0x1, s1  }
0x8c: {  	s18 =	sshll.u32 s0, $0xA;
	s2 =	sadd.s32 s3, s2  }
0x8d: {  	s2 =	sadd.s32 s2, s18  }
0x8e: {  	[smem:$0x3FC4] =	sst s2  }
0x8f: {  	_ = 	snop  }
0x90: {  	s2 =	sld [smem:$0x3FC9]  }
0x91: {  	s19 =	sld [smem:$0x3FC8]  }
0x92: {  	s4 =	sld [smem:$0x3FC7]  }
0x93: {  	s5 =	sld [smem:$0x3FC6]  }
0x94: {  	s6 =	sld [smem:$0x3FD0];
	(tm) =	ssettm $0x1  }
0x95: {  	s7 =	sld [smem:$0x3FFB];
	_ =	sdelay $0x3  }
0x96: {  	_ =	strace s7  }
0x97: {  	s7 =	sld [smem:$0x3FFC];
	_ =	sdelay $0x3  }
0x98: {  	_ =	strace s7  }
0x99: {  	s7 =	sld [smem:$0x3FFD];
	_ =	sdelay $0x3  }
0x9a: {  	_ =	strace s7  }
0x9b: {  	_ =	strace $0x8FFFFFFF  }
0x9c: {  	s20 =	sld [smem:$0x3FDB];
	_ =	sdelay $0x1  }
0x9d: {  	s8 =	simm.s32 $_scs_section_size  }
0x9e: {  	s9 =	simm.s32 $_size__tile_overlayer_lowered;
	s10 =	simm.s32 $_tile_overlayer_lowered  }
0x9f: {  	s23 =	simm.s32 $0x1BFF;
	s22 =	sshll.u32 s10, $0x1;
	s7 =	sadd.s32 s8, s20  }
0xa0: {  	s11 =	simm.s32 $0x0;
	s21 =	sshll.u32 s9, $0x1;
	s9 =	sadd.s32 s22, s7  }
0xa1: {  	[timem:s11], [sflag:s23] =	dma.local [hbm:s9], s21  }
0xa2: {  	_ =	swait.ge [sflag:s23], s21  }
0xa3: {  	s8 =	ssub.s32 $0x0, s21;
	[sflag:s23] =	ssyncset.done $0x0  }
0xa4: {  	[sflag:s23] =	ssyncadd.s32 s8;
	_ =	sdelay $0x1  }
0xa5: {  	s24 =	simm.s32 $0x1B8B  }
0xa6: {  	_ =	swait.ge [sflag:s24], $0x1  }
0xa7: {  	[sflag:s24] =	ssyncset.done $0x0  }
0xa8: {  	s25 =	simm.s32 $0x1B8E;
	[sflag:s24] =	ssyncadd.s32 $0xFFFFFFFF  }
0xa9: {  	s26 =	simm.s32 $execute0_lowered;
	[smem:$0x3FD2] =	sst s25  }
0xaa: {  	s8 =	sshll.u32 s26, $0x1;
	_ =	strace $0x80000046;
	[dreg:$0x1] =	wrdreg $0xFFFFFFFF  }
0xab: {  	s28 =	simm.s32 $_size_execute0_lowered;
	s7 =	sadd.s32 s7, s8;
	[dreg:$0x0] =	wrdreg $0x0  }
0xac: {  	s8 =	sshll.u32 s28, $0x1;
	[dreg:$0x2] =	wrdreg s7  }
0xad: {  	[dreg:$0x3] =	wrdreg s8  }
0xae: {  	[dreg:$0x4] =	wrdreg $0xC0  }
0xaf: {  	_ =	task [dreg:s11], $0x5FFFF  }
0xb0: {  	[dreg:$0x1] =	wrdreg $0xFFFFFFFF  }
0xb1: {  	[dreg:$0x0] =	wrdreg $0x60  }
0xb2: {  	[dreg:$0x2] =	wrdreg s2  }
0xb3: {  	[dreg:$0x3] =	wrdreg s19  }
0xb4: {  	[dreg:$0x4] =	wrdreg s5  }
0xb5: {  	[dreg:$0x5] =	wrdreg s4  }
0xb6: {  	[dreg:$0x6] =	wrdreg s6  }
0xb7: {  	[dreg:$0x7] =	wrdreg $0x9  }
0xb8: {  	_ =	task.clear_ibuf [dreg:s11], $0x8FFFF;
	_ =	strace $0x90000046  }
0xb9: {  	s29 =	simm.s32 $0x9;
	_ =	strace $0x80000048  }
0xba: {  	_ =	swait.ge [sflag:s29], $0x1  }
0xbb: {  	[sflag:s29] =	ssyncadd.s32 $0xFFFFFFFF  }
0xbc: {  	_ =	strace $0x90000048  }
0xbd: {  	_ =	sfence  }
0xbe: {  	s30 =	sld [smem:$0x0];
	_ =	sdelay $0x2  }
0xbf: {  	s31 =	sshll.u32 s1, $0xD;
	s1 =	sshrl.u32 s1, $0x2  }
0xc0: {  	s3 =	sand.u32 $0x4000, s31;
	s1 =	sadd.s32 s1, s30  }
0xc1: {  	s0 =	sor.u32 s3, s0;
	s1 =	sshll.u32 s1, $0x11  }
0xc2: {  	s0 =	sor.u32 s1, s0  }
0xc3: {  	s0 =	sadd.s32 $0x8F2B, s0  }
0xc4: {  	[sflag:s0] =	ssyncadd.remote.s32 $0x1  }
0xc5: {  	_ =	sfence.sel $0xFFFF  }
0xc6: {  	[dreg:$0x0] =	wrdreg $0xFFFFFFFF;
	(pc) =	sbr.abs _section_cstart, $3  }
0xc7: {  	[dreg:$0x1] =	wrdreg $0xFFFFFFFF  }
0xc8: {  	_ =	task.clear_ibuf [dreg:s11], $0x2FFFF;
	_ =	strace $0x9FFFFFFF  }
0xc9: {  	(tm) =	ssettm $0x7FFFFFFF  }
tec
execute0_lowered:
.L_overlay_start_1:
0x0: {  	(tag) =	ssettag $0x1  }
0x1: {  	s4 =	rddreg [dreg:$0x0]  }
0x2: {  	s5 =	rddreg [dreg:$0x1]  }
0x3: {  	s6 =	rddreg [dreg:$0x2]  }
0x4: {  	s2 =	rddreg [dreg:$0x3]  }
0x5: {  	s1 =	srdreg.scid;
	s8 =	stileid.u32  }
0x6: {  	s0 =	rddreg [dreg:$0x4];
	s3 =	sand.u32 $0x1, s1;
	s8 =	sshll.u32 s8, $0x1  }
0x7: {  	s1 =	simm.s32 $0x0;
	s7 =	ssub.s32 $0x2, s3;
	s8 =	sor.u32 s3, s8  }
0x8: {  	[smem:$0x7FF] =	sst s1;
	s9 =	sshrl.u32 s7, $0x1;
	s14 =	sshll.u32 s8, $0xC  }
0x9: {  	s26 =	sshll.u32 s8, $0xF;
	s8 =	sshll.u32 s8, $0xD;
	s10 =	sadd.s32 s4, s14  }
0xa: {  	s3 =	ssub.s32 s7, s9;
	s15 =	sadd.s32 s5, s14;
	[dreg:$0x6] =	wrdreg s10  }
0xb: {  	s9 =	sadd.s32 s6, s14;
	s11 =	sadd.s32 s2, s8;
	[dreg:$0x7] =	wrdreg s15  }
0xc: {  	s12 =	sor.u32 $0x400, s8;
	s25 =	sor.u32 $0x40400, s8;
	[dreg:$0x8] =	wrdreg s9  }
0xd: {  	s9 =	sor.u32 $0x40000, s8;
	[dreg:$0x9] =	wrdreg s11;
	s8 =	sadd.s32 s0, s8  }
0xe: {  	s16 =	sor.u32 $0x2000, s26;
	s10 =	sadd.s32 s2, s12;
	[dreg:$0x14] =	wrdreg s8  }
0xf: {  	s18 =	sshrl.u32 s16, $0x3;
	s17 =	sadd.s32 s2, s9;
	[dreg:$0x16] =	wrdreg s10  }
0x10: {  	s13 =	sadd.s32 s4, s18;
	[dreg:$0xa] =	wrdreg s17  }
0x11: {  	s19 =	sor.u32 $0x4000, s26;
	s14 =	sadd.s32 s5, s18;
	[dreg:$0xb] =	wrdreg s13  }
0x12: {  	s20 =	sshrl.u32 s19, $0x3;
	s11 =	sadd.s32 s6, s18;
	[dreg:$0xc] =	wrdreg s14  }
0x13: {  	s7 =	sor.u32 $0x6000, s26;
	s21 =	sadd.s32 s4, s20;
	[dreg:$0xd] =	wrdreg s11  }
0x14: {  	s22 =	sshrl.u32 s7, $0x3;
	s15 =	sadd.s32 s5, s20;
	[dreg:$0xe] =	wrdreg s21  }
0x15: {  	s4 =	sadd.s32 s4, s22;
	[dreg:$0xf] =	wrdreg s15  }
0x16: {  	s23 =	sadd.s32 s5, s22;
	[dreg:$0x11] =	wrdreg s4  }
0x17: {  	s24 =	sadd.s32 s6, s22;
	[dreg:$0x12] =	wrdreg s23  }
0x18: {  	s26 =	sshrl.u32 s16, $0x2;
	s9 =	sadd.s32 s0, s9;
	[dreg:$0x13] =	wrdreg s24  }
0x19: {  	s5 =	sadd.s32 s0, s26;
	[dreg:$0x15] =	wrdreg s9  }
0x1a: {  	s14 =	sadd.s32 s6, s20;
	[dreg:$0x1b] =	wrdreg s5  }
0x1b: {  	s11 =	sadd.s32 s0, s12;
	[dreg:$0x10] =	wrdreg s14  }
0x1c: {  	s12 =	sadd.s32 s2, s25;
	[dreg:$0x17] =	wrdreg s11  }
0x1d: {  	s4 =	sadd.s32 s0, s25;
	[dreg:$0x18] =	wrdreg s12  }
0x1e: {  	s16 =	sor.u32 $0x40400, s26;
	s13 =	sadd.s32 s2, s26;
	[dreg:$0x19] =	wrdreg s4  }
0x1f: {  	s21 =	sadd.s32 s2, s16;
	[dreg:$0x1a] =	wrdreg s13  }
0x20: {  	s15 =	sor.u32 $0x400, s26;
	s22 =	sadd.s32 s0, s16;
	[smem:$0x7EB] =	sst s21  }
0x21: {  	s4 =	sshrl.u32 s19, $0x2;
	s19 =	sadd.s32 s2, s15;
	[smem:$0x7EC] =	sst s22  }
0x22: {  	s5 =	sshrl.u32 s7, $0x2;
	s20 =	sadd.s32 s0, s15;
	[dreg:$0x1e] =	wrdreg s19  }
0x23: {  	s14 =	sor.u32 $0x40000, s26;
	s13 =	sadd.s32 s2, s5;
	[dreg:$0x1f] =	wrdreg s20  }
0x24: {  	s17 =	sadd.s32 s2, s14;
	[smem:$0x7F1] =	sst s13  }
0x25: {  	s28 =	simm.s32 $0x7;
	s18 =	sadd.s32 s0, s14;
	[dreg:$0x1c] =	wrdreg s17  }
0x26: {  	s29 =	simm.s32 $0x8;
	s23 =	sadd.s32 s2, s4;
	[dreg:$0x1d] =	wrdreg s18  }
0x27: {  	s24 =	sor.u32 $0x40000, s4;
	s19 =	sadd.s32 s0, s4;
	[smem:$0x7ED] =	sst s23  }
0x28: {  	s25 =	sor.u32 $0x400, s4;
	s10 =	sadd.s32 s2, s24;
	[smem:$0x7F5] =	sst s19  }
0x29: {  	s26 =	sor.u32 $0x40400, s4;
	s11 =	sadd.s32 s2, s25;
	[smem:$0x7EE] =	sst s10  }
0x2a: {  	s14 =	sor.u32 $0x40000, s5;
	s12 =	sadd.s32 s2, s26;
	[smem:$0x7EF] =	sst s11  }
0x2b: {  	s15 =	sor.u32 $0x400, s5;
	s16 =	sadd.s32 s2, s14;
	[smem:$0x7F0] =	sst s12  }
0x2c: {  	s30 =	simm.s32 $0x2;
	s17 =	sadd.s32 s2, s15;
	[smem:$0x7F2] =	sst s16  }
0x2d: {  	s31 =	simm.s32 $0x5;
	s20 =	sadd.s32 s0, s24;
	[smem:$0x7F3] =	sst s17  }
0x2e: {  	s4 =	simm.s32 $0x0;
	s21 =	sadd.s32 s0, s25;
	[smem:$0x7F6] =	sst s20  }
0x2f: {  	s18 =	sor.u32 $0x40400, s5;
	s22 =	sadd.s32 s0, s26;
	[smem:$0x7F7] =	sst s21  }
0x30: {  	s23 =	sadd.s32 s0, s5;
	s24 =	sadd.s32 s0, s14;
	[smem:$0x7F8] =	sst s22  }
0x31: {  	s25 =	sadd.s32 s0, s15;
	s26 =	smax.u32 s3, $0x1;
	[smem:$0x7F9] =	sst s23  }
0x32: {  	s19 =	simm.s32 $0x3;
	s3 =	simm.s32 $0xA;
	[smem:$0x7FA] =	sst s24  }
0x33: {  	s2 =	sadd.s32 s2, s18;
	[smem:$0x7FB] =	sst s25;
	s0 =	sadd.s32 s0, s18  }
0x34: {  	s20 =	simm.s32 $0x4000;
	s21 =	simm.s32 $0x2000;
	s17 =	simm.s32 $0x6000  }
0x35: {  	s23 =	simm.s32 $0xE000;
	s18 =	simm.s32 $0x12000;
	s24 =	simm.s32 $0x10000  }
0x36: {  	s22 =	simm.s32 $0x14000;
	s25 =	simm.s32 $0x1;
	[smem:$0x7F4] =	sst s2  }
0x37: {  	[smem:$0x7FC] =	sst s0;
	s0 =	simm.s32 $0x6;
	s2 =	simm.s32 $0x9  }
0x38: {  	_ =	strace $0x80000047;
	[smem:$0x7FD] =	sst s26;
	s26 =	simm.s32 $0x4  }
.LBB2_1:
0x39: {  	s5 =	rddreg [dreg:$0x6]  }
0x3a: {  	s6 =	simm.s32 $0x8000;
	s13 =	rddreg [dreg:$0x7]  }
0x3b: {  	[tilespmem:s6], [sflag:$0x1] =	stream.linear.gather [hbm4b:s5+s1], $0x2000, $0x38;
	[tilespmem:$0x1C000] =	vst v63  }
0x3c: {  	s14 =	simm.s32 $0xA000;
	s15 =	rddreg [dreg:$0x8]  }
0x3d: {  	[tilespmem:s14], [sflag:$0x1] =	stream.linear.gather [hbm4b:s13+s1], $0x2000, $0x38;
	[tilespmem:$0x1C000] =	vst v63  }
0x3e: {  	s16 =	simm.s32 $0xC000;
	s7 =	rddreg [dreg:$0x9]  }
0x3f: {  	[tilespmem:s16], [sflag:$0x1] =	stream.linear.gather [hbm4b:s15+s1], $0x2000, $0x38;
	[tilespmem:$0x1C000] =	vst v63  }
0x40: {  	s8 =	rddreg [dreg:$0xa]  }
0x41: {  	[tilespmem:s1], [sflag:$0x3] =	stream.linear.gather [hbm4b:s7+s1], $0x2000, $0x38;
	[tilespmem:$0x1C000] =	vst v63  }
0x42: {  	s9 =	rddreg [dreg:$0x16]  }
0x43: {  	[tilespmem:s20], [sflag:$0x3] =	stream.linear.gather [hbm4b:s8+s1], $0x2000, $0x38;
	[tilespmem:$0x1C000] =	vst v63  }
0x44: {  	s10 =	rddreg [dreg:$0x18]  }
0x45: {  	[tilespmem:s21], [sflag:$0x4] =	stream.linear.gather [hbm4b:s9+s1], $0x2000, $0x38;
	[tilespmem:$0x1C000] =	vst v63  }
0x46: {  	s11 =	rddreg [dreg:$0xb]  }
0x47: {  	[tilespmem:s17], [sflag:$0x4] =	stream.linear.gather [hbm4b:s10+s1], $0x2000, $0x38;
	[tilespmem:$0x1C000] =	vst v63  }
0x48: {  	s12 =	simm.s32 $0x16000;
	s13 =	rddreg [dreg:$0xc]  }
0x49: {  	[tilespmem:s12], [sflag:$0x2] =	stream.linear.gather [hbm4b:s11+s1], $0x2000, $0x38;
	[tilespmem:$0x1C000] =	vst v63  }
0x4a: {  	s14 =	simm.s32 $0x18000;
	s15 =	rddreg [dreg:$0xd]  }
0x4b: {  	[tilespmem:s14], [sflag:$0x2] =	stream.linear.gather [hbm4b:s13+s1], $0x2000, $0x38;
	[tilespmem:$0x1C000] =	vst v63  }
0x4c: {  	s16 =	simm.s32 $0x1A000;
	s7 =	rddreg [dreg:$0x1a]  }
0x4d: {  	[tilespmem:s16], [sflag:$0x2] =	stream.linear.gather [hbm4b:s15+s1], $0x2000, $0x38;
	[tilespmem:$0x1C000] =	vst v63  }
0x4e: {  	s8 =	rddreg [dreg:$0x1c]  }
0x4f: {  	[tilespmem:s23], [sflag:$0x5] =	stream.linear.gather [hbm4b:s7+s1], $0x2000, $0x38;
	[tilespmem:$0x1C000] =	vst v63  }
0x50: {  	s9 =	rddreg [dreg:$0x1e]  }
0x51: {  	[tilespmem:s18], [sflag:$0x5] =	stream.linear.gather [hbm4b:s8+s1], $0x2000, $0x38;
	[tilespmem:$0x1C000] =	vst v63  }
0x52: {  	s10 =	sld [smem:$0x7EB]  }
0x53: {  	[tilespmem:s24], [sflag:$0x6] =	stream.linear.gather [hbm4b:s9+s1], $0x2000, $0x38;
	[tilespmem:$0x1C000] =	vst v63  }
0x54: {  	_ = 	snop  }
0x55: {  	[tilespmem:s22], [sflag:$0x6] =	stream.linear.gather [hbm4b:s10+s1], $0x2000, $0x38;
	[tilespmem:$0x1C000] =	vst v63  }
0x56: {  	_ =	swait.ge [sflag:s25], $0x2000  }
0x57: {  	[sflag:s25] =	ssyncset.done $0x0  }
0x58: {  	[sflag:s25] =	ssyncadd.s32 $0xFFFFE000  }
0x59: {  	_ =	swait.ge [sflag:s25], $0x2000  }
0x5a: {  	[sflag:s25] =	ssyncset.done $0x0  }
0x5b: {  	[sflag:s25] =	ssyncadd.s32 $0xFFFFE000  }
0x5c: {  	_ =	swait.ge [sflag:s25], $0x2000  }
0x5d: {  	[sflag:s25] =	ssyncset.done $0x0  }
0x5e: {  	[sflag:s25] =	ssyncadd.s32 $0xFFFFE000  }
0x5f: {  	s11 =	simm.s32 $0x0;
	_ =	swait.ge [sflag:s19], $0x2000  }
0x60: {  	s5 =	sand.u32 $0x7, s11;
	[sflag:s19] =	ssyncset.done $0x0  }
0x61: {  	s12 =	sshll.u32 s5, $0xA;
	s7 =	sand.u32 $0x60, s1;
	[sflag:s19] =	ssyncadd.s32 $0xFFFFE000  }
0x62: {  	s5 =	sshll.u32 s5, $0x8;
	s8 =	sor.u32 $0x10, s7;
	_ =	swait.ge [sflag:s19], $0x2000  }
0x63: {  	s9 =	simm.s32 $0x0;
	s10 =	sadd.s32 $0x0, s12;
	[sflag:s19] =	ssyncset.done $0x0  }
0x64: {  	s5 =	sor.u32 s9, s5;
	s13 =	sor.u32 s8, s10;
	[sflag:s19] =	ssyncadd.s32 $0xFFFFE000  }
0x65: {  	s6 =	sor.u32 s8, s5;
	v3 =	vld [tilespmem:s13+$0xA000]  }
0x66: {  	v10 =	vld [tilespmem:s6+$0x0]  }
0x67: {  	v11 =	vld [tilespmem:s6+$0x80]  }
0x68: {  	v14 =	vld [tilespmem:s6+$0x4000]  }
0x69: {  	s10 =	sor.u32 s7, s10;
	v6 =	vld [tilespmem:s6+$0x4080]  }
0x6a: {  	s5 =	sor.u32 s7, s5;
	v7 =	vld [tilespmem:s10+$0xA000]  }
0x6b: {  	v1 =	vld [tilespmem:s5+$0x0]  }
0x6c: {  	v2 =	vld [tilespmem:s13+$0x8000]  }
0x6d: {  	v5 =	vld [tilespmem:s13+$0xC000]  }
0x6e: {  	v12 =	vld [tilespmem:s10+$0x8000]  }
0x6f: {  	s14 =	simm.s32 $0x0;
	s8 =	simm.s32 $0x20;
	v8 =	vld [tilespmem:s5+$0x80];
	vm0 =	veq.s32 v3, $0x0  }
0x70: {  	s7 =	sand.u32 $0x7, s14;
	s11 =	sand.u32 $0x60, s8;
	v4 =	vld [tilespmem:s5+$0x4000];
	v0 =	vmax.f32 v10, v11;
	v9 =	vmax.f32 v14, v6;
	vm1 =	vne.s32 v7, $0x0  }
0x71: {  	s15 =	sshll.u32 s7, $0xA;
	s7 =	sshll.u32 s7, $0x8;
	s13 =	simm.s32 $0x0;
	vm2 =	veq.s32 v7, $0x0;
	vm5 =	vne.s32 v2, $0x0;
	v9 =	vsel vm0, v0, v9;
	v0 =	vld [tilespmem:s5+$0x4080]  }
0x72: {  	s12 =	sor.u32 $0x10, s11;
	s7 =	sor.u32 s13, s7;
	v2 =	vor.u32 v2, v3;
	vm3 =	vne.s32 v3, $0x0;
	v9 =	vmul.f32 $8.000000110e-01, v9  }
0x73: {  	s9 =	sor.u32 s12, s7;
	vm7 =	vne.s32 v12, $0x0;
	v12 =	vor.u32 v12, v7;
	v13 =	vsel vm0, v10, v11  }
0x74: {  	v3 =	vld [tilespmem:s9+$0x80];
	v15 =	vsel vm0, v14, v6;
	v16 =	vsel vm2, v1, v8;
	v5 =	vadd.f32 v9, v5  }
0x75: {  	vm6 =	veq.s32 v2, $0x0;
	v9 =	vsel vm5, v15, v13;
	v13 =	vld [tilespmem:s10+$0xC000];
	v15 =	vmax.f32 v1, v8  }
0x76: {  	s14 =	sadd.s32 $0x0, s15;
	v7 =	vld [tilespmem:s9+$0x4080];
	v17 =	vmul.f32 $2.000000030e-01, v9;
	v5 =	vmul.f32 $8.000000110e-01, v5;
	v18 =	vmax.f32 v4, v0  }
0x77: {  	s16 =	sor.u32 s12, s14;
	v2 =	vld [tilespmem:s9+$0x0];
	vm8 =	vmor vm5, vm0;
	vm3 =	vmand vm5, vm3;
	v15 =	vsel vm2, v15, v18  }
0x78: {  	vm4 =	vmor vm7, vm2;
	v9 =	vld [tilespmem:s16+$0xA000];
	v17 =	vadd.f32 v5, v17;
	v15 =	vmul.f32 $8.000000110e-01, v15  }
0x79: {  	vm1 =	vmand vm7, vm1;
	vm0 =	vmand vm5, vm0;
	s10 =	sor.u32 s11, s14;
	v19 =	vsel vm2, v4, v0;
	v5 =	vld [tilespmem:s9+$0x4000]  }
0x7a: {  	s7 =	sor.u32 s11, s7;
	v16 =	vsel vm7, v19, v16;
	v18 =	vsel vm3, v17, v6;
	v13 =	vadd.f32 v15, v13;
	v6 =	vld [tilespmem:s10+$0xA000]  }
0x7b: {  	vm2 =	vmand vm7, vm2;
	v16 =	vmul.f32 $2.000000030e-01, v16;
	vm3 =	veq.s32 v12, $0x0;
	v12 =	vld [tilespmem:s7+$0x0]  }
0x7c: {  	v20 =	vsel vm8, v11, v17;
	v15 =	vsel vm0, v17, v14;
	[tilespmem:s6+$0x4080] =	vst v18;
	v19 =	vmul.f32 $8.000000110e-01, v13;
	v13 =	vld [tilespmem:s16+$0x8000]  }
0x7d: {  	v14 =	vld [tilespmem:s16+$0xC000];
	vm0 =	vmmov vm1;
	vm1 =	veq.s32 v9, $0x0;
	v18 =	vsel vm6, v17, v10;
	[tilespmem:s6+$0x80] =	vst v20  }
0x7e: {  	s11 =	simm.s32 $0x2;
	v11 =	vld [tilespmem:s7+$0x80];
	[tilespmem:s6+$0x0] =	vst v18;
	v17 =	vmax.f32 v5, v7;
	v10 =	vadd.f32 v19, v16;
	v16 =	vmax.f32 v2, v3  }
.LBB2_2:
0x7f: {  	s11 =	sadd.s32 $0x2, s11;
	v18 =	vld [tilespmem:s7+$0x4000];
	vm5 =	vne.s32 v6, $0x0;
	vm6 =	veq.s32 v6, $0x0;
	v16 =	vsel vm1, v16, v17;
	[tilespmem:s6+$0x4000] =	vst v15;
	s6 =	smov.u32 s9  }
0x80: {  	s8 =	sadd.s32 $0x20, s8;
	v17 =	vsel vm3, v10, v1;
	v8 =	vsel vm4, v8, v10;
	s9 =	sshrl.u32 s11, $0x3;
	v15 =	vld [tilespmem:s7+$0x4080];
	v16 =	vmul.f32 $8.000000110e-01, v16;
	v1 =	vmovc v12  }
0x81: {  	v4 =	vsel vm2, v10, v4;
	s12 =	sshrl.u32 s11, $0x6;
	s13 =	sand.u32 $0x60, s8;
	s9 =	sand.u32 $0x7, s9;
	v12 =	vld [tilespmem:s10+$0x8000];
	vm7 =	vne.s32 v13, $0x0;
	v13 =	vor.u32 v13, v9;
	[tilespmem:s5+$0x0] =	vst v17  }
0x82: {  	v19 =	vsel vm1, v2, v3;
	v20 =	vsel vm1, v5, v7;
	s15 =	sshll.u32 s12, $0x7;
	s16 =	sor.u32 $0x10, s13;
	s14 =	sshll.u32 s9, $0xA;
	v17 =	vld [tilespmem:s10+$0xC000];
	v14 =	vadd.f32 v16, v14;
	[tilespmem:s5+$0x80] =	vst v8  }
0x83: {  	s10 =	sshll.u32 s12, $0xB;
	s9 =	sshll.u32 s9, $0x8;
	v20 =	vsel vm7, v20, v19;
	s12 =	sadd.s32 s15, s14;
	v16 =	vmax.f32 v1, v11;
	v21 =	vsel vm6, v1, v11;
	[tilespmem:s5+$0x4000] =	vst v4  }
0x84: {  	vm8 =	veq.s32 v13, $0x0;
	s9 =	sor.u32 s10, s9;
	v19 =	vmul.f32 $2.000000030e-01, v20;
	v8 =	vmovc v11;
	s10 =	sor.u32 s13, s12;
	s12 =	sor.u32 s16, s12;
	v14 =	vmul.f32 $8.000000110e-01, v14;
	v4 =	vmovc v18  }
0x85: {  	p0 =	slt.u32 s11, $0xFE;
	vm9 =	vmor vm7, vm1;
	s13 =	sor.u32 s13, s9;
	s9 =	sor.u32 s16, s9;
	v11 =	vld [tilespmem:s12+$0xA000];
	v13 =	vmax.f32 v4, v15;
	v18 =	vsel vm6, v4, v15  }
0x86: {  	vm2 =	vne.s32 v9, $0x0;
	v20 =	vld [tilespmem:s9+$0x0];
	v13 =	vsel vm6, v16, v13;
	v14 =	vadd.f32 v14, v19  }
0x87: {  	vm2 =	vmand vm7, vm2;
	vm10 =	vne.s32 v12, $0x0;
	v16 =	vld [tilespmem:s9+$0x80];
	v22 =	vmul.f32 $8.000000110e-01, v13  }
0x88: {  	v6 =	vor.u32 v12, v6;
	v13 =	vsel vm10, v18, v21;
	v19 =	vld [tilespmem:s9+$0x4000];
	v12 =	vsel vm2, v14, v7  }
0x89: {  	vm3 =	veq.s32 v6, $0x0;
	v18 =	vmul.f32 $2.000000030e-01, v13;
	v7 =	vld [tilespmem:s9+$0x4080];
	v13 =	vadd.f32 v22, v17;
	[tilespmem:s6+$0x4080] =	vst v12  }
.Ltmp0:
0x8a: {  	vm4 =	vmor vm10, vm6;
	vm5 =	vmand vm10, vm5;
	vm2 =	vmand vm10, vm6;
	v6 =	vld [tilespmem:s10+$0xA000];
	v9 =	vmovc v11;
	(pc) =	sbr.rel @p0 .LBB2_2-.Ltmp0, $4  }
0x8b: {  	v10 =	vsel vm0, v10, v0;
	vm1 =	vmand vm7, vm1;
	v0 =	vmovc v15;
	v12 =	vld [tilespmem:s13+$0x0];
	v11 =	vmul.f32 $8.000000110e-01, v13  }
0x8c: {  	v21 =	vsel vm9, v3, v14;
	v15 =	vsel vm1, v14, v5;
	v17 =	vsel vm8, v14, v2;
	v13 =	vld [tilespmem:s12+$0x8000];
	[tilespmem:s5+$0x4080] =	vst v10;
	s5 =	smov.u32 s7;
	s7 =	smov.u32 s13  }
0x8d: {  	vm0 =	vmmov vm5;
	v2 =	vmovc v20;
	v3 =	vmovc v16;
	v14 =	vld [tilespmem:s12+$0xC000];
	v10 =	vadd.f32 v11, v18;
	[tilespmem:s6+$0x0] =	vst v17;
	v5 =	vmov v19  }
0x8e: {  	vm1 =	veq.s32 v9, $0x0;
	v16 =	vmax.f32 v2, v3;
	v11 =	vld [tilespmem:s7+$0x80];
	v17 =	vmax.f32 v5, v7;
	[tilespmem:s6+$0x80] =	vst v21  }
0x8f: {  	v18 =	vld [tilespmem:s7+$0x4000]  }
0x90: {  	v19 =	vld [tilespmem:s7+$0x4080]  }
0x91: {  	v16 =	vsel vm1, v16, v17  }
0x92: {  	vm5 =	veq.s32 v6, $0x0;
	v20 =	vsel vm1, v2, v3;
	v16 =	vmul.f32 $8.000000110e-01, v16  }
0x93: {  	v17 =	vld [tilespmem:s10+$0x8000];
	v21 =	vsel vm1, v5, v7;
	v1 =	vsel vm3, v10, v1;
	v8 =	vsel vm4, v8, v10  }
0x94: {  	v4 =	vsel vm2, v10, v4;
	vm6 =	vne.s32 v13, $0x0;
	v14 =	vadd.f32 v16, v14;
	v16 =	vld [tilespmem:s10+$0xC000]  }
0x95: {  	v20 =	vsel vm6, v21, v20;
	v22 =	vmax.f32 v12, v11;
	v62 =	vmax.f32 v18, v19  }
0x96: {  	v20 =	vmul.f32 $2.000000030e-01, v20;
	v14 =	vmul.f32 $8.000000110e-01, v14;
	v21 =	vsel vm5, v22, v62  }
0x97: {  	[tilespmem:s6+$0x4000] =	vst v15;
	vm2 =	vne.s32 v9, $0x0;
	v13 =	vor.u32 v13, v9;
	v21 =	vmul.f32 $8.000000110e-01, v21  }
0x98: {  	[tilespmem:s5+$0x0] =	vst v1;
	vm2 =	vmand vm6, vm2;
	v15 =	vsel vm5, v12, v11;
	v9 =	vadd.f32 v14, v20  }
0x99: {  	[tilespmem:s5+$0x80] =	vst v8;
	v1 =	vsel vm5, v18, v19;
	vm3 =	vne.s32 v17, $0x0;
	v8 =	vadd.f32 v21, v16  }
0x9a: {  	v0 =	vsel vm0, v10, v0;
	[tilespmem:s5+$0x4000] =	vst v4;
	v1 =	vsel vm3, v1, v15;
	v4 =	vsel vm2, v9, v7  }
0x9b: {  	vm4 =	veq.s32 v13, $0x0;
	v1 =	vmul.f32 $2.000000030e-01, v1;
	[tilespmem:s9+$0x4080] =	vst v4;
	v4 =	vmul.f32 $8.000000110e-01, v8  }
0x9c: {  	[tilespmem:s5+$0x4080] =	vst v0;
	vm0 =	vmor vm6, vm1;
	vm1 =	vmand vm6, vm1;
	v2 =	vsel vm4, v9, v2  }
0x9d: {  	v7 =	vor.u32 v17, v6;
	v0 =	vsel vm0, v3, v9;
	[tilespmem:s9+$0x0] =	vst v2;
	v1 =	vadd.f32 v4, v1  }
0x9e: {  	vm0 =	veq.s32 v7, $0x0;
	v2 =	vsel vm1, v9, v5;
	[tilespmem:s9+$0x80] =	vst v0  }
0x9f: {  	vm2 =	vmor vm3, vm5;
	vm1 =	vne.s32 v6, $0x0;
	[tilespmem:s9+$0x4000] =	vst v2;
	v0 =	vsel vm0, v1, v12  }
0xa0: {  	vm1 =	vmand vm3, vm1;
	vm0 =	vmand vm3, vm5;
	v2 =	vsel vm2, v11, v1;
	[tilespmem:s7+$0x0] =	vst v0  }
0xa1: {  	vm1 =	vmmov vm1;
	v0 =	vsel vm0, v1, v18;
	[tilespmem:s7+$0x80] =	vst v2  }
0xa2: {  	[tilespmem:s7+$0x4000] =	vst v0;
	v0 =	vsel vm1, v1, v19  }
0xa3: {  	[tilespmem:s7+$0x4080] =	vst v0  }
0xa4: {  	s5 =	rddreg [dreg:$0x14]  }
0xa5: {  	[hbm4b:s5+s1] =	stream.linear.scatter [tilespmem:s1], [sflag:$0x7], $0x2000, $0x38;
	[tilespmem:$0x1C000] =	vst v63  }
0xa6: {  	s7 =	rddreg [dreg:$0x15]  }
0xa7: {  	[hbm4b:s7+s1] =	stream.linear.scatter [tilespmem:s20], [sflag:$0x7], $0x2000, $0x38;
	[tilespmem:$0x1C000] =	vst v63  }
0xa8: {  	s9 =	simm.s32 $0x20;
	_ =	swait.ge [sflag:s26], $0x2000  }
0xa9: {  	s8 =	simm.s32 $0x1000;
	s6 =	sand.u32 $0x7, s9;
	[sflag:s26] =	ssyncset.done $0x0  }
0xaa: {  	s11 =	simm.s32 $0x2000;
	s10 =	sshll.u32 s6, $0xA;
	[sflag:s26] =	ssyncadd.s32 $0xFFFFE000  }
0xab: {  	s6 =	sshll.u32 s6, $0x8;
	s5 =	sand.u32 $0x60, s8;
	_ =	swait.ge [sflag:s26], $0x2000  }
0xac: {  	s8 =	sor.u32 $0x10, s5;
	s7 =	sadd.s32 $0x200, s10;
	[sflag:s26] =	ssyncset.done $0x0  }
0xad: {  	s9 =	sor.u32 s11, s6;
	s12 =	sor.u32 s8, s7;
	[sflag:s26] =	ssyncadd.s32 $0xFFFFE000  }
0xae: {  	s6 =	sor.u32 s8, s9;
	v3 =	vld [tilespmem:s12+$0xA000]  }
0xaf: {  	v10 =	vld [tilespmem:s6+$0x0]  }
0xb0: {  	v11 =	vld [tilespmem:s6+$0x80]  }
0xb1: {  	v14 =	vld [tilespmem:s6+$0x4000]  }
0xb2: {  	s7 =	sor.u32 s5, s7;
	v6 =	vld [tilespmem:s6+$0x4080]  }
0xb3: {  	s5 =	sor.u32 s5, s9;
	v7 =	vld [tilespmem:s7+$0xA000]  }
0xb4: {  	v1 =	vld [tilespmem:s5+$0x0]  }
0xb5: {  	v2 =	vld [tilespmem:s12+$0x8000]  }
0xb6: {  	v5 =	vld [tilespmem:s12+$0xC000]  }
0xb7: {  	v12 =	vld [tilespmem:s7+$0x8000]  }
0xb8: {  	s13 =	simm.s32 $0x20;
	v8 =	vld [tilespmem:s5+$0x80];
	vm0 =	veq.s32 v3, $0x0  }
0xb9: {  	s8 =	simm.s32 $0x1020;
	s9 =	sand.u32 $0x7, s13;
	s13 =	simm.s32 $0x2000;
	v4 =	vld [tilespmem:s5+$0x4000];
	v0 =	vmax.f32 v10, v11;
	v9 =	vmax.f32 v14, v6;
	vm1 =	vne.s32 v7, $0x0  }
0xba: {  	s11 =	sand.u32 $0x60, s8;
	s14 =	sshll.u32 s9, $0xA;
	s9 =	sshll.u32 s9, $0x8;
	vm2 =	veq.s32 v7, $0x0;
	vm5 =	vne.s32 v2, $0x0;
	v9 =	vsel vm0, v0, v9;
	v0 =	vld [tilespmem:s5+$0x4080]  }
0xbb: {  	s15 =	sor.u32 s13, s9;
	s12 =	sor.u32 $0x10, s11;
	v2 =	vor.u32 v2, v3;
	vm3 =	vne.s32 v3, $0x0;
	v9 =	vmul.f32 $8.000000110e-01, v9  }
0xbc: {  	s9 =	sor.u32 s12, s15;
	vm7 =	vne.s32 v12, $0x0;
	v12 =	vor.u32 v12, v7;
	v13 =	vsel vm0, v10, v11  }
0xbd: {  	v3 =	vld [tilespmem:s9+$0x80];
	v15 =	vsel vm0, v14, v6;
	v16 =	vsel vm2, v1, v8;
	v5 =	vadd.f32 v9, v5  }
0xbe: {  	vm6 =	veq.s32 v2, $0x0;
	v9 =	vsel vm5, v15, v13;
	v13 =	vld [tilespmem:s7+$0xC000];
	v15 =	vmax.f32 v1, v8  }
0xbf: {  	s10 =	sadd.s32 $0x200, s14;
	v7 =	vld [tilespmem:s9+$0x4080];
	v17 =	vmul.f32 $2.000000030e-01, v9;
	v5 =	vmul.f32 $8.000000110e-01, v5;
	v18 =	vmax.f32 v4, v0  }
0xc0: {  	s16 =	sor.u32 s12, s10;
	v2 =	vld [tilespmem:s9+$0x0];
	vm8 =	vmor vm5, vm0;
	vm3 =	vmand vm5, vm3;
	v15 =	vsel vm2, v15, v18  }
0xc1: {  	vm4 =	vmor vm7, vm2;
	v9 =	vld [tilespmem:s16+$0xA000];
	v17 =	vadd.f32 v5, v17;
	v15 =	vmul.f32 $8.000000110e-01, v15  }
0xc2: {  	s10 =	sor.u32 s11, s10;
	vm1 =	vmand vm7, vm1;
	vm0 =	vmand vm5, vm0;
	v19 =	vsel vm2, v4, v0;
	v5 =	vld [tilespmem:s9+$0x4000]  }
0xc3: {  	s7 =	sor.u32 s11, s15;
	v16 =	vsel vm7, v19, v16;
	v18 =	vsel vm3, v17, v6;
	v13 =	vadd.f32 v15, v13;
	v6 =	vld [tilespmem:s10+$0xA000]  }
0xc4: {  	vm2 =	vmand vm7, vm2;
	v16 =	vmul.f32 $2.000000030e-01, v16;
	vm3 =	veq.s32 v12, $0x0;
	v12 =	vld [tilespmem:s7+$0x0]  }
0xc5: {  	v63 =	vsel vm8, v11, v17;
	v15 =	vsel vm0, v17, v14;
	[tilespmem:s6+$0x4080] =	vst v18;
	v19 =	vmul.f32 $8.000000110e-01, v13;
	v13 =	vld [tilespmem:s16+$0x8000]  }
0xc6: {  	v14 =	vld [tilespmem:s16+$0xC000];
	vm0 =	vmmov vm1;
	vm1 =	veq.s32 v9, $0x0;
	v18 =	vsel vm6, v17, v10;
	[tilespmem:s6+$0x80] =	vst v63  }
0xc7: {  	s11 =	simm.s32 $0x102;
	v11 =	vld [tilespmem:s7+$0x80];
	[tilespmem:s6+$0x0] =	vst v18;
	v17 =	vmax.f32 v5, v7;
	v10 =	vadd.f32 v19, v16;
	v16 =	vmax.f32 v2, v3  }
.LBB2_4:
0xc8: {  	s11 =	sadd.s32 $0x2, s11;
	v18 =	vld [tilespmem:s7+$0x4000];
	vm5 =	vne.s32 v6, $0x0;
	vm6 =	veq.s32 v6, $0x0;
	v16 =	vsel vm1, v16, v17;
	[tilespmem:s6+$0x4000] =	vst v15;
	s6 =	smov.u32 s9  }
0xc9: {  	s8 =	sadd.s32 $0x20, s8;
	v17 =	vsel vm3, v10, v1;
	v8 =	vsel vm4, v8, v10;
	s9 =	sshrl.u32 s11, $0x3;
	v15 =	vld [tilespmem:s7+$0x4080];
	v16 =	vmul.f32 $8.000000110e-01, v16;
	v1 =	vmovc v12  }
0xca: {  	v4 =	vsel vm2, v10, v4;
	s12 =	sshrl.u32 s11, $0x6;
	s13 =	sand.u32 $0x60, s8;
	s9 =	sand.u32 $0x7, s9;
	v12 =	vld [tilespmem:s10+$0x8000];
	vm7 =	vne.s32 v13, $0x0;
	v13 =	vor.u32 v13, v9;
	[tilespmem:s5+$0x0] =	vst v17  }
0xcb: {  	v19 =	vsel vm1, v2, v3;
	v20 =	vsel vm1, v5, v7;
	s15 =	sshll.u32 s12, $0x7;
	s16 =	sor.u32 $0x10, s13;
	s14 =	sshll.u32 s9, $0xA;
	v17 =	vld [tilespmem:s10+$0xC000];
	v14 =	vadd.f32 v16, v14;
	[tilespmem:s5+$0x80] =	vst v8  }
0xcc: {  	s10 =	sshll.u32 s12, $0xB;
	s9 =	sshll.u32 s9, $0x8;
	v20 =	vsel vm7, v20, v19;
	s12 =	sadd.s32 s15, s14;
	v16 =	vmax.f32 v1, v11;
	v21 =	vsel vm6, v1, v11;
	[tilespmem:s5+$0x4000] =	vst v4  }
0xcd: {  	vm8 =	veq.s32 v13, $0x0;
	s9 =	sor.u32 s10, s9;
	v19 =	vmul.f32 $2.000000030e-01, v20;
	v8 =	vmovc v11;
	s10 =	sor.u32 s13, s12;
	s12 =	sor.u32 s16, s12;
	v14 =	vmul.f32 $8.000000110e-01, v14;
	v4 =	vmovc v18  }
0xce: {  	p0 =	slt.u32 s11, $0x1FE;
	vm9 =	vmor vm7, vm1;
	s13 =	sor.u32 s13, s9;
	s9 =	sor.u32 s16, s9;
	v11 =	vld [tilespmem:s12+$0xA000];
	v13 =	vmax.f32 v4, v15;
	v18 =	vsel vm6, v4, v15  }
0xcf: {  	vm2 =	vne.s32 v9, $0x0;
	v20 =	vld [tilespmem:s9+$0x0];
	v13 =	vsel vm6, v16, v13;
	v14 =	vadd.f32 v14, v19  }
0xd0: {  	vm2 =	vmand vm7, vm2;
	vm10 =	vne.s32 v12, $0x0;
	v16 =	vld [tilespmem:s9+$0x80];
	v22 =	vmul.f32 $8.000000110e-01, v13  }
0xd1: {  	v6 =	vor.u32 v12, v6;
	v13 =	vsel vm10, v18, v21;
	v19 =	vld [tilespmem:s9+$0x4000];
	v12 =	vsel vm2, v14, v7  }
0xd2: {  	vm3 =	veq.s32 v6, $0x0;
	v18 =	vmul.f32 $2.000000030e-01, v13;
	v7 =	vld [tilespmem:s9+$0x4080];
	v13 =	vadd.f32 v22, v17;
	[tilespmem:s6+$0x4080] =	vst v12  }
.Ltmp1:
0xd3: {  	vm4 =	vmor vm10, vm6;
	vm5 =	vmand vm10, vm5;
	vm2 =	vmand vm10, vm6;
	v6 =	vld [tilespmem:s10+$0xA000];
	v9 =	vmovc v11;
	(pc) =	sbr.rel @p0 .LBB2_4-.Ltmp1, $4  }
0xd4: {  	v10 =	vsel vm0, v10, v0;
	vm1 =	vmand vm7, vm1;
	v0 =	vmovc v15;
	v12 =	vld [tilespmem:s13+$0x0];
	v11 =	vmul.f32 $8.000000110e-01, v13  }
0xd5: {  	v21 =	vsel vm9, v3, v14;
	v15 =	vsel vm1, v14, v5;
	v17 =	vsel vm8, v14, v2;
	v13 =	vld [tilespmem:s12+$0x8000];
	[tilespmem:s5+$0x4080] =	vst v10;
	s5 =	smov.u32 s7;
	s7 =	smov.u32 s13  }
0xd6: {  	vm0 =	vmmov vm5;
	v2 =	vmovc v20;
	v3 =	vmovc v16;
	v14 =	vld [tilespmem:s12+$0xC000];
	v10 =	vadd.f32 v11, v18;
	[tilespmem:s6+$0x0] =	vst v17;
	v5 =	vmov v19  }
0xd7: {  	vm1 =	veq.s32 v9, $0x0;
	v16 =	vmax.f32 v2, v3;
	v11 =	vld [tilespmem:s7+$0x80];
	v17 =	vmax.f32 v5, v7;
	[tilespmem:s6+$0x80] =	vst v21  }
0xd8: {  	v18 =	vld [tilespmem:s7+$0x4000]  }
0xd9: {  	v19 =	vld [tilespmem:s7+$0x4080]  }
0xda: {  	v16 =	vsel vm1, v16, v17  }
0xdb: {  	vm5 =	veq.s32 v6, $0x0;
	v20 =	vsel vm1, v2, v3;
	v16 =	vmul.f32 $8.000000110e-01, v16  }
0xdc: {  	v17 =	vld [tilespmem:s10+$0x8000];
	v21 =	vsel vm1, v5, v7;
	v1 =	vsel vm3, v10, v1;
	v8 =	vsel vm4, v8, v10  }
0xdd: {  	v4 =	vsel vm2, v10, v4;
	vm6 =	vne.s32 v13, $0x0;
	v14 =	vadd.f32 v16, v14;
	v16 =	vld [tilespmem:s10+$0xC000]  }
0xde: {  	v20 =	vsel vm6, v21, v20;
	v22 =	vmax.f32 v12, v11;
	v62 =	vmax.f32 v18, v19  }
0xdf: {  	v20 =	vmul.f32 $2.000000030e-01, v20;
	v14 =	vmul.f32 $8.000000110e-01, v14;
	v21 =	vsel vm5, v22, v62  }
0xe0: {  	[tilespmem:s6+$0x4000] =	vst v15;
	vm2 =	vne.s32 v9, $0x0;
	v13 =	vor.u32 v13, v9;
	v21 =	vmul.f32 $8.000000110e-01, v21  }
0xe1: {  	[tilespmem:s5+$0x0] =	vst v1;
	vm2 =	vmand vm6, vm2;
	v15 =	vsel vm5, v12, v11;
	v9 =	vadd.f32 v14, v20  }
0xe2: {  	[tilespmem:s5+$0x80] =	vst v8;
	v1 =	vsel vm5, v18, v19;
	vm3 =	vne.s32 v17, $0x0;
	v8 =	vadd.f32 v21, v16  }
0xe3: {  	v0 =	vsel vm0, v10, v0;
	[tilespmem:s5+$0x4000] =	vst v4;
	v1 =	vsel vm3, v1, v15;
	v4 =	vsel vm2, v9, v7  }
0xe4: {  	vm4 =	veq.s32 v13, $0x0;
	v1 =	vmul.f32 $2.000000030e-01, v1;
	[tilespmem:s9+$0x4080] =	vst v4;
	v4 =	vmul.f32 $8.000000110e-01, v8  }
0xe5: {  	[tilespmem:s5+$0x4080] =	vst v0;
	vm0 =	vmor vm6, vm1;
	vm1 =	vmand vm6, vm1;
	v2 =	vsel vm4, v9, v2  }
0xe6: {  	v7 =	vor.u32 v17, v6;
	v0 =	vsel vm0, v3, v9;
	[tilespmem:s9+$0x0] =	vst v2;
	v1 =	vadd.f32 v4, v1  }
0xe7: {  	vm0 =	veq.s32 v7, $0x0;
	v2 =	vsel vm1, v9, v5;
	[tilespmem:s9+$0x80] =	vst v0  }
0xe8: {  	vm2 =	vmor vm3, vm5;
	vm1 =	vne.s32 v6, $0x0;
	[tilespmem:s9+$0x4000] =	vst v2;
	v0 =	vsel vm0, v1, v12  }
0xe9: {  	vm1 =	vmand vm3, vm1;
	vm0 =	vmand vm3, vm5;
	v2 =	vsel vm2, v11, v1;
	[tilespmem:s7+$0x0] =	vst v0  }
0xea: {  	vm1 =	vmmov vm1;
	v0 =	vsel vm0, v1, v18;
	[tilespmem:s7+$0x80] =	vst v2  }
0xeb: {  	[tilespmem:s7+$0x4000] =	vst v0;
	v0 =	vsel vm1, v1, v19  }
0xec: {  	[tilespmem:s7+$0x4080] =	vst v0  }
0xed: {  	s5 =	simm.s32 $0x0;
	s6 =	rddreg [dreg:$0x17]  }
0xee: {  	[hbm4b:s6+s5] =	stream.linear.scatter [tilespmem:s21], [sflag:$0x8], $0x2000, $0x38;
	[tilespmem:$0x1C000] =	vst v63  }
0xef: {  	s8 =	rddreg [dreg:$0x19]  }
0xf0: {  	[hbm4b:s8+s5] =	stream.linear.scatter [tilespmem:s17], [sflag:$0x8], $0x2000, $0x38;
	[tilespmem:$0x1C000] =	vst v63  }
0xf1: {  	_ =	swait.ge [sflag:s28], $0x2000  }
0xf2: {  	[sflag:s28] =	ssyncset.done $0x0  }
0xf3: {  	[sflag:s28] =	ssyncadd.s32 $0xFFFFE000  }
0xf4: {  	_ =	swait.ge [sflag:s28], $0x2000  }
0xf5: {  	[sflag:s28] =	ssyncset.done $0x0  }
0xf6: {  	[sflag:s28] =	ssyncadd.s32 $0xFFFFE000  }
0xf7: {  	_ =	swait.ge [sflag:s29], $0x2000  }
0xf8: {  	[sflag:s29] =	ssyncset.done $0x0  }
0xf9: {  	[sflag:s29] =	ssyncadd.s32 $0xFFFFE000  }
0xfa: {  	_ =	swait.ge [sflag:s29], $0x2000  }
0xfb: {  	[sflag:s29] =	ssyncset.done $0x0;
	s9 =	rddreg [dreg:$0xe]  }
0xfc: {  	s10 =	simm.s32 $0x8000;
	s11 =	rddreg [dreg:$0xf];
	[sflag:s29] =	ssyncadd.s32 $0xFFFFE000  }
0xfd: {  	[tilespmem:s10], [sflag:$0x1] =	stream.linear.gather [hbm4b:s9+s5], $0x2000, $0x38;
	[tilespmem:$0x1C000] =	vst v63  }
0xfe: {  	s12 =	simm.s32 $0xA000;
	s13 =	rddreg [dreg:$0x10]  }
0xff: {  	[tilespmem:s12], [sflag:$0x1] =	stream.linear.gather [hbm4b:s11+s5], $0x2000, $0x38;
	[tilespmem:$0x1C000] =	vst v63  }
0x100: {  	s14 =	simm.s32 $0xC000;
	s15 =	sld [smem:$0x7ED]  }
0x101: {  	[tilespmem:s14], [sflag:$0x1] =	stream.linear.gather [hbm4b:s13+s5], $0x2000, $0x38;
	[tilespmem:$0x1C000] =	vst v63  }
0x102: {  	s16 =	sld [smem:$0x7EE]  }
0x103: {  	[tilespmem:s5], [sflag:$0x3] =	stream.linear.gather [hbm4b:s15+s5], $0x2000, $0x38;
	[tilespmem:$0x1C000] =	vst v63  }
0x104: {  	s7 =	sld [smem:$0x7EF]  }
0x105: {  	[tilespmem:s20], [sflag:$0x3] =	stream.linear.gather [hbm4b:s16+s5], $0x2000, $0x38;
	[tilespmem:$0x1C000] =	vst v63  }
0x106: {  	s8 =	sld [smem:$0x7F0]  }
0x107: {  	[tilespmem:s21], [sflag:$0x4] =	stream.linear.gather [hbm4b:s7+s5], $0x2000, $0x38;
	[tilespmem:$0x1C000] =	vst v63  }
0x108: {  	_ = 	snop  }
0x109: {  	[tilespmem:s17], [sflag:$0x4] =	stream.linear.gather [hbm4b:s8+s5], $0x2000, $0x38;
	[tilespmem:$0x1C000] =	vst v63  }
0x10a: {  	_ =	swait.ge [sflag:s30], $0x2000  }
0x10b: {  	[sflag:s30] =	ssyncset.done $0x0  }
0x10c: {  	[sflag:s30] =	ssyncadd.s32 $0xFFFFE000  }
0x10d: {  	_ =	swait.ge [sflag:s30], $0x2000  }
0x10e: {  	[sflag:s30] =	ssyncset.done $0x0  }
0x10f: {  	[sflag:s30] =	ssyncadd.s32 $0xFFFFE000  }
0x110: {  	_ =	swait.ge [sflag:s30], $0x2000  }
0x111: {  	[sflag:s30] =	ssyncset.done $0x0  }
0x112: {  	[sflag:s30] =	ssyncadd.s32 $0xFFFFE000  }
0x113: {  	s9 =	simm.s32 $0x0;
	_ =	swait.ge [sflag:s31], $0x2000  }
0x114: {  	s6 =	sand.u32 $0x7, s9;
	[sflag:s31] =	ssyncset.done $0x0  }
0x115: {  	s10 =	sshll.u32 s6, $0xA;
	s11 =	simm.s32 $0x0;
	[sflag:s31] =	ssyncadd.s32 $0xFFFFE000  }
0x116: {  	s6 =	sshll.u32 s6, $0x8;
	s5 =	sand.u32 $0x60, s5;
	_ =	swait.ge [sflag:s31], $0x2000  }
0x117: {  	s7 =	sadd.s32 $0x0, s10;
	s8 =	sor.u32 $0x10, s5;
	[sflag:s31] =	ssyncset.done $0x0  }
0x118: {  	s9 =	sor.u32 s11, s6;
	s12 =	sor.u32 s8, s7;
	[sflag:s31] =	ssyncadd.s32 $0xFFFFE000  }
0x119: {  	s6 =	sor.u32 s8, s9;
	v3 =	vld [tilespmem:s12+$0x18000]  }
0x11a: {  	v10 =	vld [tilespmem:s6+$0xE000]  }
0x11b: {  	v11 =	vld [tilespmem:s6+$0xE080]  }
0x11c: {  	v14 =	vld [tilespmem:s6+$0x12000]  }
0x11d: {  	s7 =	sor.u32 s5, s7;
	v6 =	vld [tilespmem:s6+$0x12080]  }
0x11e: {  	s5 =	sor.u32 s5, s9;
	v7 =	vld [tilespmem:s7+$0x18000]  }
0x11f: {  	v1 =	vld [tilespmem:s5+$0xE000]  }
0x120: {  	v2 =	vld [tilespmem:s12+$0x16000]  }
0x121: {  	v5 =	vld [tilespmem:s12+$0x1A000]  }
0x122: {  	v12 =	vld [tilespmem:s7+$0x16000]  }
0x123: {  	s13 =	simm.s32 $0x0;
	v8 =	vld [tilespmem:s5+$0xE080];
	vm0 =	veq.s32 v3, $0x0  }
0x124: {  	s8 =	simm.s32 $0x20;
	s9 =	sand.u32 $0x7, s13;
	s13 =	simm.s32 $0x0;
	v4 =	vld [tilespmem:s5+$0x12000];
	v0 =	vmax.f32 v10, v11;
	v9 =	vmax.f32 v14, v6;
	vm1 =	vne.s32 v7, $0x0  }
0x125: {  	s11 =	sand.u32 $0x60, s8;
	s14 =	sshll.u32 s9, $0xA;
	s9 =	sshll.u32 s9, $0x8;
	vm2 =	veq.s32 v7, $0x0;
	vm5 =	vne.s32 v2, $0x0;
	v9 =	vsel vm0, v0, v9;
	v0 =	vld [tilespmem:s5+$0x12080]  }
0x126: {  	s15 =	sor.u32 s13, s9;
	s12 =	sor.u32 $0x10, s11;
	v2 =	vor.u32 v2, v3;
	vm3 =	vne.s32 v3, $0x0;
	v9 =	vmul.f32 $8.000000110e-01, v9  }
0x127: {  	s9 =	sor.u32 s12, s15;
	vm7 =	vne.s32 v12, $0x0;
	v12 =	vor.u32 v12, v7;
	v13 =	vsel vm0, v10, v11  }
0x128: {  	v3 =	vld [tilespmem:s9+$0xE080];
	v15 =	vsel vm0, v14, v6;
	v16 =	vsel vm2, v1, v8;
	v5 =	vadd.f32 v9, v5  }
0x129: {  	vm6 =	veq.s32 v2, $0x0;
	v9 =	vsel vm5, v15, v13;
	v13 =	vld [tilespmem:s7+$0x1A000];
	v15 =	vmax.f32 v1, v8  }
0x12a: {  	s10 =	sadd.s32 $0x0, s14;
	v7 =	vld [tilespmem:s9+$0x12080];
	v17 =	vmul.f32 $2.000000030e-01, v9;
	v5 =	vmul.f32 $8.000000110e-01, v5;
	v18 =	vmax.f32 v4, v0  }
0x12b: {  	s16 =	sor.u32 s12, s10;
	v2 =	vld [tilespmem:s9+$0xE000];
	vm8 =	vmor vm5, vm0;
	vm3 =	vmand vm5, vm3;
	v15 =	vsel vm2, v15, v18  }
0x12c: {  	vm4 =	vmor vm7, vm2;
	v9 =	vld [tilespmem:s16+$0x18000];
	v17 =	vadd.f32 v5, v17;
	v15 =	vmul.f32 $8.000000110e-01, v15  }
0x12d: {  	s10 =	sor.u32 s11, s10;
	vm1 =	vmand vm7, vm1;
	vm0 =	vmand vm5, vm0;
	v19 =	vsel vm2, v4, v0;
	v5 =	vld [tilespmem:s9+$0x12000]  }
0x12e: {  	s7 =	sor.u32 s11, s15;
	v16 =	vsel vm7, v19, v16;
	v18 =	vsel vm3, v17, v6;
	v13 =	vadd.f32 v15, v13;
	v6 =	vld [tilespmem:s10+$0x18000]  }
0x12f: {  	vm2 =	vmand vm7, vm2;
	v16 =	vmul.f32 $2.000000030e-01, v16;
	vm3 =	veq.s32 v12, $0x0;
	v12 =	vld [tilespmem:s7+$0xE000]  }
0x130: {  	v63 =	vsel vm8, v11, v17;
	v15 =	vsel vm0, v17, v14;
	[tilespmem:s6+$0x12080] =	vst v18;
	v19 =	vmul.f32 $8.000000110e-01, v13;
	v13 =	vld [tilespmem:s16+$0x16000]  }
0x131: {  	v14 =	vld [tilespmem:s16+$0x1A000];
	vm0 =	vmmov vm1;
	vm1 =	veq.s32 v9, $0x0;
	v18 =	vsel vm6, v17, v10;
	[tilespmem:s6+$0xE080] =	vst v63  }
0x132: {  	s11 =	simm.s32 $0x2;
	v11 =	vld [tilespmem:s7+$0xE080];
	[tilespmem:s6+$0xE000] =	vst v18;
	v17 =	vmax.f32 v5, v7;
	v10 =	vadd.f32 v19, v16;
	v16 =	vmax.f32 v2, v3  }
.LBB2_6:
0x133: {  	s11 =	sadd.s32 $0x2, s11;
	v18 =	vld [tilespmem:s7+$0x12000];
	vm5 =	vne.s32 v6, $0x0;
	vm6 =	veq.s32 v6, $0x0;
	v16 =	vsel vm1, v16, v17;
	[tilespmem:s6+$0x12000] =	vst v15;
	s6 =	smov.u32 s9  }
0x134: {  	s8 =	sadd.s32 $0x20, s8;
	v17 =	vsel vm3, v10, v1;
	v8 =	vsel vm4, v8, v10;
	s9 =	sshrl.u32 s11, $0x3;
	v15 =	vld [tilespmem:s7+$0x12080];
	v16 =	vmul.f32 $8.000000110e-01, v16;
	v1 =	vmovc v12  }
0x135: {  	v4 =	vsel vm2, v10, v4;
	s12 =	sshrl.u32 s11, $0x6;
	s13 =	sand.u32 $0x60, s8;
	s9 =	sand.u32 $0x7, s9;
	v12 =	vld [tilespmem:s10+$0x16000];
	vm7 =	vne.s32 v13, $0x0;
	v13 =	vor.u32 v13, v9;
	[tilespmem:s5+$0xE000] =	vst v17  }
0x136: {  	v19 =	vsel vm1, v2, v3;
	v20 =	vsel vm1, v5, v7;
	s15 =	sshll.u32 s12, $0x7;
	s16 =	sor.u32 $0x10, s13;
	s14 =	sshll.u32 s9, $0xA;
	v17 =	vld [tilespmem:s10+$0x1A000];
	v14 =	vadd.f32 v16, v14;
	[tilespmem:s5+$0xE080] =	vst v8  }
0x137: {  	s10 =	sshll.u32 s12, $0xB;
	s9 =	sshll.u32 s9, $0x8;
	v20 =	vsel vm7, v20, v19;
	s12 =	sadd.s32 s15, s14;
	v16 =	vmax.f32 v1, v11;
	v21 =	vsel vm6, v1, v11;
	[tilespmem:s5+$0x12000] =	vst v4  }
0x138: {  	vm8 =	veq.s32 v13, $0x0;
	s9 =	sor.u32 s10, s9;
	v19 =	vmul.f32 $2.000000030e-01, v20;
	v8 =	vmovc v11;
	s10 =	sor.u32 s13, s12;
	s12 =	sor.u32 s16, s12;
	v14 =	vmul.f32 $8.000000110e-01, v14;
	v4 =	vmovc v18  }
0x139: {  	p0 =	slt.u32 s11, $0xFE;
	vm9 =	vmor vm7, vm1;
	s13 =	sor.u32 s13, s9;
	s9 =	sor.u32 s16, s9;
	v11 =	vld [tilespmem:s12+$0x18000];
	v13 =	vmax.f32 v4, v15;
	v18 =	vsel vm6, v4, v15  }
0x13a: {  	vm2 =	vne.s32 v9, $0x0;
	v20 =	vld [tilespmem:s9+$0xE000];
	v13 =	vsel vm6, v16, v13;
	v14 =	vadd.f32 v14, v19  }
0x13b: {  	vm2 =	vmand vm7, vm2;
	vm10 =	vne.s32 v12, $0x0;
	v16 =	vld [tilespmem:s9+$0xE080];
	v22 =	vmul.f32 $8.000000110e-01, v13  }
0x13c: {  	v6 =	vor.u32 v12, v6;
	v13 =	vsel vm10, v18, v21;
	v19 =	vld [tilespmem:s9+$0x12000];
	v12 =	vsel vm2, v14, v7  }
0x13d: {  	vm3 =	veq.s32 v6, $0x0;
	v18 =	vmul.f32 $2.000000030e-01, v13;
	v7 =	vld [tilespmem:s9+$0x12080];
	v13 =	vadd.f32 v22, v17;
	[tilespmem:s6+$0x12080] =	vst v12  }
.Ltmp2:
0x13e: {  	vm4 =	vmor vm10, vm6;
	vm5 =	vmand vm10, vm5;
	vm2 =	vmand vm10, vm6;
	v6 =	vld [tilespmem:s10+$0x18000];
	v9 =	vmovc v11;
	(pc) =	sbr.rel @p0 .LBB2_6-.Ltmp2, $4  }
0x13f: {  	v10 =	vsel vm0, v10, v0;
	vm1 =	vmand vm7, vm1;
	v0 =	vmovc v15;
	v12 =	vld [tilespmem:s13+$0xE000];
	v11 =	vmul.f32 $8.000000110e-01, v13  }
0x140: {  	v21 =	vsel vm9, v3, v14;
	v15 =	vsel vm1, v14, v5;
	v17 =	vsel vm8, v14, v2;
	v13 =	vld [tilespmem:s12+$0x16000];
	[tilespmem:s5+$0x12080] =	vst v10;
	s5 =	smov.u32 s7;
	s7 =	smov.u32 s13  }
0x141: {  	vm0 =	vmmov vm5;
	v2 =	vmovc v20;
	v3 =	vmovc v16;
	v14 =	vld [tilespmem:s12+$0x1A000];
	v10 =	vadd.f32 v11, v18;
	[tilespmem:s6+$0xE000] =	vst v17;
	v5 =	vmov v19  }
0x142: {  	vm1 =	veq.s32 v9, $0x0;
	v16 =	vmax.f32 v2, v3;
	v11 =	vld [tilespmem:s7+$0xE080];
	v17 =	vmax.f32 v5, v7;
	[tilespmem:s6+$0xE080] =	vst v21  }
0x143: {  	v18 =	vld [tilespmem:s7+$0x12000]  }
0x144: {  	v19 =	vld [tilespmem:s7+$0x12080]  }
0x145: {  	v16 =	vsel vm1, v16, v17  }
0x146: {  	vm5 =	veq.s32 v6, $0x0;
	v20 =	vsel vm1, v2, v3;
	v16 =	vmul.f32 $8.000000110e-01, v16  }
0x147: {  	v17 =	vld [tilespmem:s10+$0x16000];
	v21 =	vsel vm1, v5, v7;
	v1 =	vsel vm3, v10, v1;
	v8 =	vsel vm4, v8, v10  }
0x148: {  	v4 =	vsel vm2, v10, v4;
	vm6 =	vne.s32 v13, $0x0;
	v14 =	vadd.f32 v16, v14;
	v16 =	vld [tilespmem:s10+$0x1A000]  }
0x149: {  	v20 =	vsel vm6, v21, v20;
	v22 =	vmax.f32 v12, v11;
	v62 =	vmax.f32 v18, v19  }
0x14a: {  	v20 =	vmul.f32 $2.000000030e-01, v20;
	v14 =	vmul.f32 $8.000000110e-01, v14;
	v21 =	vsel vm5, v22, v62  }
0x14b: {  	[tilespmem:s6+$0x12000] =	vst v15;
	vm2 =	vne.s32 v9, $0x0;
	v13 =	vor.u32 v13, v9;
	v21 =	vmul.f32 $8.000000110e-01, v21  }
0x14c: {  	[tilespmem:s5+$0xE000] =	vst v1;
	vm2 =	vmand vm6, vm2;
	v15 =	vsel vm5, v12, v11;
	v9 =	vadd.f32 v14, v20  }
0x14d: {  	[tilespmem:s5+$0xE080] =	vst v8;
	v1 =	vsel vm5, v18, v19;
	vm3 =	vne.s32 v17, $0x0;
	v8 =	vadd.f32 v21, v16  }
0x14e: {  	v0 =	vsel vm0, v10, v0;
	[tilespmem:s5+$0x12000] =	vst v4;
	v1 =	vsel vm3, v1, v15;
	v4 =	vsel vm2, v9, v7  }
0x14f: {  	vm4 =	veq.s32 v13, $0x0;
	v1 =	vmul.f32 $2.000000030e-01, v1;
	[tilespmem:s9+$0x12080] =	vst v4;
	v4 =	vmul.f32 $8.000000110e-01, v8  }
0x150: {  	[tilespmem:s5+$0x12080] =	vst v0;
	vm0 =	vmor vm6, vm1;
	vm1 =	vmand vm6, vm1;
	v2 =	vsel vm4, v9, v2  }
0x151: {  	v7 =	vor.u32 v17, v6;
	v0 =	vsel vm0, v3, v9;
	[tilespmem:s9+$0xE000] =	vst v2;
	v1 =	vadd.f32 v4, v1  }
0x152: {  	vm0 =	veq.s32 v7, $0x0;
	v2 =	vsel vm1, v9, v5;
	[tilespmem:s9+$0xE080] =	vst v0  }
0x153: {  	vm2 =	vmor vm3, vm5;
	vm1 =	vne.s32 v6, $0x0;
	[tilespmem:s9+$0x12000] =	vst v2;
	v0 =	vsel vm0, v1, v12  }
0x154: {  	vm1 =	vmand vm3, vm1;
	vm0 =	vmand vm3, vm5;
	v2 =	vsel vm2, v11, v1;
	[tilespmem:s7+$0xE000] =	vst v0  }
0x155: {  	vm1 =	vmmov vm1;
	v0 =	vsel vm0, v1, v18;
	[tilespmem:s7+$0xE080] =	vst v2  }
0x156: {  	[tilespmem:s7+$0x12000] =	vst v0;
	v0 =	vsel vm1, v1, v19  }
0x157: {  	[tilespmem:s7+$0x12080] =	vst v0  }
0x158: {  	s5 =	rddreg [dreg:$0x1b]  }
0x159: {  	[hbm4b:s5+s1] =	stream.linear.scatter [tilespmem:s23], [sflag:$0x9], $0x2000, $0x38;
	[tilespmem:$0x1C000] =	vst v63  }
0x15a: {  	s7 =	rddreg [dreg:$0x1d]  }
0x15b: {  	[hbm4b:s7+s1] =	stream.linear.scatter [tilespmem:s18], [sflag:$0x9], $0x2000, $0x38;
	[tilespmem:$0x1C000] =	vst v63  }
0x15c: {  	s9 =	simm.s32 $0x20;
	_ =	swait.ge [sflag:s0], $0x2000  }
0x15d: {  	s8 =	simm.s32 $0x1000;
	s6 =	sand.u32 $0x7, s9;
	[sflag:s0] =	ssyncset.done $0x0  }
0x15e: {  	s11 =	simm.s32 $0x2000;
	s10 =	sshll.u32 s6, $0xA;
	[sflag:s0] =	ssyncadd.s32 $0xFFFFE000  }
0x15f: {  	s6 =	sshll.u32 s6, $0x8;
	s5 =	sand.u32 $0x60, s8;
	_ =	swait.ge [sflag:s0], $0x2000  }
0x160: {  	s8 =	sor.u32 $0x10, s5;
	s7 =	sadd.s32 $0x200, s10;
	[sflag:s0] =	ssyncset.done $0x0  }
0x161: {  	s9 =	sor.u32 s11, s6;
	s12 =	sor.u32 s8, s7;
	[sflag:s0] =	ssyncadd.s32 $0xFFFFE000  }
0x162: {  	s6 =	sor.u32 s8, s9;
	v3 =	vld [tilespmem:s12+$0x18000]  }
0x163: {  	v10 =	vld [tilespmem:s6+$0xE000]  }
0x164: {  	v11 =	vld [tilespmem:s6+$0xE080]  }
0x165: {  	v14 =	vld [tilespmem:s6+$0x12000]  }
0x166: {  	s7 =	sor.u32 s5, s7;
	v6 =	vld [tilespmem:s6+$0x12080]  }
0x167: {  	s5 =	sor.u32 s5, s9;
	v7 =	vld [tilespmem:s7+$0x18000]  }
0x168: {  	v1 =	vld [tilespmem:s5+$0xE000]  }
0x169: {  	v2 =	vld [tilespmem:s12+$0x16000]  }
0x16a: {  	v5 =	vld [tilespmem:s12+$0x1A000]  }
0x16b: {  	v12 =	vld [tilespmem:s7+$0x16000]  }
0x16c: {  	s13 =	simm.s32 $0x20;
	v8 =	vld [tilespmem:s5+$0xE080];
	vm0 =	veq.s32 v3, $0x0  }
0x16d: {  	s8 =	simm.s32 $0x1020;
	s9 =	sand.u32 $0x7, s13;
	s13 =	simm.s32 $0x2000;
	v4 =	vld [tilespmem:s5+$0x12000];
	v0 =	vmax.f32 v10, v11;
	v9 =	vmax.f32 v14, v6;
	vm1 =	vne.s32 v7, $0x0  }
0x16e: {  	s11 =	sand.u32 $0x60, s8;
	s14 =	sshll.u32 s9, $0xA;
	s9 =	sshll.u32 s9, $0x8;
	vm2 =	veq.s32 v7, $0x0;
	vm5 =	vne.s32 v2, $0x0;
	v9 =	vsel vm0, v0, v9;
	v0 =	vld [tilespmem:s5+$0x12080]  }
0x16f: {  	s15 =	sor.u32 s13, s9;
	s12 =	sor.u32 $0x10, s11;
	v2 =	vor.u32 v2, v3;
	vm3 =	vne.s32 v3, $0x0;
	v9 =	vmul.f32 $8.000000110e-01, v9  }
0x170: {  	s9 =	sor.u32 s12, s15;
	vm7 =	vne.s32 v12, $0x0;
	v12 =	vor.u32 v12, v7;
	v13 =	vsel vm0, v10, v11  }
0x171: {  	v3 =	vld [tilespmem:s9+$0xE080];
	v15 =	vsel vm0, v14, v6;
	v16 =	vsel vm2, v1, v8;
	v5 =	vadd.f32 v9, v5  }
0x172: {  	vm6 =	veq.s32 v2, $0x0;
	v9 =	vsel vm5, v15, v13;
	v13 =	vld [tilespmem:s7+$0x1A000];
	v15 =	vmax.f32 v1, v8  }
0x173: {  	s10 =	sadd.s32 $0x200, s14;
	v7 =	vld [tilespmem:s9+$0x12080];
	v17 =	vmul.f32 $2.000000030e-01, v9;
	v5 =	vmul.f32 $8.000000110e-01, v5;
	v18 =	vmax.f32 v4, v0  }
0x174: {  	s16 =	sor.u32 s12, s10;
	v2 =	vld [tilespmem:s9+$0xE000];
	vm8 =	vmor vm5, vm0;
	vm3 =	vmand vm5, vm3;
	v15 =	vsel vm2, v15, v18  }
0x175: {  	vm4 =	vmor vm7, vm2;
	v9 =	vld [tilespmem:s16+$0x18000];
	v17 =	vadd.f32 v5, v17;
	v15 =	vmul.f32 $8.000000110e-01, v15  }
0x176: {  	s10 =	sor.u32 s11, s10;
	vm1 =	vmand vm7, vm1;
	vm0 =	vmand vm5, vm0;
	v19 =	vsel vm2, v4, v0;
	v5 =	vld [tilespmem:s9+$0x12000]  }
0x177: {  	s7 =	sor.u32 s11, s15;
	v16 =	vsel vm7, v19, v16;
	v18 =	vsel vm3, v17, v6;
	v13 =	vadd.f32 v15, v13;
	v6 =	vld [tilespmem:s10+$0x18000]  }
0x178: {  	vm2 =	vmand vm7, vm2;
	v16 =	vmul.f32 $2.000000030e-01, v16;
	vm3 =	veq.s32 v12, $0x0;
	v12 =	vld [tilespmem:s7+$0xE000]  }
0x179: {  	v63 =	vsel vm8, v11, v17;
	v15 =	vsel vm0, v17, v14;
	[tilespmem:s6+$0x12080] =	vst v18;
	v19 =	vmul.f32 $8.000000110e-01, v13;
	v13 =	vld [tilespmem:s16+$0x16000]  }
0x17a: {  	v14 =	vld [tilespmem:s16+$0x1A000];
	vm0 =	vmmov vm1;
	vm1 =	veq.s32 v9, $0x0;
	v18 =	vsel vm6, v17, v10;
	[tilespmem:s6+$0xE080] =	vst v63  }
0x17b: {  	s11 =	simm.s32 $0x102;
	v11 =	vld [tilespmem:s7+$0xE080];
	[tilespmem:s6+$0xE000] =	vst v18;
	v17 =	vmax.f32 v5, v7;
	v10 =	vadd.f32 v19, v16;
	v16 =	vmax.f32 v2, v3  }
.LBB2_8:
0x17c: {  	s11 =	sadd.s32 $0x2, s11;
	v18 =	vld [tilespmem:s7+$0x12000];
	vm5 =	vne.s32 v6, $0x0;
	vm6 =	veq.s32 v6, $0x0;
	v16 =	vsel vm1, v16, v17;
	[tilespmem:s6+$0x12000] =	vst v15;
	s6 =	smov.u32 s9  }
0x17d: {  	s8 =	sadd.s32 $0x20, s8;
	v17 =	vsel vm3, v10, v1;
	v8 =	vsel vm4, v8, v10;
	s9 =	sshrl.u32 s11, $0x3;
	v15 =	vld [tilespmem:s7+$0x12080];
	v16 =	vmul.f32 $8.000000110e-01, v16;
	v1 =	vmovc v12  }
0x17e: {  	v4 =	vsel vm2, v10, v4;
	s12 =	sshrl.u32 s11, $0x6;
	s13 =	sand.u32 $0x60, s8;
	s9 =	sand.u32 $0x7, s9;
	v12 =	vld [tilespmem:s10+$0x16000];
	vm7 =	vne.s32 v13, $0x0;
	v13 =	vor.u32 v13, v9;
	[tilespmem:s5+$0xE000] =	vst v17  }
0x17f: {  	v19 =	vsel vm1, v2, v3;
	v20 =	vsel vm1, v5, v7;
	s15 =	sshll.u32 s12, $0x7;
	s16 =	sor.u32 $0x10, s13;
	s14 =	sshll.u32 s9, $0xA;
	v17 =	vld [tilespmem:s10+$0x1A000];
	v14 =	vadd.f32 v16, v14;
	[tilespmem:s5+$0xE080] =	vst v8  }
0x180: {  	s10 =	sshll.u32 s12, $0xB;
	s9 =	sshll.u32 s9, $0x8;
	v20 =	vsel vm7, v20, v19;
	s12 =	sadd.s32 s15, s14;
	v16 =	vmax.f32 v1, v11;
	v21 =	vsel vm6, v1, v11;
	[tilespmem:s5+$0x12000] =	vst v4  }
0x181: {  	vm8 =	veq.s32 v13, $0x0;
	s9 =	sor.u32 s10, s9;
	v19 =	vmul.f32 $2.000000030e-01, v20;
	v8 =	vmovc v11;
	s10 =	sor.u32 s13, s12;
	s12 =	sor.u32 s16, s12;
	v14 =	vmul.f32 $8.000000110e-01, v14;
	v4 =	vmovc v18  }
0x182: {  	p0 =	slt.u32 s11, $0x1FE;
	vm9 =	vmor vm7, vm1;
	s13 =	sor.u32 s13, s9;
	s9 =	sor.u32 s16, s9;
	v11 =	vld [tilespmem:s12+$0x18000];
	v13 =	vmax.f32 v4, v15;
	v18 =	vsel vm6, v4, v15  }
0x183: {  	vm2 =	vne.s32 v9, $0x0;
	v20 =	vld [tilespmem:s9+$0xE000];
	v13 =	vsel vm6, v16, v13;
	v14 =	vadd.f32 v14, v19  }
0x184: {  	vm2 =	vmand vm7, vm2;
	vm10 =	vne.s32 v12, $0x0;
	v16 =	vld [tilespmem:s9+$0xE080];
	v22 =	vmul.f32 $8.000000110e-01, v13  }
0x185: {  	v6 =	vor.u32 v12, v6;
	v13 =	vsel vm10, v18, v21;
	v19 =	vld [tilespmem:s9+$0x12000];
	v12 =	vsel vm2, v14, v7  }
0x186: {  	vm3 =	veq.s32 v6, $0x0;
	v18 =	vmul.f32 $2.000000030e-01, v13;
	v7 =	vld [tilespmem:s9+$0x12080];
	v13 =	vadd.f32 v22, v17;
	[tilespmem:s6+$0x12080] =	vst v12  }
.Ltmp3:
0x187: {  	vm4 =	vmor vm10, vm6;
	vm5 =	vmand vm10, vm5;
	vm2 =	vmand vm10, vm6;
	v6 =	vld [tilespmem:s10+$0x18000];
	v9 =	vmovc v11;
	(pc) =	sbr.rel @p0 .LBB2_8-.Ltmp3, $4  }
0x188: {  	v10 =	vsel vm0, v10, v0;
	vm1 =	vmand vm7, vm1;
	v0 =	vmovc v15;
	v12 =	vld [tilespmem:s13+$0xE000];
	v11 =	vmul.f32 $8.000000110e-01, v13  }
0x189: {  	v21 =	vsel vm9, v3, v14;
	v15 =	vsel vm1, v14, v5;
	v17 =	vsel vm8, v14, v2;
	v13 =	vld [tilespmem:s12+$0x16000];
	[tilespmem:s5+$0x12080] =	vst v10;
	s5 =	smov.u32 s7;
	s7 =	smov.u32 s13  }
0x18a: {  	vm0 =	vmmov vm5;
	v2 =	vmovc v20;
	v3 =	vmovc v16;
	v14 =	vld [tilespmem:s12+$0x1A000];
	v10 =	vadd.f32 v11, v18;
	[tilespmem:s6+$0xE000] =	vst v17;
	v5 =	vmov v19  }
0x18b: {  	vm1 =	veq.s32 v9, $0x0;
	v16 =	vmax.f32 v2, v3;
	v11 =	vld [tilespmem:s7+$0xE080];
	v17 =	vmax.f32 v5, v7;
	[tilespmem:s6+$0xE080] =	vst v21  }
0x18c: {  	v18 =	vld [tilespmem:s7+$0x12000]  }
0x18d: {  	v19 =	vld [tilespmem:s7+$0x12080]  }
0x18e: {  	v16 =	vsel vm1, v16, v17  }
0x18f: {  	vm5 =	veq.s32 v6, $0x0;
	v20 =	vsel vm1, v2, v3;
	v16 =	vmul.f32 $8.000000110e-01, v16  }
0x190: {  	v17 =	vld [tilespmem:s10+$0x16000];
	v21 =	vsel vm1, v5, v7;
	v1 =	vsel vm3, v10, v1;
	v8 =	vsel vm4, v8, v10  }
0x191: {  	v4 =	vsel vm2, v10, v4;
	vm6 =	vne.s32 v13, $0x0;
	v14 =	vadd.f32 v16, v14;
	v16 =	vld [tilespmem:s10+$0x1A000]  }
0x192: {  	v20 =	vsel vm6, v21, v20;
	v22 =	vmax.f32 v12, v11;
	v62 =	vmax.f32 v18, v19  }
0x193: {  	v20 =	vmul.f32 $2.000000030e-01, v20;
	v14 =	vmul.f32 $8.000000110e-01, v14;
	v21 =	vsel vm5, v22, v62  }
0x194: {  	[tilespmem:s6+$0x12000] =	vst v15;
	vm2 =	vne.s32 v9, $0x0;
	v13 =	vor.u32 v13, v9;
	v21 =	vmul.f32 $8.000000110e-01, v21  }
0x195: {  	[tilespmem:s5+$0xE000] =	vst v1;
	vm2 =	vmand vm6, vm2;
	v15 =	vsel vm5, v12, v11;
	v9 =	vadd.f32 v14, v20  }
0x196: {  	[tilespmem:s5+$0xE080] =	vst v8;
	v1 =	vsel vm5, v18, v19;
	vm3 =	vne.s32 v17, $0x0;
	v8 =	vadd.f32 v21, v16  }
0x197: {  	v0 =	vsel vm0, v10, v0;
	[tilespmem:s5+$0x12000] =	vst v4;
	v1 =	vsel vm3, v1, v15;
	v4 =	vsel vm2, v9, v7  }
0x198: {  	vm4 =	veq.s32 v13, $0x0;
	v1 =	vmul.f32 $2.000000030e-01, v1;
	[tilespmem:s9+$0x12080] =	vst v4;
	v4 =	vmul.f32 $8.000000110e-01, v8  }
0x199: {  	[tilespmem:s5+$0x12080] =	vst v0;
	vm0 =	vmor vm6, vm1;
	vm1 =	vmand vm6, vm1;
	v2 =	vsel vm4, v9, v2  }
0x19a: {  	v7 =	vor.u32 v17, v6;
	v0 =	vsel vm0, v3, v9;
	[tilespmem:s9+$0xE000] =	vst v2;
	v1 =	vadd.f32 v4, v1  }
0x19b: {  	vm0 =	veq.s32 v7, $0x0;
	v2 =	vsel vm1, v9, v5;
	[tilespmem:s9+$0xE080] =	vst v0  }
0x19c: {  	vm2 =	vmor vm3, vm5;
	vm1 =	vne.s32 v6, $0x0;
	[tilespmem:s9+$0x12000] =	vst v2;
	v0 =	vsel vm0, v1, v12  }
0x19d: {  	vm1 =	vmand vm3, vm1;
	vm0 =	vmand vm3, vm5;
	v2 =	vsel vm2, v11, v1;
	[tilespmem:s7+$0xE000] =	vst v0  }
0x19e: {  	vm1 =	vmmov vm1;
	v0 =	vsel vm0, v1, v18;
	[tilespmem:s7+$0xE080] =	vst v2  }
0x19f: {  	[tilespmem:s7+$0x12000] =	vst v0;
	v0 =	vsel vm1, v1, v19  }
0x1a0: {  	[tilespmem:s7+$0x12080] =	vst v0  }
0x1a1: {  	s6 =	rddreg [dreg:$0x1f]  }
0x1a2: {  	s5 =	simm.s32 $0x0;
	s8 =	sld [smem:$0x7EC]  }
0x1a3: {  	[hbm4b:s6+s5] =	stream.linear.scatter [tilespmem:s24], [sflag:$0xA], $0x2000, $0x38;
	[tilespmem:$0x1C000] =	vst v63  }
0x1a4: {  	_ = 	snop  }
0x1a5: {  	[hbm4b:s8+s5] =	stream.linear.scatter [tilespmem:s22], [sflag:$0xA], $0x2000, $0x38;
	[tilespmem:$0x1C000] =	vst v63  }
0x1a6: {  	_ =	swait.ge [sflag:s2], $0x2000  }
0x1a7: {  	[sflag:s2] =	ssyncset.done $0x0  }
0x1a8: {  	[sflag:s2] =	ssyncadd.s32 $0xFFFFE000  }
0x1a9: {  	_ =	swait.ge [sflag:s2], $0x2000  }
0x1aa: {  	[sflag:s2] =	ssyncset.done $0x0  }
0x1ab: {  	[sflag:s2] =	ssyncadd.s32 $0xFFFFE000  }
0x1ac: {  	_ =	swait.ge [sflag:s3], $0x2000  }
0x1ad: {  	[sflag:s3] =	ssyncset.done $0x0  }
0x1ae: {  	[sflag:s3] =	ssyncadd.s32 $0xFFFFE000  }
0x1af: {  	_ =	swait.ge [sflag:s3], $0x2000  }
0x1b0: {  	[sflag:s3] =	ssyncset.done $0x0;
	s9 =	rddreg [dreg:$0x11]  }
0x1b1: {  	s10 =	simm.s32 $0x16000;
	s11 =	rddreg [dreg:$0x12];
	[sflag:s3] =	ssyncadd.s32 $0xFFFFE000  }
0x1b2: {  	[tilespmem:s10], [sflag:$0x2] =	stream.linear.gather [hbm4b:s9+s5], $0x2000, $0x38;
	[tilespmem:$0x1C000] =	vst v63  }
0x1b3: {  	s12 =	simm.s32 $0x18000;
	s13 =	rddreg [dreg:$0x13]  }
0x1b4: {  	[tilespmem:s12], [sflag:$0x2] =	stream.linear.gather [hbm4b:s11+s5], $0x2000, $0x38;
	[tilespmem:$0x1C000] =	vst v63  }
0x1b5: {  	s14 =	simm.s32 $0x1A000;
	s15 =	sld [smem:$0x7F1]  }
0x1b6: {  	[tilespmem:s14], [sflag:$0x2] =	stream.linear.gather [hbm4b:s13+s5], $0x2000, $0x38;
	[tilespmem:$0x1C000] =	vst v63  }
0x1b7: {  	s16 =	sld [smem:$0x7F2]  }
0x1b8: {  	[tilespmem:s23], [sflag:$0x5] =	stream.linear.gather [hbm4b:s15+s5], $0x2000, $0x38;
	[tilespmem:$0x1C000] =	vst v63  }
0x1b9: {  	s7 =	sld [smem:$0x7F3]  }
0x1ba: {  	[tilespmem:s18], [sflag:$0x5] =	stream.linear.gather [hbm4b:s16+s5], $0x2000, $0x38;
	[tilespmem:$0x1C000] =	vst v63  }
0x1bb: {  	s8 =	sld [smem:$0x7F4]  }
0x1bc: {  	[tilespmem:s24], [sflag:$0x6] =	stream.linear.gather [hbm4b:s7+s5], $0x2000, $0x38;
	[tilespmem:$0x1C000] =	vst v63  }
0x1bd: {  	_ = 	snop  }
0x1be: {  	[tilespmem:s22], [sflag:$0x6] =	stream.linear.gather [hbm4b:s8+s5], $0x2000, $0x38;
	[tilespmem:$0x1C000] =	vst v63  }
0x1bf: {  	_ =	swait.ge [sflag:s25], $0x2000  }
0x1c0: {  	[sflag:s25] =	ssyncset.done $0x0  }
0x1c1: {  	[sflag:s25] =	ssyncadd.s32 $0xFFFFE000  }
0x1c2: {  	_ =	swait.ge [sflag:s25], $0x2000  }
0x1c3: {  	[sflag:s25] =	ssyncset.done $0x0  }
0x1c4: {  	[sflag:s25] =	ssyncadd.s32 $0xFFFFE000  }
0x1c5: {  	_ =	swait.ge [sflag:s25], $0x2000  }
0x1c6: {  	[sflag:s25] =	ssyncset.done $0x0  }
0x1c7: {  	[sflag:s25] =	ssyncadd.s32 $0xFFFFE000  }
0x1c8: {  	s9 =	simm.s32 $0x0;
	_ =	swait.ge [sflag:s19], $0x2000  }
0x1c9: {  	s6 =	sand.u32 $0x7, s9;
	[sflag:s19] =	ssyncset.done $0x0  }
0x1ca: {  	s10 =	sshll.u32 s6, $0xA;
	s11 =	simm.s32 $0x0;
	[sflag:s19] =	ssyncadd.s32 $0xFFFFE000  }
0x1cb: {  	s6 =	sshll.u32 s6, $0x8;
	s5 =	sand.u32 $0x60, s5;
	_ =	swait.ge [sflag:s19], $0x2000  }
0x1cc: {  	s7 =	sadd.s32 $0x0, s10;
	s8 =	sor.u32 $0x10, s5;
	[sflag:s19] =	ssyncset.done $0x0  }
0x1cd: {  	s9 =	sor.u32 s11, s6;
	s12 =	sor.u32 s8, s7;
	[sflag:s19] =	ssyncadd.s32 $0xFFFFE000  }
0x1ce: {  	s6 =	sor.u32 s8, s9;
	v3 =	vld [tilespmem:s12+$0xA000]  }
0x1cf: {  	v10 =	vld [tilespmem:s6+$0x0]  }
0x1d0: {  	v11 =	vld [tilespmem:s6+$0x80]  }
0x1d1: {  	v14 =	vld [tilespmem:s6+$0x4000]  }
0x1d2: {  	s7 =	sor.u32 s5, s7;
	v6 =	vld [tilespmem:s6+$0x4080]  }
0x1d3: {  	s5 =	sor.u32 s5, s9;
	v7 =	vld [tilespmem:s7+$0xA000]  }
0x1d4: {  	v1 =	vld [tilespmem:s5+$0x0]  }
0x1d5: {  	v2 =	vld [tilespmem:s12+$0x8000]  }
0x1d6: {  	v5 =	vld [tilespmem:s12+$0xC000]  }
0x1d7: {  	v12 =	vld [tilespmem:s7+$0x8000]  }
0x1d8: {  	s13 =	simm.s32 $0x0;
	v8 =	vld [tilespmem:s5+$0x80];
	vm0 =	veq.s32 v3, $0x0  }
0x1d9: {  	s8 =	simm.s32 $0x20;
	s9 =	sand.u32 $0x7, s13;
	s13 =	simm.s32 $0x0;
	v4 =	vld [tilespmem:s5+$0x4000];
	v0 =	vmax.f32 v10, v11;
	v9 =	vmax.f32 v14, v6;
	vm1 =	vne.s32 v7, $0x0  }
0x1da: {  	s11 =	sand.u32 $0x60, s8;
	s14 =	sshll.u32 s9, $0xA;
	s9 =	sshll.u32 s9, $0x8;
	vm2 =	veq.s32 v7, $0x0;
	vm5 =	vne.s32 v2, $0x0;
	v9 =	vsel vm0, v0, v9;
	v0 =	vld [tilespmem:s5+$0x4080]  }
0x1db: {  	s15 =	sor.u32 s13, s9;
	s12 =	sor.u32 $0x10, s11;
	v2 =	vor.u32 v2, v3;
	vm3 =	vne.s32 v3, $0x0;
	v9 =	vmul.f32 $8.000000110e-01, v9  }
0x1dc: {  	s9 =	sor.u32 s12, s15;
	vm7 =	vne.s32 v12, $0x0;
	v12 =	vor.u32 v12, v7;
	v13 =	vsel vm0, v10, v11  }
0x1dd: {  	v3 =	vld [tilespmem:s9+$0x80];
	v15 =	vsel vm0, v14, v6;
	v16 =	vsel vm2, v1, v8;
	v5 =	vadd.f32 v9, v5  }
0x1de: {  	vm6 =	veq.s32 v2, $0x0;
	v9 =	vsel vm5, v15, v13;
	v13 =	vld [tilespmem:s7+$0xC000];
	v15 =	vmax.f32 v1, v8  }
0x1df: {  	s10 =	sadd.s32 $0x0, s14;
	v7 =	vld [tilespmem:s9+$0x4080];
	v17 =	vmul.f32 $2.000000030e-01, v9;
	v5 =	vmul.f32 $8.000000110e-01, v5;
	v18 =	vmax.f32 v4, v0  }
0x1e0: {  	s16 =	sor.u32 s12, s10;
	v2 =	vld [tilespmem:s9+$0x0];
	vm8 =	vmor vm5, vm0;
	vm3 =	vmand vm5, vm3;
	v15 =	vsel vm2, v15, v18  }
0x1e1: {  	vm4 =	vmor vm7, vm2;
	v9 =	vld [tilespmem:s16+$0xA000];
	v17 =	vadd.f32 v5, v17;
	v15 =	vmul.f32 $8.000000110e-01, v15  }
0x1e2: {  	s10 =	sor.u32 s11, s10;
	vm1 =	vmand vm7, vm1;
	vm0 =	vmand vm5, vm0;
	v19 =	vsel vm2, v4, v0;
	v5 =	vld [tilespmem:s9+$0x4000]  }
0x1e3: {  	s7 =	sor.u32 s11, s15;
	v16 =	vsel vm7, v19, v16;
	v18 =	vsel vm3, v17, v6;
	v13 =	vadd.f32 v15, v13;
	v6 =	vld [tilespmem:s10+$0xA000]  }
0x1e4: {  	vm2 =	vmand vm7, vm2;
	v16 =	vmul.f32 $2.000000030e-01, v16;
	vm3 =	veq.s32 v12, $0x0;
	v12 =	vld [tilespmem:s7+$0x0]  }
0x1e5: {  	v63 =	vsel vm8, v11, v17;
	v15 =	vsel vm0, v17, v14;
	[tilespmem:s6+$0x4080] =	vst v18;
	v19 =	vmul.f32 $8.000000110e-01, v13;
	v13 =	vld [tilespmem:s16+$0x8000]  }
0x1e6: {  	v14 =	vld [tilespmem:s16+$0xC000];
	vm0 =	vmmov vm1;
	vm1 =	veq.s32 v9, $0x0;
	v18 =	vsel vm6, v17, v10;
	[tilespmem:s6+$0x80] =	vst v63  }
0x1e7: {  	s11 =	simm.s32 $0x2;
	v11 =	vld [tilespmem:s7+$0x80];
	[tilespmem:s6+$0x0] =	vst v18;
	v17 =	vmax.f32 v5, v7;
	v10 =	vadd.f32 v19, v16;
	v16 =	vmax.f32 v2, v3  }
.LBB2_10:
0x1e8: {  	s11 =	sadd.s32 $0x2, s11;
	v18 =	vld [tilespmem:s7+$0x4000];
	vm5 =	vne.s32 v6, $0x0;
	vm6 =	veq.s32 v6, $0x0;
	v16 =	vsel vm1, v16, v17;
	[tilespmem:s6+$0x4000] =	vst v15;
	s6 =	smov.u32 s9  }
0x1e9: {  	s8 =	sadd.s32 $0x20, s8;
	v17 =	vsel vm3, v10, v1;
	v8 =	vsel vm4, v8, v10;
	s9 =	sshrl.u32 s11, $0x3;
	v15 =	vld [tilespmem:s7+$0x4080];
	v16 =	vmul.f32 $8.000000110e-01, v16;
	v1 =	vmovc v12  }
0x1ea: {  	v4 =	vsel vm2, v10, v4;
	s12 =	sshrl.u32 s11, $0x6;
	s13 =	sand.u32 $0x60, s8;
	s9 =	sand.u32 $0x7, s9;
	v12 =	vld [tilespmem:s10+$0x8000];
	vm7 =	vne.s32 v13, $0x0;
	v13 =	vor.u32 v13, v9;
	[tilespmem:s5+$0x0] =	vst v17  }
0x1eb: {  	v19 =	vsel vm1, v2, v3;
	v20 =	vsel vm1, v5, v7;
	s15 =	sshll.u32 s12, $0x7;
	s16 =	sor.u32 $0x10, s13;
	s14 =	sshll.u32 s9, $0xA;
	v17 =	vld [tilespmem:s10+$0xC000];
	v14 =	vadd.f32 v16, v14;
	[tilespmem:s5+$0x80] =	vst v8  }
0x1ec: {  	s10 =	sshll.u32 s12, $0xB;
	s9 =	sshll.u32 s9, $0x8;
	v20 =	vsel vm7, v20, v19;
	s12 =	sadd.s32 s15, s14;
	v16 =	vmax.f32 v1, v11;
	v21 =	vsel vm6, v1, v11;
	[tilespmem:s5+$0x4000] =	vst v4  }
0x1ed: {  	vm8 =	veq.s32 v13, $0x0;
	s9 =	sor.u32 s10, s9;
	v19 =	vmul.f32 $2.000000030e-01, v20;
	v8 =	vmovc v11;
	s10 =	sor.u32 s13, s12;
	s12 =	sor.u32 s16, s12;
	v14 =	vmul.f32 $8.000000110e-01, v14;
	v4 =	vmovc v18  }
0x1ee: {  	p0 =	slt.u32 s11, $0xFE;
	vm9 =	vmor vm7, vm1;
	s13 =	sor.u32 s13, s9;
	s9 =	sor.u32 s16, s9;
	v11 =	vld [tilespmem:s12+$0xA000];
	v13 =	vmax.f32 v4, v15;
	v18 =	vsel vm6, v4, v15  }
0x1ef: {  	vm2 =	vne.s32 v9, $0x0;
	v20 =	vld [tilespmem:s9+$0x0];
	v13 =	vsel vm6, v16, v13;
	v14 =	vadd.f32 v14, v19  }
0x1f0: {  	vm2 =	vmand vm7, vm2;
	vm10 =	vne.s32 v12, $0x0;
	v16 =	vld [tilespmem:s9+$0x80];
	v22 =	vmul.f32 $8.000000110e-01, v13  }
0x1f1: {  	v6 =	vor.u32 v12, v6;
	v13 =	vsel vm10, v18, v21;
	v19 =	vld [tilespmem:s9+$0x4000];
	v12 =	vsel vm2, v14, v7  }
0x1f2: {  	vm3 =	veq.s32 v6, $0x0;
	v18 =	vmul.f32 $2.000000030e-01, v13;
	v7 =	vld [tilespmem:s9+$0x4080];
	v13 =	vadd.f32 v22, v17;
	[tilespmem:s6+$0x4080] =	vst v12  }
.Ltmp4:
0x1f3: {  	vm4 =	vmor vm10, vm6;
	vm5 =	vmand vm10, vm5;
	vm2 =	vmand vm10, vm6;
	v6 =	vld [tilespmem:s10+$0xA000];
	v9 =	vmovc v11;
	(pc) =	sbr.rel @p0 .LBB2_10-.Ltmp4, $4  }
0x1f4: {  	v10 =	vsel vm0, v10, v0;
	vm1 =	vmand vm7, vm1;
	v0 =	vmovc v15;
	v12 =	vld [tilespmem:s13+$0x0];
	v11 =	vmul.f32 $8.000000110e-01, v13  }
0x1f5: {  	v21 =	vsel vm9, v3, v14;
	v15 =	vsel vm1, v14, v5;
	v17 =	vsel vm8, v14, v2;
	v13 =	vld [tilespmem:s12+$0x8000];
	[tilespmem:s5+$0x4080] =	vst v10;
	s5 =	smov.u32 s7;
	s7 =	smov.u32 s13  }
0x1f6: {  	vm0 =	vmmov vm5;
	v2 =	vmovc v20;
	v3 =	vmovc v16;
	v14 =	vld [tilespmem:s12+$0xC000];
	v10 =	vadd.f32 v11, v18;
	[tilespmem:s6+$0x0] =	vst v17;
	v5 =	vmov v19  }
0x1f7: {  	vm1 =	veq.s32 v9, $0x0;
	v16 =	vmax.f32 v2, v3;
	v11 =	vld [tilespmem:s7+$0x80];
	v17 =	vmax.f32 v5, v7;
	[tilespmem:s6+$0x80] =	vst v21  }
0x1f8: {  	v18 =	vld [tilespmem:s7+$0x4000]  }
0x1f9: {  	v19 =	vld [tilespmem:s7+$0x4080]  }
0x1fa: {  	v16 =	vsel vm1, v16, v17  }
0x1fb: {  	vm5 =	veq.s32 v6, $0x0;
	v20 =	vsel vm1, v2, v3;
	v16 =	vmul.f32 $8.000000110e-01, v16  }
0x1fc: {  	v17 =	vld [tilespmem:s10+$0x8000];
	v21 =	vsel vm1, v5, v7;
	v1 =	vsel vm3, v10, v1;
	v8 =	vsel vm4, v8, v10  }
0x1fd: {  	v4 =	vsel vm2, v10, v4;
	vm6 =	vne.s32 v13, $0x0;
	v14 =	vadd.f32 v16, v14;
	v16 =	vld [tilespmem:s10+$0xC000]  }
0x1fe: {  	v20 =	vsel vm6, v21, v20;
	v22 =	vmax.f32 v12, v11;
	v62 =	vmax.f32 v18, v19  }
0x1ff: {  	v20 =	vmul.f32 $2.000000030e-01, v20;
	v14 =	vmul.f32 $8.000000110e-01, v14;
	v21 =	vsel vm5, v22, v62  }
0x200: {  	[tilespmem:s6+$0x4000] =	vst v15;
	vm2 =	vne.s32 v9, $0x0;
	v13 =	vor.u32 v13, v9;
	v21 =	vmul.f32 $8.000000110e-01, v21  }
0x201: {  	[tilespmem:s5+$0x0] =	vst v1;
	vm2 =	vmand vm6, vm2;
	v15 =	vsel vm5, v12, v11;
	v9 =	vadd.f32 v14, v20  }
0x202: {  	[tilespmem:s5+$0x80] =	vst v8;
	v1 =	vsel vm5, v18, v19;
	vm3 =	vne.s32 v17, $0x0;
	v8 =	vadd.f32 v21, v16  }
0x203: {  	v0 =	vsel vm0, v10, v0;
	[tilespmem:s5+$0x4000] =	vst v4;
	v1 =	vsel vm3, v1, v15;
	v4 =	vsel vm2, v9, v7  }
0x204: {  	vm4 =	veq.s32 v13, $0x0;
	v1 =	vmul.f32 $2.000000030e-01, v1;
	[tilespmem:s9+$0x4080] =	vst v4;
	v4 =	vmul.f32 $8.000000110e-01, v8  }
0x205: {  	[tilespmem:s5+$0x4080] =	vst v0;
	vm0 =	vmor vm6, vm1;
	vm1 =	vmand vm6, vm1;
	v2 =	vsel vm4, v9, v2  }
0x206: {  	v7 =	vor.u32 v17, v6;
	v0 =	vsel vm0, v3, v9;
	[tilespmem:s9+$0x0] =	vst v2;
	v1 =	vadd.f32 v4, v1  }
0x207: {  	vm0 =	veq.s32 v7, $0x0;
	v2 =	vsel vm1, v9, v5;
	[tilespmem:s9+$0x80] =	vst v0  }
0x208: {  	vm2 =	vmor vm3, vm5;
	vm1 =	vne.s32 v6, $0x0;
	[tilespmem:s9+$0x4000] =	vst v2;
	v0 =	vsel vm0, v1, v12  }
0x209: {  	vm1 =	vmand vm3, vm1;
	vm0 =	vmand vm3, vm5;
	v2 =	vsel vm2, v11, v1;
	[tilespmem:s7+$0x0] =	vst v0  }
0x20a: {  	vm1 =	vmmov vm1;
	v0 =	vsel vm0, v1, v18;
	[tilespmem:s7+$0x80] =	vst v2  }
0x20b: {  	[tilespmem:s7+$0x4000] =	vst v0;
	v0 =	vsel vm1, v1, v19  }
0x20c: {  	[tilespmem:s7+$0x4080] =	vst v0  }
0x20d: {  	s5 =	sld [smem:$0x7F5];
	_ =	sdelay $0x1  }
0x20e: {  	s7 =	sld [smem:$0x7F6]  }
0x20f: {  	[hbm4b:s5+s1] =	stream.linear.scatter [tilespmem:s1], [sflag:$0x7], $0x2000, $0x38;
	[tilespmem:$0x1C000] =	vst v63  }
0x210: {  	_ = 	snop  }
0x211: {  	[hbm4b:s7+s1] =	stream.linear.scatter [tilespmem:s20], [sflag:$0x7], $0x2000, $0x38;
	[tilespmem:$0x1C000] =	vst v63  }
0x212: {  	s9 =	simm.s32 $0x20;
	_ =	swait.ge [sflag:s26], $0x2000  }
0x213: {  	s8 =	simm.s32 $0x1000;
	s6 =	sand.u32 $0x7, s9;
	[sflag:s26] =	ssyncset.done $0x0  }
0x214: {  	s11 =	simm.s32 $0x2000;
	s10 =	sshll.u32 s6, $0xA;
	[sflag:s26] =	ssyncadd.s32 $0xFFFFE000  }
0x215: {  	s6 =	sshll.u32 s6, $0x8;
	s5 =	sand.u32 $0x60, s8;
	_ =	swait.ge [sflag:s26], $0x2000  }
0x216: {  	s8 =	sor.u32 $0x10, s5;
	s7 =	sadd.s32 $0x200, s10;
	[sflag:s26] =	ssyncset.done $0x0  }
0x217: {  	s9 =	sor.u32 s11, s6;
	s12 =	sor.u32 s8, s7;
	[sflag:s26] =	ssyncadd.s32 $0xFFFFE000  }
0x218: {  	s6 =	sor.u32 s8, s9;
	v3 =	vld [tilespmem:s12+$0xA000]  }
0x219: {  	v10 =	vld [tilespmem:s6+$0x0]  }
0x21a: {  	v11 =	vld [tilespmem:s6+$0x80]  }
0x21b: {  	v14 =	vld [tilespmem:s6+$0x4000]  }
0x21c: {  	s7 =	sor.u32 s5, s7;
	v6 =	vld [tilespmem:s6+$0x4080]  }
0x21d: {  	s5 =	sor.u32 s5, s9;
	v7 =	vld [tilespmem:s7+$0xA000]  }
0x21e: {  	v1 =	vld [tilespmem:s5+$0x0]  }
0x21f: {  	v2 =	vld [tilespmem:s12+$0x8000]  }
0x220: {  	v5 =	vld [tilespmem:s12+$0xC000]  }
0x221: {  	v12 =	vld [tilespmem:s7+$0x8000]  }
0x222: {  	s13 =	simm.s32 $0x20;
	v8 =	vld [tilespmem:s5+$0x80];
	vm0 =	veq.s32 v3, $0x0  }
0x223: {  	s8 =	simm.s32 $0x1020;
	s9 =	sand.u32 $0x7, s13;
	s13 =	simm.s32 $0x2000;
	v4 =	vld [tilespmem:s5+$0x4000];
	v0 =	vmax.f32 v10, v11;
	v9 =	vmax.f32 v14, v6;
	vm1 =	vne.s32 v7, $0x0  }
0x224: {  	s11 =	sand.u32 $0x60, s8;
	s14 =	sshll.u32 s9, $0xA;
	s9 =	sshll.u32 s9, $0x8;
	vm2 =	veq.s32 v7, $0x0;
	vm5 =	vne.s32 v2, $0x0;
	v9 =	vsel vm0, v0, v9;
	v0 =	vld [tilespmem:s5+$0x4080]  }
0x225: {  	s15 =	sor.u32 s13, s9;
	s12 =	sor.u32 $0x10, s11;
	v2 =	vor.u32 v2, v3;
	vm3 =	vne.s32 v3, $0x0;
	v9 =	vmul.f32 $8.000000110e-01, v9  }
0x226: {  	s9 =	sor.u32 s12, s15;
	vm7 =	vne.s32 v12, $0x0;
	v12 =	vor.u32 v12, v7;
	v13 =	vsel vm0, v10, v11  }
0x227: {  	v3 =	vld [tilespmem:s9+$0x80];
	v15 =	vsel vm0, v14, v6;
	v16 =	vsel vm2, v1, v8;
	v5 =	vadd.f32 v9, v5  }
0x228: {  	vm6 =	veq.s32 v2, $0x0;
	v9 =	vsel vm5, v15, v13;
	v13 =	vld [tilespmem:s7+$0xC000];
	v15 =	vmax.f32 v1, v8  }
0x229: {  	s10 =	sadd.s32 $0x200, s14;
	v7 =	vld [tilespmem:s9+$0x4080];
	v17 =	vmul.f32 $2.000000030e-01, v9;
	v5 =	vmul.f32 $8.000000110e-01, v5;
	v18 =	vmax.f32 v4, v0  }
0x22a: {  	s16 =	sor.u32 s12, s10;
	v2 =	vld [tilespmem:s9+$0x0];
	vm8 =	vmor vm5, vm0;
	vm3 =	vmand vm5, vm3;
	v15 =	vsel vm2, v15, v18  }
0x22b: {  	vm4 =	vmor vm7, vm2;
	v9 =	vld [tilespmem:s16+$0xA000];
	v17 =	vadd.f32 v5, v17;
	v15 =	vmul.f32 $8.000000110e-01, v15  }
0x22c: {  	s10 =	sor.u32 s11, s10;
	vm1 =	vmand vm7, vm1;
	vm0 =	vmand vm5, vm0;
	v19 =	vsel vm2, v4, v0;
	v5 =	vld [tilespmem:s9+$0x4000]  }
0x22d: {  	s7 =	sor.u32 s11, s15;
	v16 =	vsel vm7, v19, v16;
	v18 =	vsel vm3, v17, v6;
	v13 =	vadd.f32 v15, v13;
	v6 =	vld [tilespmem:s10+$0xA000]  }
0x22e: {  	vm2 =	vmand vm7, vm2;
	v16 =	vmul.f32 $2.000000030e-01, v16;
	vm3 =	veq.s32 v12, $0x0;
	v12 =	vld [tilespmem:s7+$0x0]  }
0x22f: {  	v63 =	vsel vm8, v11, v17;
	v15 =	vsel vm0, v17, v14;
	[tilespmem:s6+$0x4080] =	vst v18;
	v19 =	vmul.f32 $8.000000110e-01, v13;
	v13 =	vld [tilespmem:s16+$0x8000]  }
0x230: {  	v14 =	vld [tilespmem:s16+$0xC000];
	vm0 =	vmmov vm1;
	vm1 =	veq.s32 v9, $0x0;
	v18 =	vsel vm6, v17, v10;
	[tilespmem:s6+$0x80] =	vst v63  }
0x231: {  	s11 =	simm.s32 $0x102;
	v11 =	vld [tilespmem:s7+$0x80];
	[tilespmem:s6+$0x0] =	vst v18;
	v17 =	vmax.f32 v5, v7;
	v10 =	vadd.f32 v19, v16;
	v16 =	vmax.f32 v2, v3  }
.LBB2_12:
0x232: {  	s11 =	sadd.s32 $0x2, s11;
	v18 =	vld [tilespmem:s7+$0x4000];
	vm5 =	vne.s32 v6, $0x0;
	vm6 =	veq.s32 v6, $0x0;
	v16 =	vsel vm1, v16, v17;
	[tilespmem:s6+$0x4000] =	vst v15;
	s6 =	smov.u32 s9  }
0x233: {  	s8 =	sadd.s32 $0x20, s8;
	v17 =	vsel vm3, v10, v1;
	v8 =	vsel vm4, v8, v10;
	s9 =	sshrl.u32 s11, $0x3;
	v15 =	vld [tilespmem:s7+$0x4080];
	v16 =	vmul.f32 $8.000000110e-01, v16;
	v1 =	vmovc v12  }
0x234: {  	v4 =	vsel vm2, v10, v4;
	s12 =	sshrl.u32 s11, $0x6;
	s13 =	sand.u32 $0x60, s8;
	s9 =	sand.u32 $0x7, s9;
	v12 =	vld [tilespmem:s10+$0x8000];
	vm7 =	vne.s32 v13, $0x0;
	v13 =	vor.u32 v13, v9;
	[tilespmem:s5+$0x0] =	vst v17  }
0x235: {  	v19 =	vsel vm1, v2, v3;
	v20 =	vsel vm1, v5, v7;
	s15 =	sshll.u32 s12, $0x7;
	s16 =	sor.u32 $0x10, s13;
	s14 =	sshll.u32 s9, $0xA;
	v17 =	vld [tilespmem:s10+$0xC000];
	v14 =	vadd.f32 v16, v14;
	[tilespmem:s5+$0x80] =	vst v8  }
0x236: {  	s10 =	sshll.u32 s12, $0xB;
	s9 =	sshll.u32 s9, $0x8;
	v20 =	vsel vm7, v20, v19;
	s12 =	sadd.s32 s15, s14;
	v16 =	vmax.f32 v1, v11;
	v21 =	vsel vm6, v1, v11;
	[tilespmem:s5+$0x4000] =	vst v4  }
0x237: {  	vm8 =	veq.s32 v13, $0x0;
	s9 =	sor.u32 s10, s9;
	v19 =	vmul.f32 $2.000000030e-01, v20;
	v8 =	vmovc v11;
	s10 =	sor.u32 s13, s12;
	s12 =	sor.u32 s16, s12;
	v14 =	vmul.f32 $8.000000110e-01, v14;
	v4 =	vmovc v18  }
0x238: {  	p0 =	slt.u32 s11, $0x1FE;
	vm9 =	vmor vm7, vm1;
	s13 =	sor.u32 s13, s9;
	s9 =	sor.u32 s16, s9;
	v11 =	vld [tilespmem:s12+$0xA000];
	v13 =	vmax.f32 v4, v15;
	v18 =	vsel vm6, v4, v15  }
0x239: {  	vm2 =	vne.s32 v9, $0x0;
	v20 =	vld [tilespmem:s9+$0x0];
	v13 =	vsel vm6, v16, v13;
	v14 =	vadd.f32 v14, v19  }
0x23a: {  	vm2 =	vmand vm7, vm2;
	vm10 =	vne.s32 v12, $0x0;
	v16 =	vld [tilespmem:s9+$0x80];
	v22 =	vmul.f32 $8.000000110e-01, v13  }
0x23b: {  	v6 =	vor.u32 v12, v6;
	v13 =	vsel vm10, v18, v21;
	v19 =	vld [tilespmem:s9+$0x4000];
	v12 =	vsel vm2, v14, v7  }
0x23c: {  	vm3 =	veq.s32 v6, $0x0;
	v18 =	vmul.f32 $2.000000030e-01, v13;
	v7 =	vld [tilespmem:s9+$0x4080];
	v13 =	vadd.f32 v22, v17;
	[tilespmem:s6+$0x4080] =	vst v12  }
.Ltmp5:
0x23d: {  	vm4 =	vmor vm10, vm6;
	vm5 =	vmand vm10, vm5;
	vm2 =	vmand vm10, vm6;
	v6 =	vld [tilespmem:s10+$0xA000];
	v9 =	vmovc v11;
	(pc) =	sbr.rel @p0 .LBB2_12-.Ltmp5, $4  }
0x23e: {  	v10 =	vsel vm0, v10, v0;
	vm1 =	vmand vm7, vm1;
	v0 =	vmovc v15;
	v12 =	vld [tilespmem:s13+$0x0];
	v11 =	vmul.f32 $8.000000110e-01, v13  }
0x23f: {  	v21 =	vsel vm9, v3, v14;
	v15 =	vsel vm1, v14, v5;
	v17 =	vsel vm8, v14, v2;
	v13 =	vld [tilespmem:s12+$0x8000];
	[tilespmem:s5+$0x4080] =	vst v10;
	s5 =	smov.u32 s7;
	s7 =	smov.u32 s13  }
0x240: {  	vm0 =	vmmov vm5;
	v2 =	vmovc v20;
	v3 =	vmovc v16;
	v14 =	vld [tilespmem:s12+$0xC000];
	v10 =	vadd.f32 v11, v18;
	[tilespmem:s6+$0x0] =	vst v17;
	v5 =	vmov v19  }
0x241: {  	vm1 =	veq.s32 v9, $0x0;
	v16 =	vmax.f32 v2, v3;
	v11 =	vld [tilespmem:s7+$0x80];
	v17 =	vmax.f32 v5, v7;
	[tilespmem:s6+$0x80] =	vst v21  }
0x242: {  	v18 =	vld [tilespmem:s7+$0x4000]  }
0x243: {  	v19 =	vld [tilespmem:s7+$0x4080]  }
0x244: {  	v16 =	vsel vm1, v16, v17  }
0x245: {  	vm5 =	veq.s32 v6, $0x0;
	v20 =	vsel vm1, v2, v3;
	v16 =	vmul.f32 $8.000000110e-01, v16  }
0x246: {  	v17 =	vld [tilespmem:s10+$0x8000];
	v21 =	vsel vm1, v5, v7;
	v1 =	vsel vm3, v10, v1;
	v8 =	vsel vm4, v8, v10  }
0x247: {  	v4 =	vsel vm2, v10, v4;
	vm6 =	vne.s32 v13, $0x0;
	v14 =	vadd.f32 v16, v14;
	v16 =	vld [tilespmem:s10+$0xC000]  }
0x248: {  	v20 =	vsel vm6, v21, v20;
	v22 =	vmax.f32 v12, v11;
	v62 =	vmax.f32 v18, v19  }
0x249: {  	v20 =	vmul.f32 $2.000000030e-01, v20;
	v14 =	vmul.f32 $8.000000110e-01, v14;
	v21 =	vsel vm5, v22, v62  }
0x24a: {  	[tilespmem:s6+$0x4000] =	vst v15;
	vm2 =	vne.s32 v9, $0x0;
	v13 =	vor.u32 v13, v9;
	v21 =	vmul.f32 $8.000000110e-01, v21  }
0x24b: {  	[tilespmem:s5+$0x0] =	vst v1;
	vm2 =	vmand vm6, vm2;
	v15 =	vsel vm5, v12, v11;
	v9 =	vadd.f32 v14, v20  }
0x24c: {  	[tilespmem:s5+$0x80] =	vst v8;
	v1 =	vsel vm5, v18, v19;
	vm3 =	vne.s32 v17, $0x0;
	v8 =	vadd.f32 v21, v16  }
0x24d: {  	v0 =	vsel vm0, v10, v0;
	[tilespmem:s5+$0x4000] =	vst v4;
	v1 =	vsel vm3, v1, v15;
	v4 =	vsel vm2, v9, v7  }
0x24e: {  	vm4 =	veq.s32 v13, $0x0;
	v1 =	vmul.f32 $2.000000030e-01, v1;
	[tilespmem:s9+$0x4080] =	vst v4;
	v4 =	vmul.f32 $8.000000110e-01, v8  }
0x24f: {  	[tilespmem:s5+$0x4080] =	vst v0;
	vm0 =	vmor vm6, vm1;
	vm1 =	vmand vm6, vm1;
	v2 =	vsel vm4, v9, v2  }
0x250: {  	v7 =	vor.u32 v17, v6;
	v0 =	vsel vm0, v3, v9;
	[tilespmem:s9+$0x0] =	vst v2;
	v1 =	vadd.f32 v4, v1  }
0x251: {  	vm0 =	veq.s32 v7, $0x0;
	v2 =	vsel vm1, v9, v5;
	[tilespmem:s9+$0x80] =	vst v0  }
0x252: {  	vm2 =	vmor vm3, vm5;
	vm1 =	vne.s32 v6, $0x0;
	[tilespmem:s9+$0x4000] =	vst v2;
	v0 =	vsel vm0, v1, v12  }
0x253: {  	vm1 =	vmand vm3, vm1;
	vm0 =	vmand vm3, vm5;
	v2 =	vsel vm2, v11, v1;
	[tilespmem:s7+$0x0] =	vst v0  }
0x254: {  	vm1 =	vmmov vm1;
	v0 =	vsel vm0, v1, v18;
	[tilespmem:s7+$0x80] =	vst v2  }
0x255: {  	[tilespmem:s7+$0x4000] =	vst v0;
	v0 =	vsel vm1, v1, v19  }
0x256: {  	[tilespmem:s7+$0x4080] =	vst v0  }
0x257: {  	s6 =	sld [smem:$0x7F7];
	_ =	sdelay $0x1  }
0x258: {  	s7 =	simm.s32 $0x0;
	s8 =	sld [smem:$0x7F8]  }
0x259: {  	[hbm4b:s6+s7] =	stream.linear.scatter [tilespmem:s21], [sflag:$0x8], $0x2000, $0x38;
	[tilespmem:$0x1C000] =	vst v63  }
0x25a: {  	_ = 	snop  }
0x25b: {  	[hbm4b:s8+s7] =	stream.linear.scatter [tilespmem:s17], [sflag:$0x8], $0x2000, $0x38;
	[tilespmem:$0x1C000] =	vst v63  }
0x25c: {  	_ =	swait.ge [sflag:s30], $0x2000  }
0x25d: {  	[sflag:s30] =	ssyncset.done $0x0  }
0x25e: {  	[sflag:s30] =	ssyncadd.s32 $0xFFFFE000  }
0x25f: {  	_ =	swait.ge [sflag:s30], $0x2000  }
0x260: {  	[sflag:s30] =	ssyncset.done $0x0  }
0x261: {  	[sflag:s30] =	ssyncadd.s32 $0xFFFFE000  }
0x262: {  	_ =	swait.ge [sflag:s30], $0x2000  }
0x263: {  	[sflag:s30] =	ssyncset.done $0x0  }
0x264: {  	[sflag:s30] =	ssyncadd.s32 $0xFFFFE000  }
0x265: {  	_ =	swait.ge [sflag:s31], $0x2000  }
0x266: {  	s11 =	simm.s32 $0x0;
	s9 =	simm.s32 $0x0;
	[sflag:s31] =	ssyncset.done $0x0  }
0x267: {  	s5 =	sand.u32 $0x60, s7;
	s6 =	sand.u32 $0x7, s9;
	[sflag:s31] =	ssyncadd.s32 $0xFFFFE000  }
0x268: {  	s10 =	sshll.u32 s6, $0xA;
	s6 =	sshll.u32 s6, $0x8;
	_ =	swait.ge [sflag:s31], $0x2000  }
0x269: {  	s8 =	sor.u32 $0x10, s5;
	s7 =	sadd.s32 $0x0, s10;
	[sflag:s31] =	ssyncset.done $0x0  }
0x26a: {  	s9 =	sor.u32 s11, s6;
	s12 =	sor.u32 s8, s7;
	[sflag:s31] =	ssyncadd.s32 $0xFFFFE000  }
0x26b: {  	s6 =	sor.u32 s8, s9;
	v3 =	vld [tilespmem:s12+$0x18000]  }
0x26c: {  	v10 =	vld [tilespmem:s6+$0xE000]  }
0x26d: {  	v11 =	vld [tilespmem:s6+$0xE080]  }
0x26e: {  	v14 =	vld [tilespmem:s6+$0x12000]  }
0x26f: {  	s7 =	sor.u32 s5, s7;
	v6 =	vld [tilespmem:s6+$0x12080]  }
0x270: {  	s5 =	sor.u32 s5, s9;
	v7 =	vld [tilespmem:s7+$0x18000]  }
0x271: {  	v1 =	vld [tilespmem:s5+$0xE000]  }
0x272: {  	v2 =	vld [tilespmem:s12+$0x16000]  }
0x273: {  	v5 =	vld [tilespmem:s12+$0x1A000]  }
0x274: {  	v12 =	vld [tilespmem:s7+$0x16000]  }
0x275: {  	s13 =	simm.s32 $0x0;
	v8 =	vld [tilespmem:s5+$0xE080];
	vm0 =	veq.s32 v3, $0x0  }
0x276: {  	s8 =	simm.s32 $0x20;
	s9 =	sand.u32 $0x7, s13;
	s13 =	simm.s32 $0x0;
	v4 =	vld [tilespmem:s5+$0x12000];
	v0 =	vmax.f32 v10, v11;
	v9 =	vmax.f32 v14, v6;
	vm1 =	vne.s32 v7, $0x0  }
0x277: {  	s11 =	sand.u32 $0x60, s8;
	s14 =	sshll.u32 s9, $0xA;
	s9 =	sshll.u32 s9, $0x8;
	vm2 =	veq.s32 v7, $0x0;
	vm5 =	vne.s32 v2, $0x0;
	v9 =	vsel vm0, v0, v9;
	v0 =	vld [tilespmem:s5+$0x12080]  }
0x278: {  	s15 =	sor.u32 s13, s9;
	s12 =	sor.u32 $0x10, s11;
	v2 =	vor.u32 v2, v3;
	vm3 =	vne.s32 v3, $0x0;
	v9 =	vmul.f32 $8.000000110e-01, v9  }
0x279: {  	s9 =	sor.u32 s12, s15;
	vm7 =	vne.s32 v12, $0x0;
	v12 =	vor.u32 v12, v7;
	v13 =	vsel vm0, v10, v11  }
0x27a: {  	v3 =	vld [tilespmem:s9+$0xE080];
	v15 =	vsel vm0, v14, v6;
	v16 =	vsel vm2, v1, v8;
	v5 =	vadd.f32 v9, v5  }
0x27b: {  	vm6 =	veq.s32 v2, $0x0;
	v9 =	vsel vm5, v15, v13;
	v13 =	vld [tilespmem:s7+$0x1A000];
	v15 =	vmax.f32 v1, v8  }
0x27c: {  	s10 =	sadd.s32 $0x0, s14;
	v7 =	vld [tilespmem:s9+$0x12080];
	v17 =	vmul.f32 $2.000000030e-01, v9;
	v5 =	vmul.f32 $8.000000110e-01, v5;
	v18 =	vmax.f32 v4, v0  }
0x27d: {  	s16 =	sor.u32 s12, s10;
	v2 =	vld [tilespmem:s9+$0xE000];
	vm8 =	vmor vm5, vm0;
	vm3 =	vmand vm5, vm3;
	v15 =	vsel vm2, v15, v18  }
0x27e: {  	vm4 =	vmor vm7, vm2;
	v9 =	vld [tilespmem:s16+$0x18000];
	v17 =	vadd.f32 v5, v17;
	v15 =	vmul.f32 $8.000000110e-01, v15  }
0x27f: {  	s10 =	sor.u32 s11, s10;
	vm1 =	vmand vm7, vm1;
	vm0 =	vmand vm5, vm0;
	v19 =	vsel vm2, v4, v0;
	v5 =	vld [tilespmem:s9+$0x12000]  }
0x280: {  	s7 =	sor.u32 s11, s15;
	v16 =	vsel vm7, v19, v16;
	v18 =	vsel vm3, v17, v6;
	v13 =	vadd.f32 v15, v13;
	v6 =	vld [tilespmem:s10+$0x18000]  }
0x281: {  	vm2 =	vmand vm7, vm2;
	v16 =	vmul.f32 $2.000000030e-01, v16;
	vm3 =	veq.s32 v12, $0x0;
	v12 =	vld [tilespmem:s7+$0xE000]  }
0x282: {  	v63 =	vsel vm8, v11, v17;
	v15 =	vsel vm0, v17, v14;
	[tilespmem:s6+$0x12080] =	vst v18;
	v19 =	vmul.f32 $8.000000110e-01, v13;
	v13 =	vld [tilespmem:s16+$0x16000]  }
0x283: {  	v14 =	vld [tilespmem:s16+$0x1A000];
	vm0 =	vmmov vm1;
	vm1 =	veq.s32 v9, $0x0;
	v18 =	vsel vm6, v17, v10;
	[tilespmem:s6+$0xE080] =	vst v63  }
0x284: {  	s11 =	simm.s32 $0x2;
	v11 =	vld [tilespmem:s7+$0xE080];
	[tilespmem:s6+$0xE000] =	vst v18;
	v17 =	vmax.f32 v5, v7;
	v10 =	vadd.f32 v19, v16;
	v16 =	vmax.f32 v2, v3  }
.LBB2_14:
0x285: {  	s11 =	sadd.s32 $0x2, s11;
	v18 =	vld [tilespmem:s7+$0x12000];
	vm5 =	vne.s32 v6, $0x0;
	vm6 =	veq.s32 v6, $0x0;
	v16 =	vsel vm1, v16, v17;
	[tilespmem:s6+$0x12000] =	vst v15;
	s6 =	smov.u32 s9  }
0x286: {  	s8 =	sadd.s32 $0x20, s8;
	v17 =	vsel vm3, v10, v1;
	v8 =	vsel vm4, v8, v10;
	s9 =	sshrl.u32 s11, $0x3;
	v15 =	vld [tilespmem:s7+$0x12080];
	v16 =	vmul.f32 $8.000000110e-01, v16;
	v1 =	vmovc v12  }
0x287: {  	v4 =	vsel vm2, v10, v4;
	s12 =	sshrl.u32 s11, $0x6;
	s13 =	sand.u32 $0x60, s8;
	s9 =	sand.u32 $0x7, s9;
	v12 =	vld [tilespmem:s10+$0x16000];
	vm7 =	vne.s32 v13, $0x0;
	v13 =	vor.u32 v13, v9;
	[tilespmem:s5+$0xE000] =	vst v17  }
0x288: {  	v19 =	vsel vm1, v2, v3;
	v20 =	vsel vm1, v5, v7;
	s15 =	sshll.u32 s12, $0x7;
	s16 =	sor.u32 $0x10, s13;
	s14 =	sshll.u32 s9, $0xA;
	v17 =	vld [tilespmem:s10+$0x1A000];
	v14 =	vadd.f32 v16, v14;
	[tilespmem:s5+$0xE080] =	vst v8  }
0x289: {  	s10 =	sshll.u32 s12, $0xB;
	s9 =	sshll.u32 s9, $0x8;
	v20 =	vsel vm7, v20, v19;
	s12 =	sadd.s32 s15, s14;
	v16 =	vmax.f32 v1, v11;
	v21 =	vsel vm6, v1, v11;
	[tilespmem:s5+$0x12000] =	vst v4  }
0x28a: {  	vm8 =	veq.s32 v13, $0x0;
	s9 =	sor.u32 s10, s9;
	v19 =	vmul.f32 $2.000000030e-01, v20;
	v8 =	vmovc v11;
	s10 =	sor.u32 s13, s12;
	s12 =	sor.u32 s16, s12;
	v14 =	vmul.f32 $8.000000110e-01, v14;
	v4 =	vmovc v18  }
0x28b: {  	p0 =	slt.u32 s11, $0xFE;
	vm9 =	vmor vm7, vm1;
	s13 =	sor.u32 s13, s9;
	s9 =	sor.u32 s16, s9;
	v11 =	vld [tilespmem:s12+$0x18000];
	v13 =	vmax.f32 v4, v15;
	v18 =	vsel vm6, v4, v15  }
0x28c: {  	vm2 =	vne.s32 v9, $0x0;
	v20 =	vld [tilespmem:s9+$0xE000];
	v13 =	vsel vm6, v16, v13;
	v14 =	vadd.f32 v14, v19  }
0x28d: {  	vm2 =	vmand vm7, vm2;
	vm10 =	vne.s32 v12, $0x0;
	v16 =	vld [tilespmem:s9+$0xE080];
	v22 =	vmul.f32 $8.000000110e-01, v13  }
0x28e: {  	v6 =	vor.u32 v12, v6;
	v13 =	vsel vm10, v18, v21;
	v19 =	vld [tilespmem:s9+$0x12000];
	v12 =	vsel vm2, v14, v7  }
0x28f: {  	vm3 =	veq.s32 v6, $0x0;
	v18 =	vmul.f32 $2.000000030e-01, v13;
	v7 =	vld [tilespmem:s9+$0x12080];
	v13 =	vadd.f32 v22, v17;
	[tilespmem:s6+$0x12080] =	vst v12  }
.Ltmp6:
0x290: {  	vm4 =	vmor vm10, vm6;
	vm5 =	vmand vm10, vm5;
	vm2 =	vmand vm10, vm6;
	v6 =	vld [tilespmem:s10+$0x18000];
	v9 =	vmovc v11;
	(pc) =	sbr.rel @p0 .LBB2_14-.Ltmp6, $4  }
0x291: {  	v10 =	vsel vm0, v10, v0;
	vm1 =	vmand vm7, vm1;
	v0 =	vmovc v15;
	v12 =	vld [tilespmem:s13+$0xE000];
	v11 =	vmul.f32 $8.000000110e-01, v13  }
0x292: {  	v21 =	vsel vm9, v3, v14;
	v15 =	vsel vm1, v14, v5;
	v17 =	vsel vm8, v14, v2;
	v13 =	vld [tilespmem:s12+$0x16000];
	[tilespmem:s5+$0x12080] =	vst v10;
	s5 =	smov.u32 s7;
	s7 =	smov.u32 s13  }
0x293: {  	vm0 =	vmmov vm5;
	v2 =	vmovc v20;
	v3 =	vmovc v16;
	v14 =	vld [tilespmem:s12+$0x1A000];
	v10 =	vadd.f32 v11, v18;
	[tilespmem:s6+$0xE000] =	vst v17;
	v5 =	vmov v19  }
0x294: {  	vm1 =	veq.s32 v9, $0x0;
	v16 =	vmax.f32 v2, v3;
	v11 =	vld [tilespmem:s7+$0xE080];
	v17 =	vmax.f32 v5, v7;
	[tilespmem:s6+$0xE080] =	vst v21  }
0x295: {  	v18 =	vld [tilespmem:s7+$0x12000]  }
0x296: {  	v19 =	vld [tilespmem:s7+$0x12080]  }
0x297: {  	v16 =	vsel vm1, v16, v17  }
0x298: {  	vm5 =	veq.s32 v6, $0x0;
	v20 =	vsel vm1, v2, v3;
	v16 =	vmul.f32 $8.000000110e-01, v16  }
0x299: {  	v17 =	vld [tilespmem:s10+$0x16000];
	v21 =	vsel vm1, v5, v7;
	v1 =	vsel vm3, v10, v1;
	v8 =	vsel vm4, v8, v10  }
0x29a: {  	v4 =	vsel vm2, v10, v4;
	vm6 =	vne.s32 v13, $0x0;
	v14 =	vadd.f32 v16, v14;
	v16 =	vld [tilespmem:s10+$0x1A000]  }
0x29b: {  	v20 =	vsel vm6, v21, v20;
	v22 =	vmax.f32 v12, v11;
	v62 =	vmax.f32 v18, v19  }
0x29c: {  	v20 =	vmul.f32 $2.000000030e-01, v20;
	v14 =	vmul.f32 $8.000000110e-01, v14;
	v21 =	vsel vm5, v22, v62  }
0x29d: {  	[tilespmem:s6+$0x12000] =	vst v15;
	vm2 =	vne.s32 v9, $0x0;
	v13 =	vor.u32 v13, v9;
	v21 =	vmul.f32 $8.000000110e-01, v21  }
0x29e: {  	[tilespmem:s5+$0xE000] =	vst v1;
	vm2 =	vmand vm6, vm2;
	v15 =	vsel vm5, v12, v11;
	v9 =	vadd.f32 v14, v20  }
0x29f: {  	[tilespmem:s5+$0xE080] =	vst v8;
	v1 =	vsel vm5, v18, v19;
	vm3 =	vne.s32 v17, $0x0;
	v8 =	vadd.f32 v21, v16  }
0x2a0: {  	v0 =	vsel vm0, v10, v0;
	[tilespmem:s5+$0x12000] =	vst v4;
	v1 =	vsel vm3, v1, v15;
	v4 =	vsel vm2, v9, v7  }
0x2a1: {  	vm4 =	veq.s32 v13, $0x0;
	v1 =	vmul.f32 $2.000000030e-01, v1;
	[tilespmem:s9+$0x12080] =	vst v4;
	v4 =	vmul.f32 $8.000000110e-01, v8  }
0x2a2: {  	[tilespmem:s5+$0x12080] =	vst v0;
	vm0 =	vmor vm6, vm1;
	vm1 =	vmand vm6, vm1;
	v2 =	vsel vm4, v9, v2  }
0x2a3: {  	v7 =	vor.u32 v17, v6;
	v0 =	vsel vm0, v3, v9;
	[tilespmem:s9+$0xE000] =	vst v2;
	v1 =	vadd.f32 v4, v1  }
0x2a4: {  	vm0 =	veq.s32 v7, $0x0;
	v2 =	vsel vm1, v9, v5;
	[tilespmem:s9+$0xE080] =	vst v0  }
0x2a5: {  	vm2 =	vmor vm3, vm5;
	vm1 =	vne.s32 v6, $0x0;
	[tilespmem:s9+$0x12000] =	vst v2;
	v0 =	vsel vm0, v1, v12  }
0x2a6: {  	vm1 =	vmand vm3, vm1;
	vm0 =	vmand vm3, vm5;
	v2 =	vsel vm2, v11, v1;
	[tilespmem:s7+$0xE000] =	vst v0  }
0x2a7: {  	vm1 =	vmmov vm1;
	v0 =	vsel vm0, v1, v18;
	[tilespmem:s7+$0xE080] =	vst v2  }
0x2a8: {  	[tilespmem:s7+$0x12000] =	vst v0;
	v0 =	vsel vm1, v1, v19  }
0x2a9: {  	[tilespmem:s7+$0x12080] =	vst v0  }
0x2aa: {  	s5 =	sld [smem:$0x7F9];
	_ =	sdelay $0x1  }
0x2ab: {  	s7 =	sld [smem:$0x7FA]  }
0x2ac: {  	[hbm4b:s5+s1] =	stream.linear.scatter [tilespmem:s23], [sflag:$0x9], $0x2000, $0x38;
	[tilespmem:$0x1C000] =	vst v63  }
0x2ad: {  	_ = 	snop  }
0x2ae: {  	[hbm4b:s7+s1] =	stream.linear.scatter [tilespmem:s18], [sflag:$0x9], $0x2000, $0x38;
	[tilespmem:$0x1C000] =	vst v63  }
0x2af: {  	s9 =	simm.s32 $0x20;
	_ =	swait.ge [sflag:s0], $0x2000  }
0x2b0: {  	s8 =	simm.s32 $0x1000;
	s6 =	sand.u32 $0x7, s9;
	[sflag:s0] =	ssyncset.done $0x0  }
0x2b1: {  	s11 =	simm.s32 $0x2000;
	s10 =	sshll.u32 s6, $0xA;
	[sflag:s0] =	ssyncadd.s32 $0xFFFFE000  }
0x2b2: {  	s6 =	sshll.u32 s6, $0x8;
	s5 =	sand.u32 $0x60, s8;
	_ =	swait.ge [sflag:s0], $0x2000  }
0x2b3: {  	s8 =	sor.u32 $0x10, s5;
	s7 =	sadd.s32 $0x200, s10;
	[sflag:s0] =	ssyncset.done $0x0  }
0x2b4: {  	s9 =	sor.u32 s11, s6;
	s12 =	sor.u32 s8, s7;
	[sflag:s0] =	ssyncadd.s32 $0xFFFFE000  }
0x2b5: {  	s6 =	sor.u32 s8, s9;
	v3 =	vld [tilespmem:s12+$0x18000]  }
0x2b6: {  	v10 =	vld [tilespmem:s6+$0xE000]  }
0x2b7: {  	v11 =	vld [tilespmem:s6+$0xE080]  }
0x2b8: {  	v14 =	vld [tilespmem:s6+$0x12000]  }
0x2b9: {  	s7 =	sor.u32 s5, s7;
	v6 =	vld [tilespmem:s6+$0x12080]  }
0x2ba: {  	s5 =	sor.u32 s5, s9;
	v7 =	vld [tilespmem:s7+$0x18000]  }
0x2bb: {  	v1 =	vld [tilespmem:s5+$0xE000]  }
0x2bc: {  	v2 =	vld [tilespmem:s12+$0x16000]  }
0x2bd: {  	v5 =	vld [tilespmem:s12+$0x1A000]  }
0x2be: {  	v12 =	vld [tilespmem:s7+$0x16000]  }
0x2bf: {  	s13 =	simm.s32 $0x20;
	v8 =	vld [tilespmem:s5+$0xE080];
	vm0 =	veq.s32 v3, $0x0  }
0x2c0: {  	s8 =	simm.s32 $0x1020;
	s9 =	sand.u32 $0x7, s13;
	s13 =	simm.s32 $0x2000;
	v4 =	vld [tilespmem:s5+$0x12000];
	v0 =	vmax.f32 v10, v11;
	v9 =	vmax.f32 v14, v6;
	vm1 =	vne.s32 v7, $0x0  }
0x2c1: {  	s11 =	sand.u32 $0x60, s8;
	s14 =	sshll.u32 s9, $0xA;
	s9 =	sshll.u32 s9, $0x8;
	vm2 =	veq.s32 v7, $0x0;
	vm5 =	vne.s32 v2, $0x0;
	v9 =	vsel vm0, v0, v9;
	v0 =	vld [tilespmem:s5+$0x12080]  }
0x2c2: {  	s15 =	sor.u32 s13, s9;
	s12 =	sor.u32 $0x10, s11;
	v2 =	vor.u32 v2, v3;
	vm3 =	vne.s32 v3, $0x0;
	v9 =	vmul.f32 $8.000000110e-01, v9  }
0x2c3: {  	s9 =	sor.u32 s12, s15;
	vm7 =	vne.s32 v12, $0x0;
	v12 =	vor.u32 v12, v7;
	v13 =	vsel vm0, v10, v11  }
0x2c4: {  	v3 =	vld [tilespmem:s9+$0xE080];
	v15 =	vsel vm0, v14, v6;
	v16 =	vsel vm2, v1, v8;
	v5 =	vadd.f32 v9, v5  }
0x2c5: {  	vm6 =	veq.s32 v2, $0x0;
	v9 =	vsel vm5, v15, v13;
	v13 =	vld [tilespmem:s7+$0x1A000];
	v15 =	vmax.f32 v1, v8  }
0x2c6: {  	s10 =	sadd.s32 $0x200, s14;
	v7 =	vld [tilespmem:s9+$0x12080];
	v17 =	vmul.f32 $2.000000030e-01, v9;
	v5 =	vmul.f32 $8.000000110e-01, v5;
	v18 =	vmax.f32 v4, v0  }
0x2c7: {  	s16 =	sor.u32 s12, s10;
	v2 =	vld [tilespmem:s9+$0xE000];
	vm8 =	vmor vm5, vm0;
	vm3 =	vmand vm5, vm3;
	v15 =	vsel vm2, v15, v18  }
0x2c8: {  	vm4 =	vmor vm7, vm2;
	v9 =	vld [tilespmem:s16+$0x18000];
	v17 =	vadd.f32 v5, v17;
	v15 =	vmul.f32 $8.000000110e-01, v15  }
0x2c9: {  	s10 =	sor.u32 s11, s10;
	vm1 =	vmand vm7, vm1;
	vm0 =	vmand vm5, vm0;
	v19 =	vsel vm2, v4, v0;
	v5 =	vld [tilespmem:s9+$0x12000]  }
0x2ca: {  	s7 =	sor.u32 s11, s15;
	v16 =	vsel vm7, v19, v16;
	v18 =	vsel vm3, v17, v6;
	v13 =	vadd.f32 v15, v13;
	v6 =	vld [tilespmem:s10+$0x18000]  }
0x2cb: {  	vm2 =	vmand vm7, vm2;
	v16 =	vmul.f32 $2.000000030e-01, v16;
	vm3 =	veq.s32 v12, $0x0;
	v12 =	vld [tilespmem:s7+$0xE000]  }
0x2cc: {  	v63 =	vsel vm8, v11, v17;
	v15 =	vsel vm0, v17, v14;
	[tilespmem:s6+$0x12080] =	vst v18;
	v19 =	vmul.f32 $8.000000110e-01, v13;
	v13 =	vld [tilespmem:s16+$0x16000]  }
0x2cd: {  	v14 =	vld [tilespmem:s16+$0x1A000];
	vm0 =	vmmov vm1;
	vm1 =	veq.s32 v9, $0x0;
	v18 =	vsel vm6, v17, v10;
	[tilespmem:s6+$0xE080] =	vst v63  }
0x2ce: {  	s11 =	simm.s32 $0x102;
	v11 =	vld [tilespmem:s7+$0xE080];
	[tilespmem:s6+$0xE000] =	vst v18;
	v17 =	vmax.f32 v5, v7;
	v10 =	vadd.f32 v19, v16;
	v16 =	vmax.f32 v2, v3  }
.LBB2_16:
0x2cf: {  	s11 =	sadd.s32 $0x2, s11;
	v18 =	vld [tilespmem:s7+$0x12000];
	vm5 =	vne.s32 v6, $0x0;
	vm6 =	veq.s32 v6, $0x0;
	v16 =	vsel vm1, v16, v17;
	[tilespmem:s6+$0x12000] =	vst v15;
	s6 =	smov.u32 s9  }
0x2d0: {  	s8 =	sadd.s32 $0x20, s8;
	v17 =	vsel vm3, v10, v1;
	v8 =	vsel vm4, v8, v10;
	s9 =	sshrl.u32 s11, $0x3;
	v15 =	vld [tilespmem:s7+$0x12080];
	v16 =	vmul.f32 $8.000000110e-01, v16;
	v1 =	vmovc v12  }
0x2d1: {  	v4 =	vsel vm2, v10, v4;
	s12 =	sshrl.u32 s11, $0x6;
	s13 =	sand.u32 $0x60, s8;
	s9 =	sand.u32 $0x7, s9;
	v12 =	vld [tilespmem:s10+$0x16000];
	vm7 =	vne.s32 v13, $0x0;
	v13 =	vor.u32 v13, v9;
	[tilespmem:s5+$0xE000] =	vst v17  }
0x2d2: {  	v19 =	vsel vm1, v2, v3;
	v20 =	vsel vm1, v5, v7;
	s15 =	sshll.u32 s12, $0x7;
	s16 =	sor.u32 $0x10, s13;
	s14 =	sshll.u32 s9, $0xA;
	v17 =	vld [tilespmem:s10+$0x1A000];
	v14 =	vadd.f32 v16, v14;
	[tilespmem:s5+$0xE080] =	vst v8  }
0x2d3: {  	s10 =	sshll.u32 s12, $0xB;
	s9 =	sshll.u32 s9, $0x8;
	v20 =	vsel vm7, v20, v19;
	s12 =	sadd.s32 s15, s14;
	v16 =	vmax.f32 v1, v11;
	v21 =	vsel vm6, v1, v11;
	[tilespmem:s5+$0x12000] =	vst v4  }
0x2d4: {  	vm8 =	veq.s32 v13, $0x0;
	s9 =	sor.u32 s10, s9;
	v19 =	vmul.f32 $2.000000030e-01, v20;
	v8 =	vmovc v11;
	s10 =	sor.u32 s13, s12;
	s12 =	sor.u32 s16, s12;
	v14 =	vmul.f32 $8.000000110e-01, v14;
	v4 =	vmovc v18  }
0x2d5: {  	p0 =	slt.u32 s11, $0x1FE;
	vm9 =	vmor vm7, vm1;
	s13 =	sor.u32 s13, s9;
	s9 =	sor.u32 s16, s9;
	v11 =	vld [tilespmem:s12+$0x18000];
	v13 =	vmax.f32 v4, v15;
	v18 =	vsel vm6, v4, v15  }
0x2d6: {  	vm2 =	vne.s32 v9, $0x0;
	v20 =	vld [tilespmem:s9+$0xE000];
	v13 =	vsel vm6, v16, v13;
	v14 =	vadd.f32 v14, v19  }
0x2d7: {  	vm2 =	vmand vm7, vm2;
	vm10 =	vne.s32 v12, $0x0;
	v16 =	vld [tilespmem:s9+$0xE080];
	v22 =	vmul.f32 $8.000000110e-01, v13  }
0x2d8: {  	v6 =	vor.u32 v12, v6;
	v13 =	vsel vm10, v18, v21;
	v19 =	vld [tilespmem:s9+$0x12000];
	v12 =	vsel vm2, v14, v7  }
0x2d9: {  	vm3 =	veq.s32 v6, $0x0;
	v18 =	vmul.f32 $2.000000030e-01, v13;
	v7 =	vld [tilespmem:s9+$0x12080];
	v13 =	vadd.f32 v22, v17;
	[tilespmem:s6+$0x12080] =	vst v12  }
.Ltmp7:
0x2da: {  	vm4 =	vmor vm10, vm6;
	vm5 =	vmand vm10, vm5;
	vm2 =	vmand vm10, vm6;
	v6 =	vld [tilespmem:s10+$0x18000];
	v9 =	vmovc v11;
	(pc) =	sbr.rel @p0 .LBB2_16-.Ltmp7, $4  }
0x2db: {  	v10 =	vsel vm0, v10, v0;
	vm1 =	vmand vm7, vm1;
	v0 =	vmovc v15;
	v12 =	vld [tilespmem:s13+$0xE000];
	v11 =	vmul.f32 $8.000000110e-01, v13  }
0x2dc: {  	v21 =	vsel vm9, v3, v14;
	v15 =	vsel vm1, v14, v5;
	v17 =	vsel vm8, v14, v2;
	v13 =	vld [tilespmem:s12+$0x16000];
	[tilespmem:s5+$0x12080] =	vst v10;
	s5 =	smov.u32 s7;
	s7 =	smov.u32 s13  }
0x2dd: {  	vm0 =	vmmov vm5;
	v2 =	vmovc v20;
	v3 =	vmovc v16;
	v14 =	vld [tilespmem:s12+$0x1A000];
	v10 =	vadd.f32 v11, v18;
	[tilespmem:s6+$0xE000] =	vst v17;
	v5 =	vmov v19  }
0x2de: {  	vm1 =	veq.s32 v9, $0x0;
	v16 =	vmax.f32 v2, v3;
	v11 =	vld [tilespmem:s7+$0xE080];
	v17 =	vmax.f32 v5, v7;
	[tilespmem:s6+$0xE080] =	vst v21  }
0x2df: {  	v18 =	vld [tilespmem:s7+$0x12000]  }
0x2e0: {  	v19 =	vld [tilespmem:s7+$0x12080]  }
0x2e1: {  	v16 =	vsel vm1, v16, v17  }
0x2e2: {  	vm5 =	veq.s32 v6, $0x0;
	v20 =	vsel vm1, v2, v3;
	v16 =	vmul.f32 $8.000000110e-01, v16  }
0x2e3: {  	v46 =	vld [tilespmem:s10+$0x16000];
	v21 =	vsel vm1, v5, v7;
	v1 =	vsel vm3, v10, v1;
	v8 =	vsel vm4, v8, v10  }
0x2e4: {  	v47 =	vld [tilespmem:s10+$0x1A000];
	v4 =	vsel vm2, v10, v4;
	vm6 =	vne.s32 v13, $0x0;
	v14 =	vadd.f32 v16, v14  }
0x2e5: {  	v20 =	vsel vm6, v21, v20;
	v22 =	vmax.f32 v12, v11;
	v48 =	vmax.f32 v18, v19  }
0x2e6: {  	vm7 =	vne.s32 v9, $0x0;
	v20 =	vmul.f32 $2.000000030e-01, v20;
	v21 =	vsel vm5, v22, v48  }
0x2e7: {  	[tilespmem:s6+$0x12000] =	vst v15;
	v0 =	vsel vm0, v10, v0;
	v14 =	vmul.f32 $8.000000110e-01, v14;
	v21 =	vmul.f32 $8.000000110e-01, v21  }
0x2e8: {  	[tilespmem:s5+$0xE000] =	vst v1;
	v49 =	vor.u32 v13, v9;
	v50 =	vsel vm5, v12, v11;
	v51 =	vsel vm5, v18, v19  }
0x2e9: {  	[tilespmem:s5+$0xE080] =	vst v8;
	vm8 =	vne.s32 v46, $0x0;
	v52 =	vadd.f32 v14, v20;
	v53 =	vadd.f32 v21, v47  }
0x2ea: {  	[tilespmem:s5+$0x12000] =	vst v4;
	vm2 =	vmand vm6, vm7;
	vm9 =	veq.s32 v49, $0x0;
	v1 =	vsel vm8, v51, v50  }
0x2eb: {  	[tilespmem:s5+$0x12080] =	vst v0;
	v1 =	vmul.f32 $2.000000030e-01, v1;
	v54 =	vsel vm2, v52, v7;
	v55 =	vmul.f32 $8.000000110e-01, v53  }
0x2ec: {  	vm10 =	vmor vm6, vm1;
	vm11 =	vmand vm6, vm1;
	v57 =	vsel vm9, v52, v2;
	[tilespmem:s9+$0x12080] =	vst v54  }
0x2ed: {  	v56 =	vor.u32 v46, v6;
	v58 =	vsel vm10, v3, v52;
	[tilespmem:s9+$0xE000] =	vst v57;
	v1 =	vadd.f32 v55, v1  }
0x2ee: {  	vm12 =	veq.s32 v56, $0x0;
	v59 =	vsel vm11, v52, v5;
	[tilespmem:s9+$0xE080] =	vst v58  }
0x2ef: {  	vm13 =	vne.s32 v6, $0x0;
	vm14 =	vmor vm8, vm5;
	[tilespmem:s9+$0x12000] =	vst v59;
	v60 =	vsel vm12, v1, v12  }
0x2f0: {  	vm15 =	vmand vm8, vm5;
	vm1 =	vmand vm8, vm13;
	v61 =	vsel vm14, v11, v1;
	[tilespmem:s7+$0xE000] =	vst v60  }
0x2f1: {  	vm1 =	vmmov vm1;
	v62 =	vsel vm15, v1, v18;
	[tilespmem:s7+$0xE080] =	vst v61  }
0x2f2: {  	v63 =	vsel vm1, v1, v19;
	[tilespmem:s7+$0x12000] =	vst v62  }
0x2f3: {  	[tilespmem:s7+$0x12080] =	vst v63  }
0x2f4: {  	s5 =	sld [smem:$0x7FB];
	_ =	sdelay $0x1  }
0x2f5: {  	s15 =	sld [smem:$0x7FC]  }
0x2f6: {  	[hbm4b:s5+s1] =	stream.linear.scatter [tilespmem:s24], [sflag:$0xA], $0x2000, $0x38;
	[tilespmem:$0x1C000] =	vst v63  }
0x2f7: {  	_ = 	snop  }
0x2f8: {  	[hbm4b:s15+s1] =	stream.linear.scatter [tilespmem:s22], [sflag:$0xA], $0x2000, $0x38;
	[tilespmem:$0x1C000] =	vst v63  }
0x2f9: {  	_ =	swait.ge [sflag:s28], $0x2000  }
0x2fa: {  	[sflag:s28] =	ssyncset.done $0x0  }
0x2fb: {  	[sflag:s28] =	ssyncadd.s32 $0xFFFFE000  }
0x2fc: {  	_ =	swait.ge [sflag:s28], $0x2000  }
0x2fd: {  	[sflag:s28] =	ssyncset.done $0x0  }
0x2fe: {  	[sflag:s28] =	ssyncadd.s32 $0xFFFFE000  }
0x2ff: {  	_ =	swait.ge [sflag:s29], $0x2000  }
0x300: {  	[sflag:s29] =	ssyncset.done $0x0  }
0x301: {  	[sflag:s29] =	ssyncadd.s32 $0xFFFFE000  }
0x302: {  	_ =	swait.ge [sflag:s29], $0x2000  }
0x303: {  	[sflag:s29] =	ssyncset.done $0x0  }
0x304: {  	[sflag:s29] =	ssyncadd.s32 $0xFFFFE000  }
0x305: {  	_ =	swait.ge [sflag:s2], $0x2000  }
0x306: {  	[sflag:s2] =	ssyncset.done $0x0  }
0x307: {  	[sflag:s2] =	ssyncadd.s32 $0xFFFFE000  }
0x308: {  	_ =	swait.ge [sflag:s2], $0x2000  }
0x309: {  	[sflag:s2] =	ssyncset.done $0x0  }
0x30a: {  	[sflag:s2] =	ssyncadd.s32 $0xFFFFE000  }
0x30b: {  	_ =	swait.ge [sflag:s3], $0x2000  }
0x30c: {  	[sflag:s3] =	ssyncset.done $0x0  }
0x30d: {  	[sflag:s3] =	ssyncadd.s32 $0xFFFFE000  }
0x30e: {  	_ =	swait.ge [sflag:s3], $0x2000  }
0x30f: {  	s16 =	sld [smem:$0x7FD];
	_ =	sdelay $0x1  }
0x310: {  	s4 =	sadd.s32 $0x1, s4  }
0x311: {  	p0 =	sne.s32 s4, s16  }
.Ltmp8:
0x312: {  	_ = 	snop;
	(pc) =	sbr.rel @p0 .LBB2_1-.Ltmp8, $3  }
0x313: {  	_ =	sdelay $0x1  }
0x314: {  	[sflag:s3] =	ssyncset.done $0x0  }
0x315: {  	[sflag:s3] =	ssyncadd.s32 $0xFFFFE000  }
0x316: {  	_ =	sfence.sel $0x180000  }
0x317: {  	[bflag:$0x0] =	sbarrier.arrive $0xFFFF  }
0x318: {  	_ =	strace $0x90000047  }
0x319: {  	s0 =	stileid.u32;
	[bflag:$0x2] =	sbarrier.arrive $0xFFFF  }
0x31a: {  	p0 =	sne.s32 s0, $0x0;
	s0 =	rddreg [dreg:$0x5]  }
0x31b: {  	s0 =	sadd.s32 @!p0 $0x100000, s0  }
0x31c: {  	[sflag:s0] =	ssyncadd.tile.s32 @!p0 $0x1;
	_ =	shalt  }
.Lfunc_end2:
_tile_overlayer_lowered:
.L_overlay_start_2:
0x31d: {  	(tag) =	ssettag $0x2  }
0x31e: {  	s0 =	rddreg [dreg:$0x0];
	s2 =	stileid.u32  }
0x31f: {  	s1 =	rddreg [dreg:$0x1];
	p0 =	sne.s32 s2, $0x0  }
0x320: {  	s3 =	rddreg [dreg:$0x2];
	[bflag:$0x3] =	sbarrier.arrive $0xFFFF;
	s2 =	simm.s32 @!p0 $0x1C0B  }
0x321: {  	[timem:s3], [sflag:s2] =	dma.local @!p0 [hbm:s0], s1  }
0x322: {  	s0 =	simm.s32 @!p0 $0xB  }
0x323: {  	_ =	swait.ge @!p0 [sflag:s0], s1  }
0x324: {  	s1 =	ssub.s32 @!p0 $0x0, s1;
	[sflag:s0] =	ssyncset.done @!p0 $0x0  }
0x325: {  	[sflag:s0] =	ssyncadd.s32 @!p0 s1  }
0x326: {  	[bflag:$0x3] =	sbarrier.arrive $0xFFFF  }
0x327: {  	_ =	shalt  }

</sc_bundles>
